<compile_context>
chip_gen: v7x
topology: tpu7x:2x2x1
jax: 0.10.2.dev20260603
libtpu: 0.0.44.dev20260713+nightly
codegen_flags: <defaults>
</compile_context>

<pallas_src>
import functools

import jax
import jax.numpy as jnp
from jax import lax
from jax.experimental import pallas as pl
from jax.experimental.pallas import tpu as pltpu
from jax.experimental.pallas import tpu_sc as plsc

N_WORKERS = 32
CHUNK = 40
NBUF = 5
BE = 3200
NSEG = 2


def _sc_gather_concat(atom_features, idx0, idx1, prev=None):
    E = idx0.shape[0]
    D = atom_features.shape[1]
    dt = atom_features.dtype
    per_w = E // N_WORKERS
    n_chunks = per_w // CHUNK
    assert n_chunks % NBUF == 0
    n_outer = n_chunks // NBUF
    mesh = plsc.VectorSubcoreMesh(core_axis_name="c", subcore_axis_name="s")

    def body(atom_hbm, idx0_hbm, idx1_hbm, *rest):
        if prev is None:
            out_hbm, idx_v, rows_v, *sems = rest
        else:
            _prev_hbm, out_hbm, idx_v, rows_v, *sems = rest
        sem_i = sems[:2 * NBUF]
        sem_g = sems[2 * NBUF:4 * NBUF]
        sem_s = sems[4 * NBUF:]
        cid = lax.axis_index("c")
        sid = lax.axis_index("s")
        wid = sid * 2 + cid
        base_w = wid * per_w

        def step(k, carry):
            base0 = base_w + k * NBUF * CHUNK
            idx_srcs = []
            for b in range(NBUF):
                for h, idx_hbm in enumerate((idx0_hbm, idx1_hbm)):
                    src = idx_hbm.at[pl.ds(base0 + b * CHUNK, CHUNK)]
                    idx_srcs.append(src)
                    pltpu.async_copy(src, idx_v.at[2 * b + h], sem_i[2 * b + h])
            gathers = []
            for u in range(2 * NBUF):
                pltpu.make_async_copy(idx_srcs[u], idx_v.at[u], sem_i[u]).wait()
                gathers.append(
                    pltpu.async_copy(atom_hbm.at[idx_v.at[u]], rows_v.at[u],
                                     sem_g[u]))
            stores = []
            for b in range(NBUF):
                for h in range(2):
                    u = 2 * b + h
                    gathers[u].wait()
                    stores.append(
                        pltpu.async_copy(
                            rows_v.at[u],
                            out_hbm.at[pl.ds(base0 + b * CHUNK, CHUNK),
                                       pl.ds(h * D, D)],
                            sem_s[u]))
            for st in stores:
                st.wait()
            return carry

        lax.fori_loop(0, n_outer, step, 0)

    k = pl.kernel(
        body,
        out_type=jax.ShapeDtypeStruct((E, 2 * D), dt),
        mesh=mesh,
        scratch_types=(
            [pltpu.VMEM((2 * NBUF, CHUNK), jnp.int32),
             pltpu.VMEM((2 * NBUF, CHUNK, D), dt)]
            + [pltpu.SemaphoreType.DMA] * (6 * NBUF)
        ),
    )
    if prev is None:
        return k(atom_features, idx0, idx1)
    return k(atom_features, idx0, idx1, prev)


def _tc_mlp_body(x_ref, bd_ref, wab, wc, b1r, w2, b2r, g2w, gb2r,
                 *rest):
    o_ref = rest[-1]
    x = x_ref[...].astype(jnp.bfloat16)
    bd = bd_ref[...].astype(jnp.bfloat16)
    t = (jnp.dot(x, wab[...], preferred_element_type=jnp.float32)
         + jnp.dot(bd, wc[...], preferred_element_type=jnp.float32)
         + b1r[...])
    act = t + t * jnp.tanh(t)
    dh = act.shape[1] // 2
    h = act[:, :dh].astype(jnp.bfloat16)
    g = act[:, dh:].astype(jnp.bfloat16)
    t2 = jnp.dot(h, w2[...], preferred_element_type=jnp.float32) + b2r[...]
    h2 = t2 + t2 * jnp.tanh(t2)
    tg = jnp.dot(g, g2w[...], preferred_element_type=jnp.float32) + gb2r[...]
    o_ref[...] = 0.5 * (h2 + h2 * jnp.tanh(tg))


def _tc_mlp_segment(x_seg, bond, prev_out, block_off, weights):
    Wab, Wc, b1g, W2h, b2h, G2h, gb2h = weights
    E = bond.shape[0]
    DX = x_seg.shape[1]
    DE = bond.shape[1]
    DH2 = Wab.shape[1]
    DH = W2h.shape[0]
    DO = W2h.shape[1]
    nb_seg = x_seg.shape[0] // BE

    def full(shape):
        return pl.BlockSpec(shape, lambda i: (0, 0))

    in_specs = [
        pl.BlockSpec((BE, DX), lambda i: (i, 0)),
        pl.BlockSpec((BE, DE), lambda i: (i + block_off, 0)),
        full((DX, DH2)), full((DE, DH2)), full((1, DH2)),
        full((DH, DO)), full((1, DO)),
        full((DH, DO)), full((1, DO)),
    ]
    args = [x_seg, bond, Wab, Wc, b1g, W2h, b2h, G2h, gb2h]
    aliases = {}
    if prev_out is not None:
        in_specs.append(pl.BlockSpec(memory_space=pl.ANY))
        args.append(prev_out)
        aliases = {9: 0}
    return pl.pallas_call(
        _tc_mlp_body,
        grid=(nb_seg,),
        in_specs=in_specs,
        out_specs=pl.BlockSpec((BE, DO), lambda i: (i + block_off, 0)),
        out_shape=jax.ShapeDtypeStruct((E, DO), jnp.float32),
        input_output_aliases=aliases,
    )(*args)


def kernel(atom_features, bond_features, bond_atom_indices,
           W1, b1, W2, b2, G1, gb1, G2, gb2):
    D = atom_features.shape[1]
    E = bond_features.shape[0]
    seg = E // NSEG
    idx0 = bond_atom_indices[:, 0]
    idx1 = bond_atom_indices[:, 1]
    bf = jnp.bfloat16
    weights = (
        (0.5 * jnp.concatenate([W1[:2 * D], G1[:2 * D]], axis=1)).astype(bf),
        (0.5 * jnp.concatenate([W1[2 * D:], G1[2 * D:]], axis=1)).astype(bf),
        0.5 * jnp.concatenate([b1, gb1])[None, :],
        (0.5 * W2).astype(bf), 0.5 * b2[None, :],
        (0.5 * G2).astype(bf), 0.5 * gb2[None, :],
    )
    xs = []
    for k in range(NSEG):
        xs.append(_sc_gather_concat(atom_features,
                                    idx0[k * seg:(k + 1) * seg],
                                    idx1[k * seg:(k + 1) * seg],
                                    prev=xs[-1][:8] if xs else None))
    out = None
    for k in range(NSEG):
        out = _tc_mlp_segment(xs[k], bond_features, out,
                              k * (seg // BE), weights)
    return out

# --- scband reference (transcript-rebuilt; emitter-appended) ---
"""Pipeline reference for scband-concat-atoms-39891656245703 (READ-ONLY COPY).

The authoritative reference and input builder live on the scoring server;
editing this copy changes nothing except your own understanding.
"""

import jax, jax.numpy as jnp
import numpy as np

N_NODES = 10000
N_EDGES = 320000
D_FEAT = 128
D_EDGE = 16
NEURONS = [272, 256, 128]


def setup_inputs(seed: int = 0) -> dict:
    key = jax.random.key(seed)
    ks = jax.random.split(key, 12)
    atom_features = jax.random.normal(ks[0], (N_NODES, D_FEAT), dtype=jnp.float32)
    bond_features = jax.random.normal(ks[1], (N_EDGES, D_EDGE), dtype=jnp.float32)
    bond_atom_indices = jax.random.randint(ks[2], (N_EDGES, 2), 0, N_NODES, dtype=jnp.int32)
    d_in, d_h, d_out = NEURONS
    s1 = 1.0 / np.sqrt(d_in)
    s2 = 1.0 / np.sqrt(d_h)
    W1 = jax.random.normal(ks[3], (d_in, d_h), dtype=jnp.float32) * s1
    b1 = jnp.zeros((d_h,), dtype=jnp.float32)
    W2 = jax.random.normal(ks[4], (d_h, d_out), dtype=jnp.float32) * s2
    b2 = jnp.zeros((d_out,), dtype=jnp.float32)
    G1 = jax.random.normal(ks[5], (d_in, d_h), dtype=jnp.float32) * s1
    gb1 = jnp.zeros((d_h,), dtype=jnp.float32)
    G2 = jax.random.normal(ks[6], (d_h, d_out), dtype=jnp.float32) * s2
    gb2 = jnp.zeros((d_out,), dtype=jnp.float32)
    return {
        "atom_features": atom_features,
        "bond_features": bond_features,
        "bond_atom_indices": bond_atom_indices,
        "W1": W1, "b1": b1, "W2": W2, "b2": b2,
        "G1": G1, "gb1": gb1, "G2": G2, "gb2": gb2,
    }


def reference(atom_features, bond_features, bond_atom_indices, W1, b1, W2, b2, G1, gb1, G2, gb2):
    # gather sender / receiver atom features along edges
    sender_atoms = jnp.take(atom_features, bond_atom_indices[:, 0], axis=0)
    receiver_atoms = jnp.take(atom_features, bond_atom_indices[:, 1], axis=0)
    concatenated = jnp.concatenate([sender_atoms, receiver_atoms, bond_features], axis=-1)
    # GatedMLP: main branch (SiLU activations) * gate branch (SiLU hidden, sigmoid output)
    h = jax.nn.silu(concatenated @ W1 + b1)
    h = jax.nn.silu(h @ W2 + b2)
    g = jax.nn.silu(concatenated @ G1 + gb1)
    g = jax.nn.sigmoid(g @ G2 + gb2)
    return h * g

if __name__ == "__main__":
    import jax
    _d = setup_inputs()
    print(jax.jit(kernel)(*tuple(_d.values())))

</pallas_src>

<mosaic_0001>
#map = affine_map<(d0, d1) -> (0, 0)>
#map1 = affine_map<(d0, d1) -> (0)>
module attributes {stable_mosaic.version = 14 : i64} {
  func.func @body(%arg0: i32, %arg1: i32, %arg2: memref<10000x128xf32, #tpu.memory_space<hbm>>, %arg3: memref<160000xi32, #tpu.memory_space<hbm>>, %arg4: memref<160000xi32, #tpu.memory_space<hbm>>, %arg5: memref<8x256xf32, #tpu.memory_space<hbm>>, %arg6: memref<160000x256xf32, #tpu.memory_space<hbm>>, %arg7: memref<10x40xi32, #tpu.memory_space<vmem>>, %arg8: memref<10x40x128xf32, #tpu.memory_space<vmem>>, %arg9: memref<!tpu.dma_semaphore, #tpu.memory_space<semaphore_mem>>, %arg10: memref<!tpu.dma_semaphore, #tpu.memory_space<semaphore_mem>>, %arg11: memref<!tpu.dma_semaphore, #tpu.memory_space<semaphore_mem>>, %arg12: memref<!tpu.dma_semaphore, #tpu.memory_space<semaphore_mem>>, %arg13: memref<!tpu.dma_semaphore, #tpu.memory_space<semaphore_mem>>, %arg14: memref<!tpu.dma_semaphore, #tpu.memory_space<semaphore_mem>>, %arg15: memref<!tpu.dma_semaphore, #tpu.memory_space<semaphore_mem>>, %arg16: memref<!tpu.dma_semaphore, #tpu.memory_space<semaphore_mem>>, %arg17: memref<!tpu.dma_semaphore, #tpu.memory_space<semaphore_mem>>, %arg18: memref<!tpu.dma_semaphore, #tpu.memory_space<semaphore_mem>>, %arg19: memref<!tpu.dma_semaphore, #tpu.memory_space<semaphore_mem>>, %arg20: memref<!tpu.dma_semaphore, #tpu.memory_space<semaphore_mem>>, %arg21: memref<!tpu.dma_semaphore, #tpu.memory_space<semaphore_mem>>, %arg22: memref<!tpu.dma_semaphore, #tpu.memory_space<semaphore_mem>>, %arg23: memref<!tpu.dma_semaphore, #tpu.memory_space<semaphore_mem>>, %arg24: memref<!tpu.dma_semaphore, #tpu.memory_space<semaphore_mem>>, %arg25: memref<!tpu.dma_semaphore, #tpu.memory_space<semaphore_mem>>, %arg26: memref<!tpu.dma_semaphore, #tpu.memory_space<semaphore_mem>>, %arg27: memref<!tpu.dma_semaphore, #tpu.memory_space<semaphore_mem>>, %arg28: memref<!tpu.dma_semaphore, #tpu.memory_space<semaphore_mem>>, %arg29: memref<!tpu.dma_semaphore, #tpu.memory_space<semaphore_mem>>, %arg30: memref<!tpu.dma_semaphore, #tpu.memory_space<semaphore_mem>>, %arg31: memref<!tpu.dma_semaphore, #tpu.memory_space<semaphore_mem>>, %arg32: memref<!tpu.dma_semaphore, #tpu.memory_space<semaphore_mem>>, %arg33: memref<!tpu.dma_semaphore, #tpu.memory_space<semaphore_mem>>, %arg34: memref<!tpu.dma_semaphore, #tpu.memory_space<semaphore_mem>>, %arg35: memref<!tpu.dma_semaphore, #tpu.memory_space<semaphore_mem>>, %arg36: memref<!tpu.dma_semaphore, #tpu.memory_space<semaphore_mem>>, %arg37: memref<!tpu.dma_semaphore, #tpu.memory_space<semaphore_mem>>, %arg38: memref<!tpu.dma_semaphore, #tpu.memory_space<semaphore_mem>>) attributes {dimension_semantics = [#tpu.dimension_semantics<core_parallel>, #tpu.dimension_semantics<subcore_parallel>], iteration_bounds = array<i64: 2, 16>, scalar_prefetch = 0 : i64, scratch_operands = 32 : i64, tpu.core_type = #tpu.core_type<sc_vector_subcore>, window_params = [{transform_indices = #map}, {transform_indices = #map1}, {transform_indices = #map1}, {transform_indices = #map}, {transform_indices = #map}]} {
    %mul3A = arith.constant 2 : i32
    %mul3A_0 = arith.muli %arg1, %mul3A : i32
    %add3A = arith.addi %mul3A_0, %arg0 : i32
    %mul3A_1 = arith.constant 5000 : i32
    %mul3A_2 = arith.muli %add3A, %mul3A_1 : i32
    %scan3A = arith.constant 0 : i32
    %scan3A_3 = arith.constant 0 : i32
    %scan3A_4 = arith.constant 25 : i32
    %scan3A_5 = arith.addi %scan3A_3, %scan3A_4 : i32
    %scan3A_6 = arith.constant 1 : i32
    scf.for %scan3A_8 = %scan3A_3 to %scan3A_5 step %scan3A_6  : i32 {
      %mul3A_9 = arith.constant 5 : i32
      %mul3A_10 = arith.muli %scan3A_8, %mul3A_9 : i32
      %mul3A_11 = arith.constant 40 : i32
      %mul3A_12 = arith.muli %mul3A_10, %mul3A_11 : i32
      %add3A_13 = arith.addi %mul3A_2, %mul3A_12 : i32
      %add3A_14 = arith.constant 0 : i32
      %add3A_15 = arith.addi %add3A_13, %add3A_14 : i32
      %dma_start3A = arith.constant 0 : i32
      %dma_start3A_16 = arith.constant 0 : i32
      %dma_start3A_17 = tpu.memref_slice %arg7[%dma_start3A, %dma_start3A_16] : memref<10x40xi32, #tpu.memory_space<vmem>> -> memref<1x40xi32, #tpu.memory_space<vmem>>
      %dma_start3A_18 = tpu.memref_squeeze %dma_start3A_17 : memref<1x40xi32, #tpu.memory_space<vmem>> -> memref<40xi32, #tpu.memory_space<vmem>>
      %dma_start3A_19 = tpu.memref_slice %arg3[%add3A_15] : memref<160000xi32, #tpu.memory_space<hbm>> -> memref<40xi32, #tpu.memory_space<hbm>>
      %dma_start3A_20 = arith.constant 0 : i32
      %dma_start3A_21 = tpu.memref_slice %arg7[%dma_start3A, %dma_start3A_20] : memref<10x40xi32, #tpu.memory_space<vmem>> -> memref<1x40xi32, #tpu.memory_space<vmem>>
      %dma_start3A_22 = tpu.memref_squeeze %dma_start3A_21 : memref<1x40xi32, #tpu.memory_space<vmem>> -> memref<40xi32, #tpu.memory_space<vmem>>
      %dma_start3A_23 = tpu.memref_slice %arg3[%add3A_15] : memref<160000xi32, #tpu.memory_space<hbm>> -> memref<40xi32, #tpu.memory_space<hbm>>
      tpu.enqueue_dma source(%dma_start3A_23 : memref<40xi32, #tpu.memory_space<hbm>>) target(%dma_start3A_22 : memref<40xi32, #tpu.memory_space<vmem>>) target_semaphore(%arg9 : memref<!tpu.dma_semaphore, #tpu.memory_space<semaphore_mem>>)
      %add3A_24 = arith.constant 0 : i32
      %add3A_25 = arith.addi %add3A_13, %add3A_24 : i32
      %dma_start3A_26 = arith.constant 1 : i32
      %dma_start3A_27 = arith.constant 0 : i32
      %dma_start3A_28 = tpu.memref_slice %arg7[%dma_start3A_26, %dma_start3A_27] : memref<10x40xi32, #tpu.memory_space<vmem>> -> memref<1x40xi32, #tpu.memory_space<vmem>>
      %dma_start3A_29 = tpu.memref_squeeze %dma_start3A_28 : memref<1x40xi32, #tpu.memory_space<vmem>> -> memref<40xi32, #tpu.memory_space<vmem>>
      %dma_start3A_30 = tpu.memref_slice %arg4[%add3A_25] : memref<160000xi32, #tpu.memory_space<hbm>> -> memref<40xi32, #tpu.memory_space<hbm>>
      %dma_start3A_31 = arith.constant 0 : i32
      %dma_start3A_32 = tpu.memref_slice %arg7[%dma_start3A_26, %dma_start3A_31] : memref<10x40xi32, #tpu.memory_space<vmem>> -> memref<1x40xi32, #tpu.memory_space<vmem>>
      %dma_start3A_33 = tpu.memref_squeeze %dma_start3A_32 : memref<1x40xi32, #tpu.memory_space<vmem>> -> memref<40xi32, #tpu.memory_space<vmem>>
      %dma_start3A_34 = tpu.memref_slice %arg4[%add3A_25] : memref<160000xi32, #tpu.memory_space<hbm>> -> memref<40xi32, #tpu.memory_space<hbm>>
      tpu.enqueue_dma source(%dma_start3A_34 : memref<40xi32, #tpu.memory_space<hbm>>) target(%dma_start3A_33 : memref<40xi32, #tpu.memory_space<vmem>>) target_semaphore(%arg10 : memref<!tpu.dma_semaphore, #tpu.memory_space<semaphore_mem>>)
      %add3A_35 = arith.constant 40 : i32
      %add3A_36 = arith.addi %add3A_13, %add3A_35 : i32
      %dma_start3A_37 = arith.constant 2 : i32
      %dma_start3A_38 = arith.constant 0 : i32
      %dma_start3A_39 = tpu.memref_slice %arg7[%dma_start3A_37, %dma_start3A_38] : memref<10x40xi32, #tpu.memory_space<vmem>> -> memref<1x40xi32, #tpu.memory_space<vmem>>
      %dma_start3A_40 = tpu.memref_squeeze %dma_start3A_39 : memref<1x40xi32, #tpu.memory_space<vmem>> -> memref<40xi32, #tpu.memory_space<vmem>>
      %dma_start3A_41 = tpu.memref_slice %arg3[%add3A_36] : memref<160000xi32, #tpu.memory_space<hbm>> -> memref<40xi32, #tpu.memory_space<hbm>>
      %dma_start3A_42 = arith.constant 0 : i32
      %dma_start3A_43 = tpu.memref_slice %arg7[%dma_start3A_37, %dma_start3A_42] : memref<10x40xi32, #tpu.memory_space<vmem>> -> memref<1x40xi32, #tpu.memory_space<vmem>>
      %dma_start3A_44 = tpu.memref_squeeze %dma_start3A_43 : memref<1x40xi32, #tpu.memory_space<vmem>> -> memref<40xi32, #tpu.memory_space<vmem>>
      %dma_start3A_45 = tpu.memref_slice %arg3[%add3A_36] : memref<160000xi32, #tpu.memory_space<hbm>> -> memref<40xi32, #tpu.memory_space<hbm>>
      tpu.enqueue_dma source(%dma_start3A_45 : memref<40xi32, #tpu.memory_space<hbm>>) target(%dma_start3A_44 : memref<40xi32, #tpu.memory_space<vmem>>) target_semaphore(%arg11 : memref<!tpu.dma_semaphore, #tpu.memory_space<semaphore_mem>>)
      %add3A_46 = arith.constant 40 : i32
      %add3A_47 = arith.addi %add3A_13, %add3A_46 : i32
      %dma_start3A_48 = arith.constant 3 : i32
      %dma_start3A_49 = arith.constant 0 : i32
      %dma_start3A_50 = tpu.memref_slice %arg7[%dma_start3A_48, %dma_start3A_49] : memref<10x40xi32, #tpu.memory_space<vmem>> -> memref<1x40xi32, #tpu.memory_space<vmem>>
      %dma_start3A_51 = tpu.memref_squeeze %dma_start3A_50 : memref<1x40xi32, #tpu.memory_space<vmem>> -> memref<40xi32, #tpu.memory_space<vmem>>
      %dma_start3A_52 = tpu.memref_slice %arg4[%add3A_47] : memref<160000xi32, #tpu.memory_space<hbm>> -> memref<40xi32, #tpu.memory_space<hbm>>
      %dma_start3A_53 = arith.constant 0 : i32
      %dma_start3A_54 = tpu.memref_slice %arg7[%dma_start3A_48, %dma_start3A_53] : memref<10x40xi32, #tpu.memory_space<vmem>> -> memref<1x40xi32, #tpu.memory_space<vmem>>
      %dma_start3A_55 = tpu.memref_squeeze %dma_start3A_54 : memref<1x40xi32, #tpu.memory_space<vmem>> -> memref<40xi32, #tpu.memory_space<vmem>>
      %dma_start3A_56 = tpu.memref_slice %arg4[%add3A_47] : memref<160000xi32, #tpu.memory_space<hbm>> -> memref<40xi32, #tpu.memory_space<hbm>>
      tpu.enqueue_dma source(%dma_start3A_56 : memref<40xi32, #tpu.memory_space<hbm>>) target(%dma_start3A_55 : memref<40xi32, #tpu.memory_space<vmem>>) target_semaphore(%arg12 : memref<!tpu.dma_semaphore, #tpu.memory_space<semaphore_mem>>)
      %add3A_57 = arith.constant 80 : i32
      %add3A_58 = arith.addi %add3A_13, %add3A_57 : i32
      %dma_start3A_59 = arith.constant 4 : i32
      %dma_start3A_60 = arith.constant 0 : i32
      %dma_start3A_61 = tpu.memref_slice %arg7[%dma_start3A_59, %dma_start3A_60] : memref<10x40xi32, #tpu.memory_space<vmem>> -> memref<1x40xi32, #tpu.memory_space<vmem>>
      %dma_start3A_62 = tpu.memref_squeeze %dma_start3A_61 : memref<1x40xi32, #tpu.memory_space<vmem>> -> memref<40xi32, #tpu.memory_space<vmem>>
      %dma_start3A_63 = tpu.memref_slice %arg3[%add3A_58] : memref<160000xi32, #tpu.memory_space<hbm>> -> memref<40xi32, #tpu.memory_space<hbm>>
      %dma_start3A_64 = arith.constant 0 : i32
      %dma_start3A_65 = tpu.memref_slice %arg7[%dma_start3A_59, %dma_start3A_64] : memref<10x40xi32, #tpu.memory_space<vmem>> -> memref<1x40xi32, #tpu.memory_space<vmem>>
      %dma_start3A_66 = tpu.memref_squeeze %dma_start3A_65 : memref<1x40xi32, #tpu.memory_space<vmem>> -> memref<40xi32, #tpu.memory_space<vmem>>
      %dma_start3A_67 = tpu.memref_slice %arg3[%add3A_58] : memref<160000xi32, #tpu.memory_space<hbm>> -> memref<40xi32, #tpu.memory_space<hbm>>
      tpu.enqueue_dma source(%dma_start3A_67 : memref<40xi32, #tpu.memory_space<hbm>>) target(%dma_start3A_66 : memref<40xi32, #tpu.memory_space<vmem>>) target_semaphore(%arg13 : memref<!tpu.dma_semaphore, #tpu.memory_space<semaphore_mem>>)
      %add3A_68 = arith.constant 80 : i32
      %add3A_69 = arith.addi %add3A_13, %add3A_68 : i32
      %dma_start3A_70 = arith.constant 5 : i32
      %dma_start3A_71 = arith.constant 0 : i32
      %dma_start3A_72 = tpu.memref_slice %arg7[%dma_start3A_70, %dma_start3A_71] : memref<10x40xi32, #tpu.memory_space<vmem>> -> memref<1x40xi32, #tpu.memory_space<vmem>>
      %dma_start3A_73 = tpu.memref_squeeze %dma_start3A_72 : memref<1x40xi32, #tpu.memory_space<vmem>> -> memref<40xi32, #tpu.memory_space<vmem>>
      %dma_start3A_74 = tpu.memref_slice %arg4[%add3A_69] : memref<160000xi32, #tpu.memory_space<hbm>> -> memref<40xi32, #tpu.memory_space<hbm>>
      %dma_start3A_75 = arith.constant 0 : i32
      %dma_start3A_76 = tpu.memref_slice %arg7[%dma_start3A_70, %dma_start3A_75] : memref<10x40xi32, #tpu.memory_space<vmem>> -> memref<1x40xi32, #tpu.memory_space<vmem>>
      %dma_start3A_77 = tpu.memref_squeeze %dma_start3A_76 : memref<1x40xi32, #tpu.memory_space<vmem>> -> memref<40xi32, #tpu.memory_space<vmem>>
      %dma_start3A_78 = tpu.memref_slice %arg4[%add3A_69] : memref<160000xi32, #tpu.memory_space<hbm>> -> memref<40xi32, #tpu.memory_space<hbm>>
      tpu.enqueue_dma source(%dma_start3A_78 : memref<40xi32, #tpu.memory_space<hbm>>) target(%dma_start3A_77 : memref<40xi32, #tpu.memory_space<vmem>>) target_semaphore(%arg14 : memref<!tpu.dma_semaphore, #tpu.memory_space<semaphore_mem>>)
      %add3A_79 = arith.constant 120 : i32
      %add3A_80 = arith.addi %add3A_13, %add3A_79 : i32
      %dma_start3A_81 = arith.constant 6 : i32
      %dma_start3A_82 = arith.constant 0 : i32
      %dma_start3A_83 = tpu.memref_slice %arg7[%dma_start3A_81, %dma_start3A_82] : memref<10x40xi32, #tpu.memory_space<vmem>> -> memref<1x40xi32, #tpu.memory_space<vmem>>
      %dma_start3A_84 = tpu.memref_squeeze %dma_start3A_83 : memref<1x40xi32, #tpu.memory_space<vmem>> -> memref<40xi32, #tpu.memory_space<vmem>>
      %dma_start3A_85 = tpu.memref_slice %arg3[%add3A_80] : memref<160000xi32, #tpu.memory_space<hbm>> -> memref<40xi32, #tpu.memory_space<hbm>>
      %dma_start3A_86 = arith.constant 0 : i32
      %dma_start3A_87 = tpu.memref_slice %arg7[%dma_start3A_81, %dma_start3A_86] : memref<10x40xi32, #tpu.memory_space<vmem>> -> memref<1x40xi32, #tpu.memory_space<vmem>>
      %dma_start3A_88 = tpu.memref_squeeze %dma_start3A_87 : memref<1x40xi32, #tpu.memory_space<vmem>> -> memref<40xi32, #tpu.memory_space<vmem>>
      %dma_start3A_89 = tpu.memref_slice %arg3[%add3A_80] : memref<160000xi32, #tpu.memory_space<hbm>> -> memref<40xi32, #tpu.memory_space<hbm>>
      tpu.enqueue_dma source(%dma_start3A_89 : memref<40xi32, #tpu.memory_space<hbm>>) target(%dma_start3A_88 : memref<40xi32, #tpu.memory_space<vmem>>) target_semaphore(%arg15 : memref<!tpu.dma_semaphore, #tpu.memory_space<semaphore_mem>>)
      %add3A_90 = arith.constant 120 : i32
      %add3A_91 = arith.addi %add3A_13, %add3A_90 : i32
      %dma_start3A_92 = arith.constant 7 : i32
      %dma_start3A_93 = arith.constant 0 : i32
      %dma_start3A_94 = tpu.memref_slice %arg7[%dma_start3A_92, %dma_start3A_93] : memref<10x40xi32, #tpu.memory_space<vmem>> -> memref<1x40xi32, #tpu.memory_space<vmem>>
      %dma_start3A_95 = tpu.memref_squeeze %dma_start3A_94 : memref<1x40xi32, #tpu.memory_space<vmem>> -> memref<40xi32, #tpu.memory_space<vmem>>
      %dma_start3A_96 = tpu.memref_slice %arg4[%add3A_91] : memref<160000xi32, #tpu.memory_space<hbm>> -> memref<40xi32, #tpu.memory_space<hbm>>
      %dma_start3A_97 = arith.constant 0 : i32
      %dma_start3A_98 = tpu.memref_slice %arg7[%dma_start3A_92, %dma_start3A_97] : memref<10x40xi32, #tpu.memory_space<vmem>> -> memref<1x40xi32, #tpu.memory_space<vmem>>
      %dma_start3A_99 = tpu.memref_squeeze %dma_start3A_98 : memref<1x40xi32, #tpu.memory_space<vmem>> -> memref<40xi32, #tpu.memory_space<vmem>>
      %dma_start3A_100 = tpu.memref_slice %arg4[%add3A_91] : memref<160000xi32, #tpu.memory_space<hbm>> -> memref<40xi32, #tpu.memory_space<hbm>>
      tpu.enqueue_dma source(%dma_start3A_100 : memref<40xi32, #tpu.memory_space<hbm>>) target(%dma_start3A_99 : memref<40xi32, #tpu.memory_space<vmem>>) target_semaphore(%arg16 : memref<!tpu.dma_semaphore, #tpu.memory_space<semaphore_mem>>)
      %add3A_101 = arith.constant 160 : i32
      %add3A_102 = arith.addi %add3A_13, %add3A_101 : i32
      %dma_start3A_103 = arith.constant 8 : i32
      %dma_start3A_104 = arith.constant 0 : i32
      %dma_start3A_105 = tpu.memref_slice %arg7[%dma_start3A_103, %dma_start3A_104] : memref<10x40xi32, #tpu.memory_space<vmem>> -> memref<1x40xi32, #tpu.memory_space<vmem>>
      %dma_start3A_106 = tpu.memref_squeeze %dma_start3A_105 : memref<1x40xi32, #tpu.memory_space<vmem>> -> memref<40xi32, #tpu.memory_space<vmem>>
      %dma_start3A_107 = tpu.memref_slice %arg3[%add3A_102] : memref<160000xi32, #tpu.memory_space<hbm>> -> memref<40xi32, #tpu.memory_space<hbm>>
      %dma_start3A_108 = arith.constant 0 : i32
      %dma_start3A_109 = tpu.memref_slice %arg7[%dma_start3A_103, %dma_start3A_108] : memref<10x40xi32, #tpu.memory_space<vmem>> -> memref<1x40xi32, #tpu.memory_space<vmem>>
      %dma_start3A_110 = tpu.memref_squeeze %dma_start3A_109 : memref<1x40xi32, #tpu.memory_space<vmem>> -> memref<40xi32, #tpu.memory_space<vmem>>
      %dma_start3A_111 = tpu.memref_slice %arg3[%add3A_102] : memref<160000xi32, #tpu.memory_space<hbm>> -> memref<40xi32, #tpu.memory_space<hbm>>
      tpu.enqueue_dma source(%dma_start3A_111 : memref<40xi32, #tpu.memory_space<hbm>>) target(%dma_start3A_110 : memref<40xi32, #tpu.memory_space<vmem>>) target_semaphore(%arg17 : memref<!tpu.dma_semaphore, #tpu.memory_space<semaphore_mem>>)
      %add3A_112 = arith.constant 160 : i32
      %add3A_113 = arith.addi %add3A_13, %add3A_112 : i32
      %dma_start3A_114 = arith.constant 9 : i32
      %dma_start3A_115 = arith.constant 0 : i32
      %dma_start3A_116 = tpu.memref_slice %arg7[%dma_start3A_114, %dma_start3A_115] : memref<10x40xi32, #tpu.memory_space<vmem>> -> memref<1x40xi32, #tpu.memory_space<vmem>>
      %dma_start3A_117 = tpu.memref_squeeze %dma_start3A_116 : memref<1x40xi32, #tpu.memory_space<vmem>> -> memref<40xi32, #tpu.memory_space<vmem>>
      %dma_start3A_118 = tpu.memref_slice %arg4[%add3A_113] : memref<160000xi32, #tpu.memory_space<hbm>> -> memref<40xi32, #tpu.memory_space<hbm>>
      %dma_start3A_119 = arith.constant 0 : i32
      %dma_start3A_120 = tpu.memref_slice %arg7[%dma_start3A_114, %dma_start3A_119] : memref<10x40xi32, #tpu.memory_space<vmem>> -> memref<1x40xi32, #tpu.memory_space<vmem>>
      %dma_start3A_121 = tpu.memref_squeeze %dma_start3A_120 : memref<1x40xi32, #tpu.memory_space<vmem>> -> memref<40xi32, #tpu.memory_space<vmem>>
      %dma_start3A_122 = tpu.memref_slice %arg4[%add3A_113] : memref<160000xi32, #tpu.memory_space<hbm>> -> memref<40xi32, #tpu.memory_space<hbm>>
      tpu.enqueue_dma source(%dma_start3A_122 : memref<40xi32, #tpu.memory_space<hbm>>) target(%dma_start3A_121 : memref<40xi32, #tpu.memory_space<vmem>>) target_semaphore(%arg18 : memref<!tpu.dma_semaphore, #tpu.memory_space<semaphore_mem>>)
      %dma_wait3A = arith.constant 0 : i32
      %dma_wait3A_123 = arith.constant 0 : i32
      %dma_wait3A_124 = tpu.memref_slice %arg7[%dma_wait3A, %dma_wait3A_123] : memref<10x40xi32, #tpu.memory_space<vmem>> -> memref<1x40xi32, #tpu.memory_space<vmem>>
      %dma_wait3A_125 = tpu.memref_squeeze %dma_wait3A_124 : memref<1x40xi32, #tpu.memory_space<vmem>> -> memref<40xi32, #tpu.memory_space<vmem>>
      %dma_wait3A_126 = tpu.memref_slice %arg3[%add3A_15] : memref<160000xi32, #tpu.memory_space<hbm>> -> memref<40xi32, #tpu.memory_space<hbm>>
      %dma_wait3A_127 = arith.constant 0 : i32
      %dma_wait3A_128 = tpu.memref_slice %arg7[%dma_wait3A, %dma_wait3A_127] : memref<10x40xi32, #tpu.memory_space<vmem>> -> memref<1x40xi32, #tpu.memory_space<vmem>>
      %dma_wait3A_129 = tpu.memref_squeeze %dma_wait3A_128 : memref<1x40xi32, #tpu.memory_space<vmem>> -> memref<40xi32, #tpu.memory_space<vmem>>
      %dma_wait3A_130 = tpu.memref_slice %arg3[%add3A_15] : memref<160000xi32, #tpu.memory_space<hbm>> -> memref<40xi32, #tpu.memory_space<hbm>>
      tpu.wait_dma2 semaphore(%arg9 : memref<!tpu.dma_semaphore, #tpu.memory_space<semaphore_mem>>) src(%dma_wait3A_130 : memref<40xi32, #tpu.memory_space<hbm>>) dst(%dma_wait3A_129 : memref<40xi32, #tpu.memory_space<vmem>>)
      %dma_start3A_131 = arith.constant 0 : i32
      %dma_start3A_132 = arith.constant 0 : i32
      %dma_start3A_133 = arith.constant 0 : i32
      %dma_start3A_134 = arith.constant 0 : i32
      %dma_start3A_135 = tpu.memref_slice %arg8[%dma_start3A_132, %dma_start3A_133, %dma_start3A_134] : memref<10x40x128xf32, #tpu.memory_space<vmem>> -> memref<1x40x128xf32, #tpu.memory_space<vmem>>
      %dma_start3A_136 = tpu.memref_squeeze %dma_start3A_135 : memref<1x40x128xf32, #tpu.memory_space<vmem>> -> memref<40x128xf32, #tpu.memory_space<vmem>>
      %dma_start3A_137 = arith.constant 0 : i32
      %dma_start3A_138 = tpu.memref_slice %arg7[%dma_start3A_131, %dma_start3A_137] : memref<10x40xi32, #tpu.memory_space<vmem>> -> memref<1x40xi32, #tpu.memory_space<vmem>>
      %dma_start3A_139 = tpu.memref_squeeze %dma_start3A_138 : memref<1x40xi32, #tpu.memory_space<vmem>> -> memref<40xi32, #tpu.memory_space<vmem>>
      %dma_start3A_140 = arith.constant 0 : i32
      %dma_start3A_141 = arith.constant 0 : i32
      %dma_start3A_142 = tpu.memref_slice %arg2[%dma_start3A_140, %dma_start3A_141] : memref<10000x128xf32, #tpu.memory_space<hbm>> -> memref<10000x128xf32, #tpu.memory_space<hbm>>
      tpu.enqueue_indirect_dma source(%dma_start3A_142 : memref<10000x128xf32, #tpu.memory_space<hbm>>) target(%dma_start3A_136 : memref<40x128xf32, #tpu.memory_space<vmem>>) offsets(%dma_start3A_139 : memref<40xi32, #tpu.memory_space<vmem>>) semaphore(%arg19 : memref<!tpu.dma_semaphore, #tpu.memory_space<semaphore_mem>>)
      %dma_wait3A_143 = arith.constant 1 : i32
      %dma_wait3A_144 = arith.constant 0 : i32
      %dma_wait3A_145 = tpu.memref_slice %arg7[%dma_wait3A_143, %dma_wait3A_144] : memref<10x40xi32, #tpu.memory_space<vmem>> -> memref<1x40xi32, #tpu.memory_space<vmem>>
      %dma_wait3A_146 = tpu.memref_squeeze %dma_wait3A_145 : memref<1x40xi32, #tpu.memory_space<vmem>> -> memref<40xi32, #tpu.memory_space<vmem>>
      %dma_wait3A_147 = tpu.memref_slice %arg4[%add3A_25] : memref<160000xi32, #tpu.memory_space<hbm>> -> memref<40xi32, #tpu.memory_space<hbm>>
      %dma_wait3A_148 = arith.constant 0 : i32
      %dma_wait3A_149 = tpu.memref_slice %arg7[%dma_wait3A_143, %dma_wait3A_148] : memref<10x40xi32, #tpu.memory_space<vmem>> -> memref<1x40xi32, #tpu.memory_space<vmem>>
      %dma_wait3A_150 = tpu.memref_squeeze %dma_wait3A_149 : memref<1x40xi32, #tpu.memory_space<vmem>> -> memref<40xi32, #tpu.memory_space<vmem>>
      %dma_wait3A_151 = tpu.memref_slice %arg4[%add3A_25] : memref<160000xi32, #tpu.memory_space<hbm>> -> memref<40xi32, #tpu.memory_space<hbm>>
      tpu.wait_dma2 semaphore(%arg10 : memref<!tpu.dma_semaphore, #tpu.memory_space<semaphore_mem>>) src(%dma_wait3A_151 : memref<40xi32, #tpu.memory_space<hbm>>) dst(%dma_wait3A_150 : memref<40xi32, #tpu.memory_space<vmem>>)
      %dma_start3A_152 = arith.constant 1 : i32
      %dma_start3A_153 = arith.constant 1 : i32
      %dma_start3A_154 = arith.constant 0 : i32
      %dma_start3A_155 = arith.constant 0 : i32
      %dma_start3A_156 = tpu.memref_slice %arg8[%dma_start3A_153, %dma_start3A_154, %dma_start3A_155] : memref<10x40x128xf32, #tpu.memory_space<vmem>> -> memref<1x40x128xf32, #tpu.memory_space<vmem>>
      %dma_start3A_157 = tpu.memref_squeeze %dma_start3A_156 : memref<1x40x128xf32, #tpu.memory_space<vmem>> -> memref<40x128xf32, #tpu.memory_space<vmem>>
      %dma_start3A_158 = arith.constant 0 : i32
      %dma_start3A_159 = tpu.memref_slice %arg7[%dma_start3A_152, %dma_start3A_158] : memref<10x40xi32, #tpu.memory_space<vmem>> -> memref<1x40xi32, #tpu.memory_space<vmem>>
      %dma_start3A_160 = tpu.memref_squeeze %dma_start3A_159 : memref<1x40xi32, #tpu.memory_space<vmem>> -> memref<40xi32, #tpu.memory_space<vmem>>
      %dma_start3A_161 = arith.constant 0 : i32
      %dma_start3A_162 = arith.constant 0 : i32
      %dma_start3A_163 = tpu.memref_slice %arg2[%dma_start3A_161, %dma_start3A_162] : memref<10000x128xf32, #tpu.memory_space<hbm>> -> memref<10000x128xf32, #tpu.memory_space<hbm>>
      tpu.enqueue_indirect_dma source(%dma_start3A_163 : memref<10000x128xf32, #tpu.memory_space<hbm>>) target(%dma_start3A_157 : memref<40x128xf32, #tpu.memory_space<vmem>>) offsets(%dma_start3A_160 : memref<40xi32, #tpu.memory_space<vmem>>) semaphore(%arg20 : memref<!tpu.dma_semaphore, #tpu.memory_space<semaphore_mem>>)
      %dma_wait3A_164 = arith.constant 2 : i32
      %dma_wait3A_165 = arith.constant 0 : i32
      %dma_wait3A_166 = tpu.memref_slice %arg7[%dma_wait3A_164, %dma_wait3A_165] : memref<10x40xi32, #tpu.memory_space<vmem>> -> memref<1x40xi32, #tpu.memory_space<vmem>>
      %dma_wait3A_167 = tpu.memref_squeeze %dma_wait3A_166 : memref<1x40xi32, #tpu.memory_space<vmem>> -> memref<40xi32, #tpu.memory_space<vmem>>
      %dma_wait3A_168 = tpu.memref_slice %arg3[%add3A_36] : memref<160000xi32, #tpu.memory_space<hbm>> -> memref<40xi32, #tpu.memory_space<hbm>>
      %dma_wait3A_169 = arith.constant 0 : i32
      %dma_wait3A_170 = tpu.memref_slice %arg7[%dma_wait3A_164, %dma_wait3A_169] : memref<10x40xi32, #tpu.memory_space<vmem>> -> memref<1x40xi32, #tpu.memory_space<vmem>>
      %dma_wait3A_171 = tpu.memref_squeeze %dma_wait3A_170 : memref<1x40xi32, #tpu.memory_space<vmem>> -> memref<40xi32, #tpu.memory_space<vmem>>
      %dma_wait3A_172 = tpu.memref_slice %arg3[%add3A_36] : memref<160000xi32, #tpu.memory_space<hbm>> -> memref<40xi32, #tpu.memory_space<hbm>>
      tpu.wait_dma2 semaphore(%arg11 : memref<!tpu.dma_semaphore, #tpu.memory_space<semaphore_mem>>) src(%dma_wait3A_172 : memref<40xi32, #tpu.memory_space<hbm>>) dst(%dma_wait3A_171 : memref<40xi32, #tpu.memory_space<vmem>>)
      %dma_start3A_173 = arith.constant 2 : i32
      %dma_start3A_174 = arith.constant 2 : i32
      %dma_start3A_175 = arith.constant 0 : i32
      %dma_start3A_176 = arith.constant 0 : i32
      %dma_start3A_177 = tpu.memref_slice %arg8[%dma_start3A_174, %dma_start3A_175, %dma_start3A_176] : memref<10x40x128xf32, #tpu.memory_space<vmem>> -> memref<1x40x128xf32, #tpu.memory_space<vmem>>
      %dma_start3A_178 = tpu.memref_squeeze %dma_start3A_177 : memref<1x40x128xf32, #tpu.memory_space<vmem>> -> memref<40x128xf32, #tpu.memory_space<vmem>>
      %dma_start3A_179 = arith.constant 0 : i32
      %dma_start3A_180 = tpu.memref_slice %arg7[%dma_start3A_173, %dma_start3A_179] : memref<10x40xi32, #tpu.memory_space<vmem>> -> memref<1x40xi32, #tpu.memory_space<vmem>>
      %dma_start3A_181 = tpu.memref_squeeze %dma_start3A_180 : memref<1x40xi32, #tpu.memory_space<vmem>> -> memref<40xi32, #tpu.memory_space<vmem>>
      %dma_start3A_182 = arith.constant 0 : i32
      %dma_start3A_183 = arith.constant 0 : i32
      %dma_start3A_184 = tpu.memref_slice %arg2[%dma_start3A_182, %dma_start3A_183] : memref<10000x128xf32, #tpu.memory_space<hbm>> -> memref<10000x128xf32, #tpu.memory_space<hbm>>
      tpu.enqueue_indirect_dma source(%dma_start3A_184 : memref<10000x128xf32, #tpu.memory_space<hbm>>) target(%dma_start3A_178 : memref<40x128xf32, #tpu.memory_space<vmem>>) offsets(%dma_start3A_181 : memref<40xi32, #tpu.memory_space<vmem>>) semaphore(%arg21 : memref<!tpu.dma_semaphore, #tpu.memory_space<semaphore_mem>>)
      %dma_wait3A_185 = arith.constant 3 : i32
      %dma_wait3A_186 = arith.constant 0 : i32
      %dma_wait3A_187 = tpu.memref_slice %arg7[%dma_wait3A_185, %dma_wait3A_186] : memref<10x40xi32, #tpu.memory_space<vmem>> -> memref<1x40xi32, #tpu.memory_space<vmem>>
      %dma_wait3A_188 = tpu.memref_squeeze %dma_wait3A_187 : memref<1x40xi32, #tpu.memory_space<vmem>> -> memref<40xi32, #tpu.memory_space<vmem>>
      %dma_wait3A_189 = tpu.memref_slice %arg4[%add3A_47] : memref<160000xi32, #tpu.memory_space<hbm>> -> memref<40xi32, #tpu.memory_space<hbm>>
      %dma_wait3A_190 = arith.constant 0 : i32
      %dma_wait3A_191 = tpu.memref_slice %arg7[%dma_wait3A_185, %dma_wait3A_190] : memref<10x40xi32, #tpu.memory_space<vmem>> -> memref<1x40xi32, #tpu.memory_space<vmem>>
      %dma_wait3A_192 = tpu.memref_squeeze %dma_wait3A_191 : memref<1x40xi32, #tpu.memory_space<vmem>> -> memref<40xi32, #tpu.memory_space<vmem>>
      %dma_wait3A_193 = tpu.memref_slice %arg4[%add3A_47] : memref<160000xi32, #tpu.memory_space<hbm>> -> memref<40xi32, #tpu.memory_space<hbm>>
      tpu.wait_dma2 semaphore(%arg12 : memref<!tpu.dma_semaphore, #tpu.memory_space<semaphore_mem>>) src(%dma_wait3A_193 : memref<40xi32, #tpu.memory_space<hbm>>) dst(%dma_wait3A_192 : memref<40xi32, #tpu.memory_space<vmem>>)
      %dma_start3A_194 = arith.constant 3 : i32
      %dma_start3A_195 = arith.constant 3 : i32
      %dma_start3A_196 = arith.constant 0 : i32
      %dma_start3A_197 = arith.constant 0 : i32
      %dma_start3A_198 = tpu.memref_slice %arg8[%dma_start3A_195, %dma_start3A_196, %dma_start3A_197] : memref<10x40x128xf32, #tpu.memory_space<vmem>> -> memref<1x40x128xf32, #tpu.memory_space<vmem>>
      %dma_start3A_199 = tpu.memref_squeeze %dma_start3A_198 : memref<1x40x128xf32, #tpu.memory_space<vmem>> -> memref<40x128xf32, #tpu.memory_space<vmem>>
      %dma_start3A_200 = arith.constant 0 : i32
      %dma_start3A_201 = tpu.memref_slice %arg7[%dma_start3A_194, %dma_start3A_200] : memref<10x40xi32, #tpu.memory_space<vmem>> -> memref<1x40xi32, #tpu.memory_space<vmem>>
      %dma_start3A_202 = tpu.memref_squeeze %dma_start3A_201 : memref<1x40xi32, #tpu.memory_space<vmem>> -> memref<40xi32, #tpu.memory_space<vmem>>
      %dma_start3A_203 = arith.constant 0 : i32
      %dma_start3A_204 = arith.constant 0 : i32
      %dma_start3A_205 = tpu.memref_slice %arg2[%dma_start3A_203, %dma_start3A_204] : memref<10000x128xf32, #tpu.memory_space<hbm>> -> memref<10000x128xf32, #tpu.memory_space<hbm>>
      tpu.enqueue_indirect_dma source(%dma_start3A_205 : memref<10000x128xf32, #tpu.memory_space<hbm>>) target(%dma_start3A_199 : memref<40x128xf32, #tpu.memory_space<vmem>>) offsets(%dma_start3A_202 : memref<40xi32, #tpu.memory_space<vmem>>) semaphore(%arg22 : memref<!tpu.dma_semaphore, #tpu.memory_space<semaphore_mem>>)
      %dma_wait3A_206 = arith.constant 4 : i32
      %dma_wait3A_207 = arith.constant 0 : i32
      %dma_wait3A_208 = tpu.memref_slice %arg7[%dma_wait3A_206, %dma_wait3A_207] : memref<10x40xi32, #tpu.memory_space<vmem>> -> memref<1x40xi32, #tpu.memory_space<vmem>>
      %dma_wait3A_209 = tpu.memref_squeeze %dma_wait3A_208 : memref<1x40xi32, #tpu.memory_space<vmem>> -> memref<40xi32, #tpu.memory_space<vmem>>
      %dma_wait3A_210 = tpu.memref_slice %arg3[%add3A_58] : memref<160000xi32, #tpu.memory_space<hbm>> -> memref<40xi32, #tpu.memory_space<hbm>>
      %dma_wait3A_211 = arith.constant 0 : i32
      %dma_wait3A_212 = tpu.memref_slice %arg7[%dma_wait3A_206, %dma_wait3A_211] : memref<10x40xi32, #tpu.memory_space<vmem>> -> memref<1x40xi32, #tpu.memory_space<vmem>>
      %dma_wait3A_213 = tpu.memref_squeeze %dma_wait3A_212 : memref<1x40xi32, #tpu.memory_space<vmem>> -> memref<40xi32, #tpu.memory_space<vmem>>
      %dma_wait3A_214 = tpu.memref_slice %arg3[%add3A_58] : memref<160000xi32, #tpu.memory_space<hbm>> -> memref<40xi32, #tpu.memory_space<hbm>>
      tpu.wait_dma2 semaphore(%arg13 : memref<!tpu.dma_semaphore, #tpu.memory_space<semaphore_mem>>) src(%dma_wait3A_214 : memref<40xi32, #tpu.memory_space<hbm>>) dst(%dma_wait3A_213 : memref<40xi32, #tpu.memory_space<vmem>>)
      %dma_start3A_215 = arith.constant 4 : i32
      %dma_start3A_216 = arith.constant 4 : i32
      %dma_start3A_217 = arith.constant 0 : i32
      %dma_start3A_218 = arith.constant 0 : i32
      %dma_start3A_219 = tpu.memref_slice %arg8[%dma_start3A_216, %dma_start3A_217, %dma_start3A_218] : memref<10x40x128xf32, #tpu.memory_space<vmem>> -> memref<1x40x128xf32, #tpu.memory_space<vmem>>
      %dma_start3A_220 = tpu.memref_squeeze %dma_start3A_219 : memref<1x40x128xf32, #tpu.memory_space<vmem>> -> memref<40x128xf32, #tpu.memory_space<vmem>>
      %dma_start3A_221 = arith.constant 0 : i32
      %dma_start3A_222 = tpu.memref_slice %arg7[%dma_start3A_215, %dma_start3A_221] : memref<10x40xi32, #tpu.memory_space<vmem>> -> memref<1x40xi32, #tpu.memory_space<vmem>>
      %dma_start3A_223 = tpu.memref_squeeze %dma_start3A_222 : memref<1x40xi32, #tpu.memory_space<vmem>> -> memref<40xi32, #tpu.memory_space<vmem>>
      %dma_start3A_224 = arith.constant 0 : i32
      %dma_start3A_225 = arith.constant 0 : i32
      %dma_start3A_226 = tpu.memref_slice %arg2[%dma_start3A_224, %dma_start3A_225] : memref<10000x128xf32, #tpu.memory_space<hbm>> -> memref<10000x128xf32, #tpu.memory_space<hbm>>
      tpu.enqueue_indirect_dma source(%dma_start3A_226 : memref<10000x128xf32, #tpu.memory_space<hbm>>) target(%dma_start3A_220 : memref<40x128xf32, #tpu.memory_space<vmem>>) offsets(%dma_start3A_223 : memref<40xi32, #tpu.memory_space<vmem>>) semaphore(%arg23 : memref<!tpu.dma_semaphore, #tpu.memory_space<semaphore_mem>>)
      %dma_wait3A_227 = arith.constant 5 : i32
      %dma_wait3A_228 = arith.constant 0 : i32
      %dma_wait3A_229 = tpu.memref_slice %arg7[%dma_wait3A_227, %dma_wait3A_228] : memref<10x40xi32, #tpu.memory_space<vmem>> -> memref<1x40xi32, #tpu.memory_space<vmem>>
      %dma_wait3A_230 = tpu.memref_squeeze %dma_wait3A_229 : memref<1x40xi32, #tpu.memory_space<vmem>> -> memref<40xi32, #tpu.memory_space<vmem>>
      %dma_wait3A_231 = tpu.memref_slice %arg4[%add3A_69] : memref<160000xi32, #tpu.memory_space<hbm>> -> memref<40xi32, #tpu.memory_space<hbm>>
      %dma_wait3A_232 = arith.constant 0 : i32
      %dma_wait3A_233 = tpu.memref_slice %arg7[%dma_wait3A_227, %dma_wait3A_232] : memref<10x40xi32, #tpu.memory_space<vmem>> -> memref<1x40xi32, #tpu.memory_space<vmem>>
      %dma_wait3A_234 = tpu.memref_squeeze %dma_wait3A_233 : memref<1x40xi32, #tpu.memory_space<vmem>> -> memref<40xi32, #tpu.memory_space<vmem>>
      %dma_wait3A_235 = tpu.memref_slice %arg4[%add3A_69] : memref<160000xi32, #tpu.memory_space<hbm>> -> memref<40xi32, #tpu.memory_space<hbm>>
      tpu.wait_dma2 semaphore(%arg14 : memref<!tpu.dma_semaphore, #tpu.memory_space<semaphore_mem>>) src(%dma_wait3A_235 : memref<40xi32, #tpu.memory_space<hbm>>) dst(%dma_wait3A_234 : memref<40xi32, #tpu.memory_space<vmem>>)
      %dma_start3A_236 = arith.constant 5 : i32
      %dma_start3A_237 = arith.constant 5 : i32
      %dma_start3A_238 = arith.constant 0 : i32
      %dma_start3A_239 = arith.constant 0 : i32
      %dma_start3A_240 = tpu.memref_slice %arg8[%dma_start3A_237, %dma_start3A_238, %dma_start3A_239] : memref<10x40x128xf32, #tpu.memory_space<vmem>> -> memref<1x40x128xf32, #tpu.memory_space<vmem>>
      %dma_start3A_241 = tpu.memref_squeeze %dma_start3A_240 : memref<1x40x128xf32, #tpu.memory_space<vmem>> -> memref<40x128xf32, #tpu.memory_space<vmem>>
      %dma_start3A_242 = arith.constant 0 : i32
      %dma_start3A_243 = tpu.memref_slice %arg7[%dma_start3A_236, %dma_start3A_242] : memref<10x40xi32, #tpu.memory_space<vmem>> -> memref<1x40xi32, #tpu.memory_space<vmem>>
      %dma_start3A_244 = tpu.memref_squeeze %dma_start3A_243 : memref<1x40xi32, #tpu.memory_space<vmem>> -> memref<40xi32, #tpu.memory_space<vmem>>
      %dma_start3A_245 = arith.constant 0 : i32
      %dma_start3A_246 = arith.constant 0 : i32
      %dma_start3A_247 = tpu.memref_slice %arg2[%dma_start3A_245, %dma_start3A_246] : memref<10000x128xf32, #tpu.memory_space<hbm>> -> memref<10000x128xf32, #tpu.memory_space<hbm>>
      tpu.enqueue_indirect_dma source(%dma_start3A_247 : memref<10000x128xf32, #tpu.memory_space<hbm>>) target(%dma_start3A_241 : memref<40x128xf32, #tpu.memory_space<vmem>>) offsets(%dma_start3A_244 : memref<40xi32, #tpu.memory_space<vmem>>) semaphore(%arg24 : memref<!tpu.dma_semaphore, #tpu.memory_space<semaphore_mem>>)
      %dma_wait3A_248 = arith.constant 6 : i32
      %dma_wait3A_249 = arith.constant 0 : i32
      %dma_wait3A_250 = tpu.memref_slice %arg7[%dma_wait3A_248, %dma_wait3A_249] : memref<10x40xi32, #tpu.memory_space<vmem>> -> memref<1x40xi32, #tpu.memory_space<vmem>>
      %dma_wait3A_251 = tpu.memref_squeeze %dma_wait3A_250 : memref<1x40xi32, #tpu.memory_space<vmem>> -> memref<40xi32, #tpu.memory_space<vmem>>
      %dma_wait3A_252 = tpu.memref_slice %arg3[%add3A_80] : memref<160000xi32, #tpu.memory_space<hbm>> -> memref<40xi32, #tpu.memory_space<hbm>>
      %dma_wait3A_253 = arith.constant 0 : i32
      %dma_wait3A_254 = tpu.memref_slice %arg7[%dma_wait3A_248, %dma_wait3A_253] : memref<10x40xi32, #tpu.memory_space<vmem>> -> memref<1x40xi32, #tpu.memory_space<vmem>>
      %dma_wait3A_255 = tpu.memref_squeeze %dma_wait3A_254 : memref<1x40xi32, #tpu.memory_space<vmem>> -> memref<40xi32, #tpu.memory_space<vmem>>
      %dma_wait3A_256 = tpu.memref_slice %arg3[%add3A_80] : memref<160000xi32, #tpu.memory_space<hbm>> -> memref<40xi32, #tpu.memory_space<hbm>>
      tpu.wait_dma2 semaphore(%arg15 : memref<!tpu.dma_semaphore, #tpu.memory_space<semaphore_mem>>) src(%dma_wait3A_256 : memref<40xi32, #tpu.memory_space<hbm>>) dst(%dma_wait3A_255 : memref<40xi32, #tpu.memory_space<vmem>>)
      %dma_start3A_257 = arith.constant 6 : i32
      %dma_start3A_258 = arith.constant 6 : i32
      %dma_start3A_259 = arith.constant 0 : i32
      %dma_start3A_260 = arith.constant 0 : i32
      %dma_start3A_261 = tpu.memref_slice %arg8[%dma_start3A_258, %dma_start3A_259, %dma_start3A_260] : memref<10x40x128xf32, #tpu.memory_space<vmem>> -> memref<1x40x128xf32, #tpu.memory_space<vmem>>
      %dma_start3A_262 = tpu.memref_squeeze %dma_start3A_261 : memref<1x40x128xf32, #tpu.memory_space<vmem>> -> memref<40x128xf32, #tpu.memory_space<vmem>>
      %dma_start3A_263 = arith.constant 0 : i32
      %dma_start3A_264 = tpu.memref_slice %arg7[%dma_start3A_257, %dma_start3A_263] : memref<10x40xi32, #tpu.memory_space<vmem>> -> memref<1x40xi32, #tpu.memory_space<vmem>>
      %dma_start3A_265 = tpu.memref_squeeze %dma_start3A_264 : memref<1x40xi32, #tpu.memory_space<vmem>> -> memref<40xi32, #tpu.memory_space<vmem>>
      %dma_start3A_266 = arith.constant 0 : i32
      %dma_start3A_267 = arith.constant 0 : i32
      %dma_start3A_268 = tpu.memref_slice %arg2[%dma_start3A_266, %dma_start3A_267] : memref<10000x128xf32, #tpu.memory_space<hbm>> -> memref<10000x128xf32, #tpu.memory_space<hbm>>
      tpu.enqueue_indirect_dma source(%dma_start3A_268 : memref<10000x128xf32, #tpu.memory_space<hbm>>) target(%dma_start3A_262 : memref<40x128xf32, #tpu.memory_space<vmem>>) offsets(%dma_start3A_265 : memref<40xi32, #tpu.memory_space<vmem>>) semaphore(%arg25 : memref<!tpu.dma_semaphore, #tpu.memory_space<semaphore_mem>>)
      %dma_wait3A_269 = arith.constant 7 : i32
      %dma_wait3A_270 = arith.constant 0 : i32
      %dma_wait3A_271 = tpu.memref_slice %arg7[%dma_wait3A_269, %dma_wait3A_270] : memref<10x40xi32, #tpu.memory_space<vmem>> -> memref<1x40xi32, #tpu.memory_space<vmem>>
      %dma_wait3A_272 = tpu.memref_squeeze %dma_wait3A_271 : memref<1x40xi32, #tpu.memory_space<vmem>> -> memref<40xi32, #tpu.memory_space<vmem>>
      %dma_wait3A_273 = tpu.memref_slice %arg4[%add3A_91] : memref<160000xi32, #tpu.memory_space<hbm>> -> memref<40xi32, #tpu.memory_space<hbm>>
      %dma_wait3A_274 = arith.constant 0 : i32
      %dma_wait3A_275 = tpu.memref_slice %arg7[%dma_wait3A_269, %dma_wait3A_274] : memref<10x40xi32, #tpu.memory_space<vmem>> -> memref<1x40xi32, #tpu.memory_space<vmem>>
      %dma_wait3A_276 = tpu.memref_squeeze %dma_wait3A_275 : memref<1x40xi32, #tpu.memory_space<vmem>> -> memref<40xi32, #tpu.memory_space<vmem>>
      %dma_wait3A_277 = tpu.memref_slice %arg4[%add3A_91] : memref<160000xi32, #tpu.memory_space<hbm>> -> memref<40xi32, #tpu.memory_space<hbm>>
      tpu.wait_dma2 semaphore(%arg16 : memref<!tpu.dma_semaphore, #tpu.memory_space<semaphore_mem>>) src(%dma_wait3A_277 : memref<40xi32, #tpu.memory_space<hbm>>) dst(%dma_wait3A_276 : memref<40xi32, #tpu.memory_space<vmem>>)
      %dma_start3A_278 = arith.constant 7 : i32
      %dma_start3A_279 = arith.constant 7 : i32
      %dma_start3A_280 = arith.constant 0 : i32
      %dma_start3A_281 = arith.constant 0 : i32
      %dma_start3A_282 = tpu.memref_slice %arg8[%dma_start3A_279, %dma_start3A_280, %dma_start3A_281] : memref<10x40x128xf32, #tpu.memory_space<vmem>> -> memref<1x40x128xf32, #tpu.memory_space<vmem>>
      %dma_start3A_283 = tpu.memref_squeeze %dma_start3A_282 : memref<1x40x128xf32, #tpu.memory_space<vmem>> -> memref<40x128xf32, #tpu.memory_space<vmem>>
      %dma_start3A_284 = arith.constant 0 : i32
      %dma_start3A_285 = tpu.memref_slice %arg7[%dma_start3A_278, %dma_start3A_284] : memref<10x40xi32, #tpu.memory_space<vmem>> -> memref<1x40xi32, #tpu.memory_space<vmem>>
      %dma_start3A_286 = tpu.memref_squeeze %dma_start3A_285 : memref<1x40xi32, #tpu.memory_space<vmem>> -> memref<40xi32, #tpu.memory_space<vmem>>
      %dma_start3A_287 = arith.constant 0 : i32
      %dma_start3A_288 = arith.constant 0 : i32
      %dma_start3A_289 = tpu.memref_slice %arg2[%dma_start3A_287, %dma_start3A_288] : memref<10000x128xf32, #tpu.memory_space<hbm>> -> memref<10000x128xf32, #tpu.memory_space<hbm>>
      tpu.enqueue_indirect_dma source(%dma_start3A_289 : memref<10000x128xf32, #tpu.memory_space<hbm>>) target(%dma_start3A_283 : memref<40x128xf32, #tpu.memory_space<vmem>>) offsets(%dma_start3A_286 : memref<40xi32, #tpu.memory_space<vmem>>) semaphore(%arg26 : memref<!tpu.dma_semaphore, #tpu.memory_space<semaphore_mem>>)
      %dma_wait3A_290 = arith.constant 8 : i32
      %dma_wait3A_291 = arith.constant 0 : i32
      %dma_wait3A_292 = tpu.memref_slice %arg7[%dma_wait3A_290, %dma_wait3A_291] : memref<10x40xi32, #tpu.memory_space<vmem>> -> memref<1x40xi32, #tpu.memory_space<vmem>>
      %dma_wait3A_293 = tpu.memref_squeeze %dma_wait3A_292 : memref<1x40xi32, #tpu.memory_space<vmem>> -> memref<40xi32, #tpu.memory_space<vmem>>
      %dma_wait3A_294 = tpu.memref_slice %arg3[%add3A_102] : memref<160000xi32, #tpu.memory_space<hbm>> -> memref<40xi32, #tpu.memory_space<hbm>>
      %dma_wait3A_295 = arith.constant 0 : i32
      %dma_wait3A_296 = tpu.memref_slice %arg7[%dma_wait3A_290, %dma_wait3A_295] : memref<10x40xi32, #tpu.memory_space<vmem>> -> memref<1x40xi32, #tpu.memory_space<vmem>>
      %dma_wait3A_297 = tpu.memref_squeeze %dma_wait3A_296 : memref<1x40xi32, #tpu.memory_space<vmem>> -> memref<40xi32, #tpu.memory_space<vmem>>
      %dma_wait3A_298 = tpu.memref_slice %arg3[%add3A_102] : memref<160000xi32, #tpu.memory_space<hbm>> -> memref<40xi32, #tpu.memory_space<hbm>>
      tpu.wait_dma2 semaphore(%arg17 : memref<!tpu.dma_semaphore, #tpu.memory_space<semaphore_mem>>) src(%dma_wait3A_298 : memref<40xi32, #tpu.memory_space<hbm>>) dst(%dma_wait3A_297 : memref<40xi32, #tpu.memory_space<vmem>>)
      %dma_start3A_299 = arith.constant 8 : i32
      %dma_start3A_300 = arith.constant 8 : i32
      %dma_start3A_301 = arith.constant 0 : i32
      %dma_start3A_302 = arith.constant 0 : i32
      %dma_start3A_303 = tpu.memref_slice %arg8[%dma_start3A_300, %dma_start3A_301, %dma_start3A_302] : memref<10x40x128xf32, #tpu.memory_space<vmem>> -> memref<1x40x128xf32, #tpu.memory_space<vmem>>
      %dma_start3A_304 = tpu.memref_squeeze %dma_start3A_303 : memref<1x40x128xf32, #tpu.memory_space<vmem>> -> memref<40x128xf32, #tpu.memory_space<vmem>>
      %dma_start3A_305 = arith.constant 0 : i32
      %dma_start3A_306 = tpu.memref_slice %arg7[%dma_start3A_299, %dma_start3A_305] : memref<10x40xi32, #tpu.memory_space<vmem>> -> memref<1x40xi32, #tpu.memory_space<vmem>>
      %dma_start3A_307 = tpu.memref_squeeze %dma_start3A_306 : memref<1x40xi32, #tpu.memory_space<vmem>> -> memref<40xi32, #tpu.memory_space<vmem>>
      %dma_start3A_308 = arith.constant 0 : i32
      %dma_start3A_309 = arith.constant 0 : i32
      %dma_start3A_310 = tpu.memref_slice %arg2[%dma_start3A_308, %dma_start3A_309] : memref<10000x128xf32, #tpu.memory_space<hbm>> -> memref<10000x128xf32, #tpu.memory_space<hbm>>
      tpu.enqueue_indirect_dma source(%dma_start3A_310 : memref<10000x128xf32, #tpu.memory_space<hbm>>) target(%dma_start3A_304 : memref<40x128xf32, #tpu.memory_space<vmem>>) offsets(%dma_start3A_307 : memref<40xi32, #tpu.memory_space<vmem>>) semaphore(%arg27 : memref<!tpu.dma_semaphore, #tpu.memory_space<semaphore_mem>>)
      %dma_wait3A_311 = arith.constant 9 : i32
      %dma_wait3A_312 = arith.constant 0 : i32
      %dma_wait3A_313 = tpu.memref_slice %arg7[%dma_wait3A_311, %dma_wait3A_312] : memref<10x40xi32, #tpu.memory_space<vmem>> -> memref<1x40xi32, #tpu.memory_space<vmem>>
      %dma_wait3A_314 = tpu.memref_squeeze %dma_wait3A_313 : memref<1x40xi32, #tpu.memory_space<vmem>> -> memref<40xi32, #tpu.memory_space<vmem>>
      %dma_wait3A_315 = tpu.memref_slice %arg4[%add3A_113] : memref<160000xi32, #tpu.memory_space<hbm>> -> memref<40xi32, #tpu.memory_space<hbm>>
      %dma_wait3A_316 = arith.constant 0 : i32
      %dma_wait3A_317 = tpu.memref_slice %arg7[%dma_wait3A_311, %dma_wait3A_316] : memref<10x40xi32, #tpu.memory_space<vmem>> -> memref<1x40xi32, #tpu.memory_space<vmem>>
      %dma_wait3A_318 = tpu.memref_squeeze %dma_wait3A_317 : memref<1x40xi32, #tpu.memory_space<vmem>> -> memref<40xi32, #tpu.memory_space<vmem>>
      %dma_wait3A_319 = tpu.memref_slice %arg4[%add3A_113] : memref<160000xi32, #tpu.memory_space<hbm>> -> memref<40xi32, #tpu.memory_space<hbm>>
      tpu.wait_dma2 semaphore(%arg18 : memref<!tpu.dma_semaphore, #tpu.memory_space<semaphore_mem>>) src(%dma_wait3A_319 : memref<40xi32, #tpu.memory_space<hbm>>) dst(%dma_wait3A_318 : memref<40xi32, #tpu.memory_space<vmem>>)
      %dma_start3A_320 = arith.constant 9 : i32
      %dma_start3A_321 = arith.constant 9 : i32
      %dma_start3A_322 = arith.constant 0 : i32
      %dma_start3A_323 = arith.constant 0 : i32
      %dma_start3A_324 = tpu.memref_slice %arg8[%dma_start3A_321, %dma_start3A_322, %dma_start3A_323] : memref<10x40x128xf32, #tpu.memory_space<vmem>> -> memref<1x40x128xf32, #tpu.memory_space<vmem>>
      %dma_start3A_325 = tpu.memref_squeeze %dma_start3A_324 : memref<1x40x128xf32, #tpu.memory_space<vmem>> -> memref<40x128xf32, #tpu.memory_space<vmem>>
      %dma_start3A_326 = arith.constant 0 : i32
      %dma_start3A_327 = tpu.memref_slice %arg7[%dma_start3A_320, %dma_start3A_326] : memref<10x40xi32, #tpu.memory_space<vmem>> -> memref<1x40xi32, #tpu.memory_space<vmem>>
      %dma_start3A_328 = tpu.memref_squeeze %dma_start3A_327 : memref<1x40xi32, #tpu.memory_space<vmem>> -> memref<40xi32, #tpu.memory_space<vmem>>
      %dma_start3A_329 = arith.constant 0 : i32
      %dma_start3A_330 = arith.constant 0 : i32
      %dma_start3A_331 = tpu.memref_slice %arg2[%dma_start3A_329, %dma_start3A_330] : memref<10000x128xf32, #tpu.memory_space<hbm>> -> memref<10000x128xf32, #tpu.memory_space<hbm>>
      tpu.enqueue_indirect_dma source(%dma_start3A_331 : memref<10000x128xf32, #tpu.memory_space<hbm>>) target(%dma_start3A_325 : memref<40x128xf32, #tpu.memory_space<vmem>>) offsets(%dma_start3A_328 : memref<40xi32, #tpu.memory_space<vmem>>) semaphore(%arg28 : memref<!tpu.dma_semaphore, #tpu.memory_space<semaphore_mem>>)
      %dma_wait3A_332 = arith.constant 0 : i32
      %dma_wait3A_333 = arith.constant 0 : i32
      %dma_wait3A_334 = arith.constant 0 : i32
      %dma_wait3A_335 = arith.constant 0 : i32
      %dma_wait3A_336 = tpu.memref_slice %arg8[%dma_wait3A_333, %dma_wait3A_334, %dma_wait3A_335] : memref<10x40x128xf32, #tpu.memory_space<vmem>> -> memref<1x40x128xf32, #tpu.memory_space<vmem>>
      %dma_wait3A_337 = tpu.memref_squeeze %dma_wait3A_336 : memref<1x40x128xf32, #tpu.memory_space<vmem>> -> memref<40x128xf32, #tpu.memory_space<vmem>>
      %dma_wait3A_338 = arith.constant 0 : i32
      %dma_wait3A_339 = tpu.memref_slice %arg7[%dma_wait3A_332, %dma_wait3A_338] : memref<10x40xi32, #tpu.memory_space<vmem>> -> memref<1x40xi32, #tpu.memory_space<vmem>>
      %dma_wait3A_340 = tpu.memref_squeeze %dma_wait3A_339 : memref<1x40xi32, #tpu.memory_space<vmem>> -> memref<40xi32, #tpu.memory_space<vmem>>
      %dma_wait3A_341 = arith.constant 0 : i32
      %dma_wait3A_342 = arith.constant 0 : i32
      %dma_wait3A_343 = tpu.memref_slice %arg2[%dma_wait3A_341, %dma_wait3A_342] : memref<10000x128xf32, #tpu.memory_space<hbm>> -> memref<10000x128xf32, #tpu.memory_space<hbm>>
      tpu.wait_indirect_dma semaphore(%arg19 : memref<!tpu.dma_semaphore, #tpu.memory_space<semaphore_mem>>) src(%dma_wait3A_343 : memref<10000x128xf32, #tpu.memory_space<hbm>>) dst(%dma_wait3A_337 : memref<40x128xf32, #tpu.memory_space<vmem>>)
      %add3A_344 = arith.constant 0 : i32
      %add3A_345 = arith.addi %add3A_13, %add3A_344 : i32
      %dma_start3A_346 = arith.constant 0 : i32
      %dma_start3A_347 = arith.constant 0 : i32
      %dma_start3A_348 = arith.constant 0 : i32
      %dma_start3A_349 = tpu.memref_slice %arg8[%dma_start3A_346, %dma_start3A_347, %dma_start3A_348] : memref<10x40x128xf32, #tpu.memory_space<vmem>> -> memref<1x40x128xf32, #tpu.memory_space<vmem>>
      %dma_start3A_350 = tpu.memref_squeeze %dma_start3A_349 : memref<1x40x128xf32, #tpu.memory_space<vmem>> -> memref<40x128xf32, #tpu.memory_space<vmem>>
      %dma_start3A_351 = arith.constant 0 : i32
      %dma_start3A_352 = tpu.memref_slice %arg6[%add3A_345, %dma_start3A_351] : memref<160000x256xf32, #tpu.memory_space<hbm>> -> memref<40x128xf32, #tpu.memory_space<hbm>>
      %dma_start3A_353 = arith.constant 0 : i32
      %dma_start3A_354 = tpu.memref_slice %arg6[%add3A_345, %dma_start3A_353] : memref<160000x256xf32, #tpu.memory_space<hbm>> -> memref<40x128xf32, #tpu.memory_space<hbm>>
      %dma_start3A_355 = arith.constant 0 : i32
      %dma_start3A_356 = arith.constant 0 : i32
      %dma_start3A_357 = tpu.memref_slice %arg8[%dma_start3A_346, %dma_start3A_355, %dma_start3A_356] : memref<10x40x128xf32, #tpu.memory_space<vmem>> -> memref<1x40x128xf32, #tpu.memory_space<vmem>>
      %dma_start3A_358 = tpu.memref_squeeze %dma_start3A_357 : memref<1x40x128xf32, #tpu.memory_space<vmem>> -> memref<40x128xf32, #tpu.memory_space<vmem>>
      tpu.enqueue_dma source(%dma_start3A_358 : memref<40x128xf32, #tpu.memory_space<vmem>>) target(%dma_start3A_354 : memref<40x128xf32, #tpu.memory_space<hbm>>) target_semaphore(%arg29 : memref<!tpu.dma_semaphore, #tpu.memory_space<semaphore_mem>>)
      %dma_wait3A_359 = arith.constant 1 : i32
      %dma_wait3A_360 = arith.constant 1 : i32
      %dma_wait3A_361 = arith.constant 0 : i32
      %dma_wait3A_362 = arith.constant 0 : i32
      %dma_wait3A_363 = tpu.memref_slice %arg8[%dma_wait3A_360, %dma_wait3A_361, %dma_wait3A_362] : memref<10x40x128xf32, #tpu.memory_space<vmem>> -> memref<1x40x128xf32, #tpu.memory_space<vmem>>
      %dma_wait3A_364 = tpu.memref_squeeze %dma_wait3A_363 : memref<1x40x128xf32, #tpu.memory_space<vmem>> -> memref<40x128xf32, #tpu.memory_space<vmem>>
      %dma_wait3A_365 = arith.constant 0 : i32
      %dma_wait3A_366 = tpu.memref_slice %arg7[%dma_wait3A_359, %dma_wait3A_365] : memref<10x40xi32, #tpu.memory_space<vmem>> -> memref<1x40xi32, #tpu.memory_space<vmem>>
      %dma_wait3A_367 = tpu.memref_squeeze %dma_wait3A_366 : memref<1x40xi32, #tpu.memory_space<vmem>> -> memref<40xi32, #tpu.memory_space<vmem>>
      %dma_wait3A_368 = arith.constant 0 : i32
      %dma_wait3A_369 = arith.constant 0 : i32
      %dma_wait3A_370 = tpu.memref_slice %arg2[%dma_wait3A_368, %dma_wait3A_369] : memref<10000x128xf32, #tpu.memory_space<hbm>> -> memref<10000x128xf32, #tpu.memory_space<hbm>>
      tpu.wait_indirect_dma semaphore(%arg20 : memref<!tpu.dma_semaphore, #tpu.memory_space<semaphore_mem>>) src(%dma_wait3A_370 : memref<10000x128xf32, #tpu.memory_space<hbm>>) dst(%dma_wait3A_364 : memref<40x128xf32, #tpu.memory_space<vmem>>)
      %add3A_371 = arith.constant 0 : i32
      %add3A_372 = arith.addi %add3A_13, %add3A_371 : i32
      %dma_start3A_373 = arith.constant 1 : i32
      %dma_start3A_374 = arith.constant 0 : i32
      %dma_start3A_375 = arith.constant 0 : i32
      %dma_start3A_376 = tpu.memref_slice %arg8[%dma_start3A_373, %dma_start3A_374, %dma_start3A_375] : memref<10x40x128xf32, #tpu.memory_space<vmem>> -> memref<1x40x128xf32, #tpu.memory_space<vmem>>
      %dma_start3A_377 = tpu.memref_squeeze %dma_start3A_376 : memref<1x40x128xf32, #tpu.memory_space<vmem>> -> memref<40x128xf32, #tpu.memory_space<vmem>>
      %dma_start3A_378 = arith.constant 128 : i32
      %dma_start3A_379 = tpu.memref_slice %arg6[%add3A_372, %dma_start3A_378] : memref<160000x256xf32, #tpu.memory_space<hbm>> -> memref<40x128xf32, #tpu.memory_space<hbm>>
      %dma_start3A_380 = arith.constant 128 : i32
      %dma_start3A_381 = tpu.memref_slice %arg6[%add3A_372, %dma_start3A_380] : memref<160000x256xf32, #tpu.memory_space<hbm>> -> memref<40x128xf32, #tpu.memory_space<hbm>>
      %dma_start3A_382 = arith.constant 0 : i32
      %dma_start3A_383 = arith.constant 0 : i32
      %dma_start3A_384 = tpu.memref_slice %arg8[%dma_start3A_373, %dma_start3A_382, %dma_start3A_383] : memref<10x40x128xf32, #tpu.memory_space<vmem>> -> memref<1x40x128xf32, #tpu.memory_space<vmem>>
      %dma_start3A_385 = tpu.memref_squeeze %dma_start3A_384 : memref<1x40x128xf32, #tpu.memory_space<vmem>> -> memref<40x128xf32, #tpu.memory_space<vmem>>
      tpu.enqueue_dma source(%dma_start3A_385 : memref<40x128xf32, #tpu.memory_space<vmem>>) target(%dma_start3A_381 : memref<40x128xf32, #tpu.memory_space<hbm>>) target_semaphore(%arg30 : memref<!tpu.dma_semaphore, #tpu.memory_space<semaphore_mem>>)
      %dma_wait3A_386 = arith.constant 2 : i32
      %dma_wait3A_387 = arith.constant 2 : i32
      %dma_wait3A_388 = arith.constant 0 : i32
      %dma_wait3A_389 = arith.constant 0 : i32
      %dma_wait3A_390 = tpu.memref_slice %arg8[%dma_wait3A_387, %dma_wait3A_388, %dma_wait3A_389] : memref<10x40x128xf32, #tpu.memory_space<vmem>> -> memref<1x40x128xf32, #tpu.memory_space<vmem>>
      %dma_wait3A_391 = tpu.memref_squeeze %dma_wait3A_390 : memref<1x40x128xf32, #tpu.memory_space<vmem>> -> memref<40x128xf32, #tpu.memory_space<vmem>>
      %dma_wait3A_392 = arith.constant 0 : i32
      %dma_wait3A_393 = tpu.memref_slice %arg7[%dma_wait3A_386, %dma_wait3A_392] : memref<10x40xi32, #tpu.memory_space<vmem>> -> memref<1x40xi32, #tpu.memory_space<vmem>>
      %dma_wait3A_394 = tpu.memref_squeeze %dma_wait3A_393 : memref<1x40xi32, #tpu.memory_space<vmem>> -> memref<40xi32, #tpu.memory_space<vmem>>
      %dma_wait3A_395 = arith.constant 0 : i32
      %dma_wait3A_396 = arith.constant 0 : i32
      %dma_wait3A_397 = tpu.memref_slice %arg2[%dma_wait3A_395, %dma_wait3A_396] : memref<10000x128xf32, #tpu.memory_space<hbm>> -> memref<10000x128xf32, #tpu.memory_space<hbm>>
      tpu.wait_indirect_dma semaphore(%arg21 : memref<!tpu.dma_semaphore, #tpu.memory_space<semaphore_mem>>) src(%dma_wait3A_397 : memref<10000x128xf32, #tpu.memory_space<hbm>>) dst(%dma_wait3A_391 : memref<40x128xf32, #tpu.memory_space<vmem>>)
      %add3A_398 = arith.constant 40 : i32
      %add3A_399 = arith.addi %add3A_13, %add3A_398 : i32
      %dma_start3A_400 = arith.constant 2 : i32
      %dma_start3A_401 = arith.constant 0 : i32
      %dma_start3A_402 = arith.constant 0 : i32
      %dma_start3A_403 = tpu.memref_slice %arg8[%dma_start3A_400, %dma_start3A_401, %dma_start3A_402] : memref<10x40x128xf32, #tpu.memory_space<vmem>> -> memref<1x40x128xf32, #tpu.memory_space<vmem>>
      %dma_start3A_404 = tpu.memref_squeeze %dma_start3A_403 : memref<1x40x128xf32, #tpu.memory_space<vmem>> -> memref<40x128xf32, #tpu.memory_space<vmem>>
      %dma_start3A_405 = arith.constant 0 : i32
      %dma_start3A_406 = tpu.memref_slice %arg6[%add3A_399, %dma_start3A_405] : memref<160000x256xf32, #tpu.memory_space<hbm>> -> memref<40x128xf32, #tpu.memory_space<hbm>>
      %dma_start3A_407 = arith.constant 0 : i32
      %dma_start3A_408 = tpu.memref_slice %arg6[%add3A_399, %dma_start3A_407] : memref<160000x256xf32, #tpu.memory_space<hbm>> -> memref<40x128xf32, #tpu.memory_space<hbm>>
      %dma_start3A_409 = arith.constant 0 : i32
      %dma_start3A_410 = arith.constant 0 : i32
      %dma_start3A_411 = tpu.memref_slice %arg8[%dma_start3A_400, %dma_start3A_409, %dma_start3A_410] : memref<10x40x128xf32, #tpu.memory_space<vmem>> -> memref<1x40x128xf32, #tpu.memory_space<vmem>>
      %dma_start3A_412 = tpu.memref_squeeze %dma_start3A_411 : memref<1x40x128xf32, #tpu.memory_space<vmem>> -> memref<40x128xf32, #tpu.memory_space<vmem>>
      tpu.enqueue_dma source(%dma_start3A_412 : memref<40x128xf32, #tpu.memory_space<vmem>>) target(%dma_start3A_408 : memref<40x128xf32, #tpu.memory_space<hbm>>) target_semaphore(%arg31 : memref<!tpu.dma_semaphore, #tpu.memory_space<semaphore_mem>>)
      %dma_wait3A_413 = arith.constant 3 : i32
      %dma_wait3A_414 = arith.constant 3 : i32
      %dma_wait3A_415 = arith.constant 0 : i32
      %dma_wait3A_416 = arith.constant 0 : i32
      %dma_wait3A_417 = tpu.memref_slice %arg8[%dma_wait3A_414, %dma_wait3A_415, %dma_wait3A_416] : memref<10x40x128xf32, #tpu.memory_space<vmem>> -> memref<1x40x128xf32, #tpu.memory_space<vmem>>
      %dma_wait3A_418 = tpu.memref_squeeze %dma_wait3A_417 : memref<1x40x128xf32, #tpu.memory_space<vmem>> -> memref<40x128xf32, #tpu.memory_space<vmem>>
      %dma_wait3A_419 = arith.constant 0 : i32
      %dma_wait3A_420 = tpu.memref_slice %arg7[%dma_wait3A_413, %dma_wait3A_419] : memref<10x40xi32, #tpu.memory_space<vmem>> -> memref<1x40xi32, #tpu.memory_space<vmem>>
      %dma_wait3A_421 = tpu.memref_squeeze %dma_wait3A_420 : memref<1x40xi32, #tpu.memory_space<vmem>> -> memref<40xi32, #tpu.memory_space<vmem>>
      %dma_wait3A_422 = arith.constant 0 : i32
      %dma_wait3A_423 = arith.constant 0 : i32
      %dma_wait3A_424 = tpu.memref_slice %arg2[%dma_wait3A_422, %dma_wait3A_423] : memref<10000x128xf32, #tpu.memory_space<hbm>> -> memref<10000x128xf32, #tpu.memory_space<hbm>>
      tpu.wait_indirect_dma semaphore(%arg22 : memref<!tpu.dma_semaphore, #tpu.memory_space<semaphore_mem>>) src(%dma_wait3A_424 : memref<10000x128xf32, #tpu.memory_space<hbm>>) dst(%dma_wait3A_418 : memref<40x128xf32, #tpu.memory_space<vmem>>)
      %add3A_425 = arith.constant 40 : i32
      %add3A_426 = arith.addi %add3A_13, %add3A_425 : i32
      %dma_start3A_427 = arith.constant 3 : i32
      %dma_start3A_428 = arith.constant 0 : i32
      %dma_start3A_429 = arith.constant 0 : i32
      %dma_start3A_430 = tpu.memref_slice %arg8[%dma_start3A_427, %dma_start3A_428, %dma_start3A_429] : memref<10x40x128xf32, #tpu.memory_space<vmem>> -> memref<1x40x128xf32, #tpu.memory_space<vmem>>
      %dma_start3A_431 = tpu.memref_squeeze %dma_start3A_430 : memref<1x40x128xf32, #tpu.memory_space<vmem>> -> memref<40x128xf32, #tpu.memory_space<vmem>>
      %dma_start3A_432 = arith.constant 128 : i32
      %dma_start3A_433 = tpu.memref_slice %arg6[%add3A_426, %dma_start3A_432] : memref<160000x256xf32, #tpu.memory_space<hbm>> -> memref<40x128xf32, #tpu.memory_space<hbm>>
      %dma_start3A_434 = arith.constant 128 : i32
      %dma_start3A_435 = tpu.memref_slice %arg6[%add3A_426, %dma_start3A_434] : memref<160000x256xf32, #tpu.memory_space<hbm>> -> memref<40x128xf32, #tpu.memory_space<hbm>>
      %dma_start3A_436 = arith.constant 0 : i32
      %dma_start3A_437 = arith.constant 0 : i32
      %dma_start3A_438 = tpu.memref_slice %arg8[%dma_start3A_427, %dma_start3A_436, %dma_start3A_437] : memref<10x40x128xf32, #tpu.memory_space<vmem>> -> memref<1x40x128xf32, #tpu.memory_space<vmem>>
      %dma_start3A_439 = tpu.memref_squeeze %dma_start3A_438 : memref<1x40x128xf32, #tpu.memory_space<vmem>> -> memref<40x128xf32, #tpu.memory_space<vmem>>
      tpu.enqueue_dma source(%dma_start3A_439 : memref<40x128xf32, #tpu.memory_space<vmem>>) target(%dma_start3A_435 : memref<40x128xf32, #tpu.memory_space<hbm>>) target_semaphore(%arg32 : memref<!tpu.dma_semaphore, #tpu.memory_space<semaphore_mem>>)
      %dma_wait3A_440 = arith.constant 4 : i32
      %dma_wait3A_441 = arith.constant 4 : i32
      %dma_wait3A_442 = arith.constant 0 : i32
      %dma_wait3A_443 = arith.constant 0 : i32
      %dma_wait3A_444 = tpu.memref_slice %arg8[%dma_wait3A_441, %dma_wait3A_442, %dma_wait3A_443] : memref<10x40x128xf32, #tpu.memory_space<vmem>> -> memref<1x40x128xf32, #tpu.memory_space<vmem>>
      %dma_wait3A_445 = tpu.memref_squeeze %dma_wait3A_444 : memref<1x40x128xf32, #tpu.memory_space<vmem>> -> memref<40x128xf32, #tpu.memory_space<vmem>>
      %dma_wait3A_446 = arith.constant 0 : i32
      %dma_wait3A_447 = tpu.memref_slice %arg7[%dma_wait3A_440, %dma_wait3A_446] : memref<10x40xi32, #tpu.memory_space<vmem>> -> memref<1x40xi32, #tpu.memory_space<vmem>>
      %dma_wait3A_448 = tpu.memref_squeeze %dma_wait3A_447 : memref<1x40xi32, #tpu.memory_space<vmem>> -> memref<40xi32, #tpu.memory_space<vmem>>
      %dma_wait3A_449 = arith.constant 0 : i32
      %dma_wait3A_450 = arith.constant 0 : i32
      %dma_wait3A_451 = tpu.memref_slice %arg2[%dma_wait3A_449, %dma_wait3A_450] : memref<10000x128xf32, #tpu.memory_space<hbm>> -> memref<10000x128xf32, #tpu.memory_space<hbm>>
      tpu.wait_indirect_dma semaphore(%arg23 : memref<!tpu.dma_semaphore, #tpu.memory_space<semaphore_mem>>) src(%dma_wait3A_451 : memref<10000x128xf32, #tpu.memory_space<hbm>>) dst(%dma_wait3A_445 : memref<40x128xf32, #tpu.memory_space<vmem>>)
      %add3A_452 = arith.constant 80 : i32
      %add3A_453 = arith.addi %add3A_13, %add3A_452 : i32
      %dma_start3A_454 = arith.constant 4 : i32
      %dma_start3A_455 = arith.constant 0 : i32
      %dma_start3A_456 = arith.constant 0 : i32
      %dma_start3A_457 = tpu.memref_slice %arg8[%dma_start3A_454, %dma_start3A_455, %dma_start3A_456] : memref<10x40x128xf32, #tpu.memory_space<vmem>> -> memref<1x40x128xf32, #tpu.memory_space<vmem>>
      %dma_start3A_458 = tpu.memref_squeeze %dma_start3A_457 : memref<1x40x128xf32, #tpu.memory_space<vmem>> -> memref<40x128xf32, #tpu.memory_space<vmem>>
      %dma_start3A_459 = arith.constant 0 : i32
      %dma_start3A_460 = tpu.memref_slice %arg6[%add3A_453, %dma_start3A_459] : memref<160000x256xf32, #tpu.memory_space<hbm>> -> memref<40x128xf32, #tpu.memory_space<hbm>>
      %dma_start3A_461 = arith.constant 0 : i32
      %dma_start3A_462 = tpu.memref_slice %arg6[%add3A_453, %dma_start3A_461] : memref<160000x256xf32, #tpu.memory_space<hbm>> -> memref<40x128xf32, #tpu.memory_space<hbm>>
      %dma_start3A_463 = arith.constant 0 : i32
      %dma_start3A_464 = arith.constant 0 : i32
      %dma_start3A_465 = tpu.memref_slice %arg8[%dma_start3A_454, %dma_start3A_463, %dma_start3A_464] : memref<10x40x128xf32, #tpu.memory_space<vmem>> -> memref<1x40x128xf32, #tpu.memory_space<vmem>>
      %dma_start3A_466 = tpu.memref_squeeze %dma_start3A_465 : memref<1x40x128xf32, #tpu.memory_space<vmem>> -> memref<40x128xf32, #tpu.memory_space<vmem>>
      tpu.enqueue_dma source(%dma_start3A_466 : memref<40x128xf32, #tpu.memory_space<vmem>>) target(%dma_start3A_462 : memref<40x128xf32, #tpu.memory_space<hbm>>) target_semaphore(%arg33 : memref<!tpu.dma_semaphore, #tpu.memory_space<semaphore_mem>>)
      %dma_wait3A_467 = arith.constant 5 : i32
      %dma_wait3A_468 = arith.constant 5 : i32
      %dma_wait3A_469 = arith.constant 0 : i32
      %dma_wait3A_470 = arith.constant 0 : i32
      %dma_wait3A_471 = tpu.memref_slice %arg8[%dma_wait3A_468, %dma_wait3A_469, %dma_wait3A_470] : memref<10x40x128xf32, #tpu.memory_space<vmem>> -> memref<1x40x128xf32, #tpu.memory_space<vmem>>
      %dma_wait3A_472 = tpu.memref_squeeze %dma_wait3A_471 : memref<1x40x128xf32, #tpu.memory_space<vmem>> -> memref<40x128xf32, #tpu.memory_space<vmem>>
      %dma_wait3A_473 = arith.constant 0 : i32
      %dma_wait3A_474 = tpu.memref_slice %arg7[%dma_wait3A_467, %dma_wait3A_473] : memref<10x40xi32, #tpu.memory_space<vmem>> -> memref<1x40xi32, #tpu.memory_space<vmem>>
      %dma_wait3A_475 = tpu.memref_squeeze %dma_wait3A_474 : memref<1x40xi32, #tpu.memory_space<vmem>> -> memref<40xi32, #tpu.memory_space<vmem>>
      %dma_wait3A_476 = arith.constant 0 : i32
      %dma_wait3A_477 = arith.constant 0 : i32
      %dma_wait3A_478 = tpu.memref_slice %arg2[%dma_wait3A_476, %dma_wait3A_477] : memref<10000x128xf32, #tpu.memory_space<hbm>> -> memref<10000x128xf32, #tpu.memory_space<hbm>>
      tpu.wait_indirect_dma semaphore(%arg24 : memref<!tpu.dma_semaphore, #tpu.memory_space<semaphore_mem>>) src(%dma_wait3A_478 : memref<10000x128xf32, #tpu.memory_space<hbm>>) dst(%dma_wait3A_472 : memref<40x128xf32, #tpu.memory_space<vmem>>)
      %add3A_479 = arith.constant 80 : i32
      %add3A_480 = arith.addi %add3A_13, %add3A_479 : i32
      %dma_start3A_481 = arith.constant 5 : i32
      %dma_start3A_482 = arith.constant 0 : i32
      %dma_start3A_483 = arith.constant 0 : i32
      %dma_start3A_484 = tpu.memref_slice %arg8[%dma_start3A_481, %dma_start3A_482, %dma_start3A_483] : memref<10x40x128xf32, #tpu.memory_space<vmem>> -> memref<1x40x128xf32, #tpu.memory_space<vmem>>
      %dma_start3A_485 = tpu.memref_squeeze %dma_start3A_484 : memref<1x40x128xf32, #tpu.memory_space<vmem>> -> memref<40x128xf32, #tpu.memory_space<vmem>>
      %dma_start3A_486 = arith.constant 128 : i32
      %dma_start3A_487 = tpu.memref_slice %arg6[%add3A_480, %dma_start3A_486] : memref<160000x256xf32, #tpu.memory_space<hbm>> -> memref<40x128xf32, #tpu.memory_space<hbm>>
      %dma_start3A_488 = arith.constant 128 : i32
      %dma_start3A_489 = tpu.memref_slice %arg6[%add3A_480, %dma_start3A_488] : memref<160000x256xf32, #tpu.memory_space<hbm>> -> memref<40x128xf32, #tpu.memory_space<hbm>>
      %dma_start3A_490 = arith.constant 0 : i32
      %dma_start3A_491 = arith.constant 0 : i32
      %dma_start3A_492 = tpu.memref_slice %arg8[%dma_start3A_481, %dma_start3A_490, %dma_start3A_491] : memref<10x40x128xf32, #tpu.memory_space<vmem>> -> memref<1x40x128xf32, #tpu.memory_space<vmem>>
      %dma_start3A_493 = tpu.memref_squeeze %dma_start3A_492 : memref<1x40x128xf32, #tpu.memory_space<vmem>> -> memref<40x128xf32, #tpu.memory_space<vmem>>
      tpu.enqueue_dma source(%dma_start3A_493 : memref<40x128xf32, #tpu.memory_space<vmem>>) target(%dma_start3A_489 : memref<40x128xf32, #tpu.memory_space<hbm>>) target_semaphore(%arg34 : memref<!tpu.dma_semaphore, #tpu.memory_space<semaphore_mem>>)
      %dma_wait3A_494 = arith.constant 6 : i32
      %dma_wait3A_495 = arith.constant 6 : i32
      %dma_wait3A_496 = arith.constant 0 : i32
      %dma_wait3A_497 = arith.constant 0 : i32
      %dma_wait3A_498 = tpu.memref_slice %arg8[%dma_wait3A_495, %dma_wait3A_496, %dma_wait3A_497] : memref<10x40x128xf32, #tpu.memory_space<vmem>> -> memref<1x40x128xf32, #tpu.memory_space<vmem>>
      %dma_wait3A_499 = tpu.memref_squeeze %dma_wait3A_498 : memref<1x40x128xf32, #tpu.memory_space<vmem>> -> memref<40x128xf32, #tpu.memory_space<vmem>>
      %dma_wait3A_500 = arith.constant 0 : i32
      %dma_wait3A_501 = tpu.memref_slice %arg7[%dma_wait3A_494, %dma_wait3A_500] : memref<10x40xi32, #tpu.memory_space<vmem>> -> memref<1x40xi32, #tpu.memory_space<vmem>>
      %dma_wait3A_502 = tpu.memref_squeeze %dma_wait3A_501 : memref<1x40xi32, #tpu.memory_space<vmem>> -> memref<40xi32, #tpu.memory_space<vmem>>
      %dma_wait3A_503 = arith.constant 0 : i32
      %dma_wait3A_504 = arith.constant 0 : i32
      %dma_wait3A_505 = tpu.memref_slice %arg2[%dma_wait3A_503, %dma_wait3A_504] : memref<10000x128xf32, #tpu.memory_space<hbm>> -> memref<10000x128xf32, #tpu.memory_space<hbm>>
      tpu.wait_indirect_dma semaphore(%arg25 : memref<!tpu.dma_semaphore, #tpu.memory_space<semaphore_mem>>) src(%dma_wait3A_505 : memref<10000x128xf32, #tpu.memory_space<hbm>>) dst(%dma_wait3A_499 : memref<40x128xf32, #tpu.memory_space<vmem>>)
      %add3A_506 = arith.constant 120 : i32
      %add3A_507 = arith.addi %add3A_13, %add3A_506 : i32
      %dma_start3A_508 = arith.constant 6 : i32
      %dma_start3A_509 = arith.constant 0 : i32
      %dma_start3A_510 = arith.constant 0 : i32
      %dma_start3A_511 = tpu.memref_slice %arg8[%dma_start3A_508, %dma_start3A_509, %dma_start3A_510] : memref<10x40x128xf32, #tpu.memory_space<vmem>> -> memref<1x40x128xf32, #tpu.memory_space<vmem>>
      %dma_start3A_512 = tpu.memref_squeeze %dma_start3A_511 : memref<1x40x128xf32, #tpu.memory_space<vmem>> -> memref<40x128xf32, #tpu.memory_space<vmem>>
      %dma_start3A_513 = arith.constant 0 : i32
      %dma_start3A_514 = tpu.memref_slice %arg6[%add3A_507, %dma_start3A_513] : memref<160000x256xf32, #tpu.memory_space<hbm>> -> memref<40x128xf32, #tpu.memory_space<hbm>>
      %dma_start3A_515 = arith.constant 0 : i32
      %dma_start3A_516 = tpu.memref_slice %arg6[%add3A_507, %dma_start3A_515] : memref<160000x256xf32, #tpu.memory_space<hbm>> -> memref<40x128xf32, #tpu.memory_space<hbm>>
      %dma_start3A_517 = arith.constant 0 : i32
      %dma_start3A_518 = arith.constant 0 : i32
      %dma_start3A_519 = tpu.memref_slice %arg8[%dma_start3A_508, %dma_start3A_517, %dma_start3A_518] : memref<10x40x128xf32, #tpu.memory_space<vmem>> -> memref<1x40x128xf32, #tpu.memory_space<vmem>>
      %dma_start3A_520 = tpu.memref_squeeze %dma_start3A_519 : memref<1x40x128xf32, #tpu.memory_space<vmem>> -> memref<40x128xf32, #tpu.memory_space<vmem>>
      tpu.enqueue_dma source(%dma_start3A_520 : memref<40x128xf32, #tpu.memory_space<vmem>>) target(%dma_start3A_516 : memref<40x128xf32, #tpu.memory_space<hbm>>) target_semaphore(%arg35 : memref<!tpu.dma_semaphore, #tpu.memory_space<semaphore_mem>>)
      %dma_wait3A_521 = arith.constant 7 : i32
      %dma_wait3A_522 = arith.constant 7 : i32
      %dma_wait3A_523 = arith.constant 0 : i32
      %dma_wait3A_524 = arith.constant 0 : i32
      %dma_wait3A_525 = tpu.memref_slice %arg8[%dma_wait3A_522, %dma_wait3A_523, %dma_wait3A_524] : memref<10x40x128xf32, #tpu.memory_space<vmem>> -> memref<1x40x128xf32, #tpu.memory_space<vmem>>
      %dma_wait3A_526 = tpu.memref_squeeze %dma_wait3A_525 : memref<1x40x128xf32, #tpu.memory_space<vmem>> -> memref<40x128xf32, #tpu.memory_space<vmem>>
      %dma_wait3A_527 = arith.constant 0 : i32
      %dma_wait3A_528 = tpu.memref_slice %arg7[%dma_wait3A_521, %dma_wait3A_527] : memref<10x40xi32, #tpu.memory_space<vmem>> -> memref<1x40xi32, #tpu.memory_space<vmem>>
      %dma_wait3A_529 = tpu.memref_squeeze %dma_wait3A_528 : memref<1x40xi32, #tpu.memory_space<vmem>> -> memref<40xi32, #tpu.memory_space<vmem>>
      %dma_wait3A_530 = arith.constant 0 : i32
      %dma_wait3A_531 = arith.constant 0 : i32
      %dma_wait3A_532 = tpu.memref_slice %arg2[%dma_wait3A_530, %dma_wait3A_531] : memref<10000x128xf32, #tpu.memory_space<hbm>> -> memref<10000x128xf32, #tpu.memory_space<hbm>>
      tpu.wait_indirect_dma semaphore(%arg26 : memref<!tpu.dma_semaphore, #tpu.memory_space<semaphore_mem>>) src(%dma_wait3A_532 : memref<10000x128xf32, #tpu.memory_space<hbm>>) dst(%dma_wait3A_526 : memref<40x128xf32, #tpu.memory_space<vmem>>)
      %add3A_533 = arith.constant 120 : i32
      %add3A_534 = arith.addi %add3A_13, %add3A_533 : i32
      %dma_start3A_535 = arith.constant 7 : i32
      %dma_start3A_536 = arith.constant 0 : i32
      %dma_start3A_537 = arith.constant 0 : i32
      %dma_start3A_538 = tpu.memref_slice %arg8[%dma_start3A_535, %dma_start3A_536, %dma_start3A_537] : memref<10x40x128xf32, #tpu.memory_space<vmem>> -> memref<1x40x128xf32, #tpu.memory_space<vmem>>
      %dma_start3A_539 = tpu.memref_squeeze %dma_start3A_538 : memref<1x40x128xf32, #tpu.memory_space<vmem>> -> memref<40x128xf32, #tpu.memory_space<vmem>>
      %dma_start3A_540 = arith.constant 128 : i32
      %dma_start3A_541 = tpu.memref_slice %arg6[%add3A_534, %dma_start3A_540] : memref<160000x256xf32, #tpu.memory_space<hbm>> -> memref<40x128xf32, #tpu.memory_space<hbm>>
      %dma_start3A_542 = arith.constant 128 : i32
      %dma_start3A_543 = tpu.memref_slice %arg6[%add3A_534, %dma_start3A_542] : memref<160000x256xf32, #tpu.memory_space<hbm>> -> memref<40x128xf32, #tpu.memory_space<hbm>>
      %dma_start3A_544 = arith.constant 0 : i32
      %dma_start3A_545 = arith.constant 0 : i32
      %dma_start3A_546 = tpu.memref_slice %arg8[%dma_start3A_535, %dma_start3A_544, %dma_start3A_545] : memref<10x40x128xf32, #tpu.memory_space<vmem>> -> memref<1x40x128xf32, #tpu.memory_space<vmem>>
      %dma_start3A_547 = tpu.memref_squeeze %dma_start3A_546 : memref<1x40x128xf32, #tpu.memory_space<vmem>> -> memref<40x128xf32, #tpu.memory_space<vmem>>
      tpu.enqueue_dma source(%dma_start3A_547 : memref<40x128xf32, #tpu.memory_space<vmem>>) target(%dma_start3A_543 : memref<40x128xf32, #tpu.memory_space<hbm>>) target_semaphore(%arg36 : memref<!tpu.dma_semaphore, #tpu.memory_space<semaphore_mem>>)
      %dma_wait3A_548 = arith.constant 8 : i32
      %dma_wait3A_549 = arith.constant 8 : i32
      %dma_wait3A_550 = arith.constant 0 : i32
      %dma_wait3A_551 = arith.constant 0 : i32
      %dma_wait3A_552 = tpu.memref_slice %arg8[%dma_wait3A_549, %dma_wait3A_550, %dma_wait3A_551] : memref<10x40x128xf32, #tpu.memory_space<vmem>> -> memref<1x40x128xf32, #tpu.memory_space<vmem>>
      %dma_wait3A_553 = tpu.memref_squeeze %dma_wait3A_552 : memref<1x40x128xf32, #tpu.memory_space<vmem>> -> memref<40x128xf32, #tpu.memory_space<vmem>>
      %dma_wait3A_554 = arith.constant 0 : i32
      %dma_wait3A_555 = tpu.memref_slice %arg7[%dma_wait3A_548, %dma_wait3A_554] : memref<10x40xi32, #tpu.memory_space<vmem>> -> memref<1x40xi32, #tpu.memory_space<vmem>>
      %dma_wait3A_556 = tpu.memref_squeeze %dma_wait3A_555 : memref<1x40xi32, #tpu.memory_space<vmem>> -> memref<40xi32, #tpu.memory_space<vmem>>
      %dma_wait3A_557 = arith.constant 0 : i32
      %dma_wait3A_558 = arith.constant 0 : i32
      %dma_wait3A_559 = tpu.memref_slice %arg2[%dma_wait3A_557, %dma_wait3A_558] : memref<10000x128xf32, #tpu.memory_space<hbm>> -> memref<10000x128xf32, #tpu.memory_space<hbm>>
      tpu.wait_indirect_dma semaphore(%arg27 : memref<!tpu.dma_semaphore, #tpu.memory_space<semaphore_mem>>) src(%dma_wait3A_559 : memref<10000x128xf32, #tpu.memory_space<hbm>>) dst(%dma_wait3A_553 : memref<40x128xf32, #tpu.memory_space<vmem>>)
      %add3A_560 = arith.constant 160 : i32
      %add3A_561 = arith.addi %add3A_13, %add3A_560 : i32
      %dma_start3A_562 = arith.constant 8 : i32
      %dma_start3A_563 = arith.constant 0 : i32
      %dma_start3A_564 = arith.constant 0 : i32
      %dma_start3A_565 = tpu.memref_slice %arg8[%dma_start3A_562, %dma_start3A_563, %dma_start3A_564] : memref<10x40x128xf32, #tpu.memory_space<vmem>> -> memref<1x40x128xf32, #tpu.memory_space<vmem>>
      %dma_start3A_566 = tpu.memref_squeeze %dma_start3A_565 : memref<1x40x128xf32, #tpu.memory_space<vmem>> -> memref<40x128xf32, #tpu.memory_space<vmem>>
      %dma_start3A_567 = arith.constant 0 : i32
      %dma_start3A_568 = tpu.memref_slice %arg6[%add3A_561, %dma_start3A_567] : memref<160000x256xf32, #tpu.memory_space<hbm>> -> memref<40x128xf32, #tpu.memory_space<hbm>>
      %dma_start3A_569 = arith.constant 0 : i32
      %dma_start3A_570 = tpu.memref_slice %arg6[%add3A_561, %dma_start3A_569] : memref<160000x256xf32, #tpu.memory_space<hbm>> -> memref<40x128xf32, #tpu.memory_space<hbm>>
      %dma_start3A_571 = arith.constant 0 : i32
      %dma_start3A_572 = arith.constant 0 : i32
      %dma_start3A_573 = tpu.memref_slice %arg8[%dma_start3A_562, %dma_start3A_571, %dma_start3A_572] : memref<10x40x128xf32, #tpu.memory_space<vmem>> -> memref<1x40x128xf32, #tpu.memory_space<vmem>>
      %dma_start3A_574 = tpu.memref_squeeze %dma_start3A_573 : memref<1x40x128xf32, #tpu.memory_space<vmem>> -> memref<40x128xf32, #tpu.memory_space<vmem>>
      tpu.enqueue_dma source(%dma_start3A_574 : memref<40x128xf32, #tpu.memory_space<vmem>>) target(%dma_start3A_570 : memref<40x128xf32, #tpu.memory_space<hbm>>) target_semaphore(%arg37 : memref<!tpu.dma_semaphore, #tpu.memory_space<semaphore_mem>>)
      %dma_wait3A_575 = arith.constant 9 : i32
      %dma_wait3A_576 = arith.constant 9 : i32
      %dma_wait3A_577 = arith.constant 0 : i32
      %dma_wait3A_578 = arith.constant 0 : i32
      %dma_wait3A_579 = tpu.memref_slice %arg8[%dma_wait3A_576, %dma_wait3A_577, %dma_wait3A_578] : memref<10x40x128xf32, #tpu.memory_space<vmem>> -> memref<1x40x128xf32, #tpu.memory_space<vmem>>
      %dma_wait3A_580 = tpu.memref_squeeze %dma_wait3A_579 : memref<1x40x128xf32, #tpu.memory_space<vmem>> -> memref<40x128xf32, #tpu.memory_space<vmem>>
      %dma_wait3A_581 = arith.constant 0 : i32
      %dma_wait3A_582 = tpu.memref_slice %arg7[%dma_wait3A_575, %dma_wait3A_581] : memref<10x40xi32, #tpu.memory_space<vmem>> -> memref<1x40xi32, #tpu.memory_space<vmem>>
      %dma_wait3A_583 = tpu.memref_squeeze %dma_wait3A_582 : memref<1x40xi32, #tpu.memory_space<vmem>> -> memref<40xi32, #tpu.memory_space<vmem>>
      %dma_wait3A_584 = arith.constant 0 : i32
      %dma_wait3A_585 = arith.constant 0 : i32
      %dma_wait3A_586 = tpu.memref_slice %arg2[%dma_wait3A_584, %dma_wait3A_585] : memref<10000x128xf32, #tpu.memory_space<hbm>> -> memref<10000x128xf32, #tpu.memory_space<hbm>>
      tpu.wait_indirect_dma semaphore(%arg28 : memref<!tpu.dma_semaphore, #tpu.memory_space<semaphore_mem>>) src(%dma_wait3A_586 : memref<10000x128xf32, #tpu.memory_space<hbm>>) dst(%dma_wait3A_580 : memref<40x128xf32, #tpu.memory_space<vmem>>)
      %add3A_587 = arith.constant 160 : i32
      %add3A_588 = arith.addi %add3A_13, %add3A_587 : i32
      %dma_start3A_589 = arith.constant 9 : i32
      %dma_start3A_590 = arith.constant 0 : i32
      %dma_start3A_591 = arith.constant 0 : i32
      %dma_start3A_592 = tpu.memref_slice %arg8[%dma_start3A_589, %dma_start3A_590, %dma_start3A_591] : memref<10x40x128xf32, #tpu.memory_space<vmem>> -> memref<1x40x128xf32, #tpu.memory_space<vmem>>
      %dma_start3A_593 = tpu.memref_squeeze %dma_start3A_592 : memref<1x40x128xf32, #tpu.memory_space<vmem>> -> memref<40x128xf32, #tpu.memory_space<vmem>>
      %dma_start3A_594 = arith.constant 128 : i32
      %dma_start3A_595 = tpu.memref_slice %arg6[%add3A_588, %dma_start3A_594] : memref<160000x256xf32, #tpu.memory_space<hbm>> -> memref<40x128xf32, #tpu.memory_space<hbm>>
      %dma_start3A_596 = arith.constant 128 : i32
      %dma_start3A_597 = tpu.memref_slice %arg6[%add3A_588, %dma_start3A_596] : memref<160000x256xf32, #tpu.memory_space<hbm>> -> memref<40x128xf32, #tpu.memory_space<hbm>>
      %dma_start3A_598 = arith.constant 0 : i32
      %dma_start3A_599 = arith.constant 0 : i32
      %dma_start3A_600 = tpu.memref_slice %arg8[%dma_start3A_589, %dma_start3A_598, %dma_start3A_599] : memref<10x40x128xf32, #tpu.memory_space<vmem>> -> memref<1x40x128xf32, #tpu.memory_space<vmem>>
      %dma_start3A_601 = tpu.memref_squeeze %dma_start3A_600 : memref<1x40x128xf32, #tpu.memory_space<vmem>> -> memref<40x128xf32, #tpu.memory_space<vmem>>
      tpu.enqueue_dma source(%dma_start3A_601 : memref<40x128xf32, #tpu.memory_space<vmem>>) target(%dma_start3A_597 : memref<40x128xf32, #tpu.memory_space<hbm>>) target_semaphore(%arg38 : memref<!tpu.dma_semaphore, #tpu.memory_space<semaphore_mem>>)
      %dma_wait3A_602 = arith.constant 0 : i32
      %dma_wait3A_603 = arith.constant 0 : i32
      %dma_wait3A_604 = arith.constant 0 : i32
      %dma_wait3A_605 = tpu.memref_slice %arg8[%dma_wait3A_602, %dma_wait3A_603, %dma_wait3A_604] : memref<10x40x128xf32, #tpu.memory_space<vmem>> -> memref<1x40x128xf32, #tpu.memory_space<vmem>>
      %dma_wait3A_606 = tpu.memref_squeeze %dma_wait3A_605 : memref<1x40x128xf32, #tpu.memory_space<vmem>> -> memref<40x128xf32, #tpu.memory_space<vmem>>
      %dma_wait3A_607 = arith.constant 0 : i32
      %dma_wait3A_608 = tpu.memref_slice %arg6[%add3A_345, %dma_wait3A_607] : memref<160000x256xf32, #tpu.memory_space<hbm>> -> memref<40x128xf32, #tpu.memory_space<hbm>>
      %dma_wait3A_609 = arith.constant 0 : i32
      %dma_wait3A_610 = tpu.memref_slice %arg6[%add3A_345, %dma_wait3A_609] : memref<160000x256xf32, #tpu.memory_space<hbm>> -> memref<40x128xf32, #tpu.memory_space<hbm>>
      %dma_wait3A_611 = arith.constant 0 : i32
      %dma_wait3A_612 = arith.constant 0 : i32
      %dma_wait3A_613 = tpu.memref_slice %arg8[%dma_wait3A_602, %dma_wait3A_611, %dma_wait3A_612] : memref<10x40x128xf32, #tpu.memory_space<vmem>> -> memref<1x40x128xf32, #tpu.memory_space<vmem>>
      %dma_wait3A_614 = tpu.memref_squeeze %dma_wait3A_613 : memref<1x40x128xf32, #tpu.memory_space<vmem>> -> memref<40x128xf32, #tpu.memory_space<vmem>>
      tpu.wait_dma2 semaphore(%arg29 : memref<!tpu.dma_semaphore, #tpu.memory_space<semaphore_mem>>) src(%dma_wait3A_614 : memref<40x128xf32, #tpu.memory_space<vmem>>) dst(%dma_wait3A_610 : memref<40x128xf32, #tpu.memory_space<hbm>>)
      %dma_wait3A_615 = arith.constant 1 : i32
      %dma_wait3A_616 = arith.constant 0 : i32
      %dma_wait3A_617 = arith.constant 0 : i32
      %dma_wait3A_618 = tpu.memref_slice %arg8[%dma_wait3A_615, %dma_wait3A_616, %dma_wait3A_617] : memref<10x40x128xf32, #tpu.memory_space<vmem>> -> memref<1x40x128xf32, #tpu.memory_space<vmem>>
      %dma_wait3A_619 = tpu.memref_squeeze %dma_wait3A_618 : memref<1x40x128xf32, #tpu.memory_space<vmem>> -> memref<40x128xf32, #tpu.memory_space<vmem>>
      %dma_wait3A_620 = arith.constant 128 : i32
      %dma_wait3A_621 = tpu.memref_slice %arg6[%add3A_372, %dma_wait3A_620] : memref<160000x256xf32, #tpu.memory_space<hbm>> -> memref<40x128xf32, #tpu.memory_space<hbm>>
      %dma_wait3A_622 = arith.constant 128 : i32
      %dma_wait3A_623 = tpu.memref_slice %arg6[%add3A_372, %dma_wait3A_622] : memref<160000x256xf32, #tpu.memory_space<hbm>> -> memref<40x128xf32, #tpu.memory_space<hbm>>
      %dma_wait3A_624 = arith.constant 0 : i32
      %dma_wait3A_625 = arith.constant 0 : i32
      %dma_wait3A_626 = tpu.memref_slice %arg8[%dma_wait3A_615, %dma_wait3A_624, %dma_wait3A_625] : memref<10x40x128xf32, #tpu.memory_space<vmem>> -> memref<1x40x128xf32, #tpu.memory_space<vmem>>
      %dma_wait3A_627 = tpu.memref_squeeze %dma_wait3A_626 : memref<1x40x128xf32, #tpu.memory_space<vmem>> -> memref<40x128xf32, #tpu.memory_space<vmem>>
      tpu.wait_dma2 semaphore(%arg30 : memref<!tpu.dma_semaphore, #tpu.memory_space<semaphore_mem>>) src(%dma_wait3A_627 : memref<40x128xf32, #tpu.memory_space<vmem>>) dst(%dma_wait3A_623 : memref<40x128xf32, #tpu.memory_space<hbm>>)
      %dma_wait3A_628 = arith.constant 2 : i32
      %dma_wait3A_629 = arith.constant 0 : i32
      %dma_wait3A_630 = arith.constant 0 : i32
      %dma_wait3A_631 = tpu.memref_slice %arg8[%dma_wait3A_628, %dma_wait3A_629, %dma_wait3A_630] : memref<10x40x128xf32, #tpu.memory_space<vmem>> -> memref<1x40x128xf32, #tpu.memory_space<vmem>>
      %dma_wait3A_632 = tpu.memref_squeeze %dma_wait3A_631 : memref<1x40x128xf32, #tpu.memory_space<vmem>> -> memref<40x128xf32, #tpu.memory_space<vmem>>
      %dma_wait3A_633 = arith.constant 0 : i32
      %dma_wait3A_634 = tpu.memref_slice %arg6[%add3A_399, %dma_wait3A_633] : memref<160000x256xf32, #tpu.memory_space<hbm>> -> memref<40x128xf32, #tpu.memory_space<hbm>>
      %dma_wait3A_635 = arith.constant 0 : i32
      %dma_wait3A_636 = tpu.memref_slice %arg6[%add3A_399, %dma_wait3A_635] : memref<160000x256xf32, #tpu.memory_space<hbm>> -> memref<40x128xf32, #tpu.memory_space<hbm>>
      %dma_wait3A_637 = arith.constant 0 : i32
      %dma_wait3A_638 = arith.constant 0 : i32
      %dma_wait3A_639 = tpu.memref_slice %arg8[%dma_wait3A_628, %dma_wait3A_637, %dma_wait3A_638] : memref<10x40x128xf32, #tpu.memory_space<vmem>> -> memref<1x40x128xf32, #tpu.memory_space<vmem>>
      %dma_wait3A_640 = tpu.memref_squeeze %dma_wait3A_639 : memref<1x40x128xf32, #tpu.memory_space<vmem>> -> memref<40x128xf32, #tpu.memory_space<vmem>>
      tpu.wait_dma2 semaphore(%arg31 : memref<!tpu.dma_semaphore, #tpu.memory_space<semaphore_mem>>) src(%dma_wait3A_640 : memref<40x128xf32, #tpu.memory_space<vmem>>) dst(%dma_wait3A_636 : memref<40x128xf32, #tpu.memory_space<hbm>>)
      %dma_wait3A_641 = arith.constant 3 : i32
      %dma_wait3A_642 = arith.constant 0 : i32
      %dma_wait3A_643 = arith.constant 0 : i32
      %dma_wait3A_644 = tpu.memref_slice %arg8[%dma_wait3A_641, %dma_wait3A_642, %dma_wait3A_643] : memref<10x40x128xf32, #tpu.memory_space<vmem>> -> memref<1x40x128xf32, #tpu.memory_space<vmem>>
      %dma_wait3A_645 = tpu.memref_squeeze %dma_wait3A_644 : memref<1x40x128xf32, #tpu.memory_space<vmem>> -> memref<40x128xf32, #tpu.memory_space<vmem>>
      %dma_wait3A_646 = arith.constant 128 : i32
      %dma_wait3A_647 = tpu.memref_slice %arg6[%add3A_426, %dma_wait3A_646] : memref<160000x256xf32, #tpu.memory_space<hbm>> -> memref<40x128xf32, #tpu.memory_space<hbm>>
      %dma_wait3A_648 = arith.constant 128 : i32
      %dma_wait3A_649 = tpu.memref_slice %arg6[%add3A_426, %dma_wait3A_648] : memref<160000x256xf32, #tpu.memory_space<hbm>> -> memref<40x128xf32, #tpu.memory_space<hbm>>
      %dma_wait3A_650 = arith.constant 0 : i32
      %dma_wait3A_651 = arith.constant 0 : i32
      %dma_wait3A_652 = tpu.memref_slice %arg8[%dma_wait3A_641, %dma_wait3A_650, %dma_wait3A_651] : memref<10x40x128xf32, #tpu.memory_space<vmem>> -> memref<1x40x128xf32, #tpu.memory_space<vmem>>
      %dma_wait3A_653 = tpu.memref_squeeze %dma_wait3A_652 : memref<1x40x128xf32, #tpu.memory_space<vmem>> -> memref<40x128xf32, #tpu.memory_space<vmem>>
      tpu.wait_dma2 semaphore(%arg32 : memref<!tpu.dma_semaphore, #tpu.memory_space<semaphore_mem>>) src(%dma_wait3A_653 : memref<40x128xf32, #tpu.memory_space<vmem>>) dst(%dma_wait3A_649 : memref<40x128xf32, #tpu.memory_space<hbm>>)
      %dma_wait3A_654 = arith.constant 4 : i32
      %dma_wait3A_655 = arith.constant 0 : i32
      %dma_wait3A_656 = arith.constant 0 : i32
      %dma_wait3A_657 = tpu.memref_slice %arg8[%dma_wait3A_654, %dma_wait3A_655, %dma_wait3A_656] : memref<10x40x128xf32, #tpu.memory_space<vmem>> -> memref<1x40x128xf32, #tpu.memory_space<vmem>>
      %dma_wait3A_658 = tpu.memref_squeeze %dma_wait3A_657 : memref<1x40x128xf32, #tpu.memory_space<vmem>> -> memref<40x128xf32, #tpu.memory_space<vmem>>
      %dma_wait3A_659 = arith.constant 0 : i32
      %dma_wait3A_660 = tpu.memref_slice %arg6[%add3A_453, %dma_wait3A_659] : memref<160000x256xf32, #tpu.memory_space<hbm>> -> memref<40x128xf32, #tpu.memory_space<hbm>>
      %dma_wait3A_661 = arith.constant 0 : i32
      %dma_wait3A_662 = tpu.memref_slice %arg6[%add3A_453, %dma_wait3A_661] : memref<160000x256xf32, #tpu.memory_space<hbm>> -> memref<40x128xf32, #tpu.memory_space<hbm>>
      %dma_wait3A_663 = arith.constant 0 : i32
      %dma_wait3A_664 = arith.constant 0 : i32
      %dma_wait3A_665 = tpu.memref_slice %arg8[%dma_wait3A_654, %dma_wait3A_663, %dma_wait3A_664] : memref<10x40x128xf32, #tpu.memory_space<vmem>> -> memref<1x40x128xf32, #tpu.memory_space<vmem>>
      %dma_wait3A_666 = tpu.memref_squeeze %dma_wait3A_665 : memref<1x40x128xf32, #tpu.memory_space<vmem>> -> memref<40x128xf32, #tpu.memory_space<vmem>>
      tpu.wait_dma2 semaphore(%arg33 : memref<!tpu.dma_semaphore, #tpu.memory_space<semaphore_mem>>) src(%dma_wait3A_666 : memref<40x128xf32, #tpu.memory_space<vmem>>) dst(%dma_wait3A_662 : memref<40x128xf32, #tpu.memory_space<hbm>>)
      %dma_wait3A_667 = arith.constant 5 : i32
      %dma_wait3A_668 = arith.constant 0 : i32
      %dma_wait3A_669 = arith.constant 0 : i32
      %dma_wait3A_670 = tpu.memref_slice %arg8[%dma_wait3A_667, %dma_wait3A_668, %dma_wait3A_669] : memref<10x40x128xf32, #tpu.memory_space<vmem>> -> memref<1x40x128xf32, #tpu.memory_space<vmem>>
      %dma_wait3A_671 = tpu.memref_squeeze %dma_wait3A_670 : memref<1x40x128xf32, #tpu.memory_space<vmem>> -> memref<40x128xf32, #tpu.memory_space<vmem>>
      %dma_wait3A_672 = arith.constant 128 : i32
      %dma_wait3A_673 = tpu.memref_slice %arg6[%add3A_480, %dma_wait3A_672] : memref<160000x256xf32, #tpu.memory_space<hbm>> -> memref<40x128xf32, #tpu.memory_space<hbm>>
      %dma_wait3A_674 = arith.constant 128 : i32
      %dma_wait3A_675 = tpu.memref_slice %arg6[%add3A_480, %dma_wait3A_674] : memref<160000x256xf32, #tpu.memory_space<hbm>> -> memref<40x128xf32, #tpu.memory_space<hbm>>
      %dma_wait3A_676 = arith.constant 0 : i32
      %dma_wait3A_677 = arith.constant 0 : i32
      %dma_wait3A_678 = tpu.memref_slice %arg8[%dma_wait3A_667, %dma_wait3A_676, %dma_wait3A_677] : memref<10x40x128xf32, #tpu.memory_space<vmem>> -> memref<1x40x128xf32, #tpu.memory_space<vmem>>
      %dma_wait3A_679 = tpu.memref_squeeze %dma_wait3A_678 : memref<1x40x128xf32, #tpu.memory_space<vmem>> -> memref<40x128xf32, #tpu.memory_space<vmem>>
      tpu.wait_dma2 semaphore(%arg34 : memref<!tpu.dma_semaphore, #tpu.memory_space<semaphore_mem>>) src(%dma_wait3A_679 : memref<40x128xf32, #tpu.memory_space<vmem>>) dst(%dma_wait3A_675 : memref<40x128xf32, #tpu.memory_space<hbm>>)
      %dma_wait3A_680 = arith.constant 6 : i32
      %dma_wait3A_681 = arith.constant 0 : i32
      %dma_wait3A_682 = arith.constant 0 : i32
      %dma_wait3A_683 = tpu.memref_slice %arg8[%dma_wait3A_680, %dma_wait3A_681, %dma_wait3A_682] : memref<10x40x128xf32, #tpu.memory_space<vmem>> -> memref<1x40x128xf32, #tpu.memory_space<vmem>>
      %dma_wait3A_684 = tpu.memref_squeeze %dma_wait3A_683 : memref<1x40x128xf32, #tpu.memory_space<vmem>> -> memref<40x128xf32, #tpu.memory_space<vmem>>
      %dma_wait3A_685 = arith.constant 0 : i32
      %dma_wait3A_686 = tpu.memref_slice %arg6[%add3A_507, %dma_wait3A_685] : memref<160000x256xf32, #tpu.memory_space<hbm>> -> memref<40x128xf32, #tpu.memory_space<hbm>>
      %dma_wait3A_687 = arith.constant 0 : i32
      %dma_wait3A_688 = tpu.memref_slice %arg6[%add3A_507, %dma_wait3A_687] : memref<160000x256xf32, #tpu.memory_space<hbm>> -> memref<40x128xf32, #tpu.memory_space<hbm>>
      %dma_wait3A_689 = arith.constant 0 : i32
      %dma_wait3A_690 = arith.constant 0 : i32
      %dma_wait3A_691 = tpu.memref_slice %arg8[%dma_wait3A_680, %dma_wait3A_689, %dma_wait3A_690] : memref<10x40x128xf32, #tpu.memory_space<vmem>> -> memref<1x40x128xf32, #tpu.memory_space<vmem>>
      %dma_wait3A_692 = tpu.memref_squeeze %dma_wait3A_691 : memref<1x40x128xf32, #tpu.memory_space<vmem>> -> memref<40x128xf32, #tpu.memory_space<vmem>>
      tpu.wait_dma2 semaphore(%arg35 : memref<!tpu.dma_semaphore, #tpu.memory_space<semaphore_mem>>) src(%dma_wait3A_692 : memref<40x128xf32, #tpu.memory_space<vmem>>) dst(%dma_wait3A_688 : memref<40x128xf32, #tpu.memory_space<hbm>>)
      %dma_wait3A_693 = arith.constant 7 : i32
      %dma_wait3A_694 = arith.constant 0 : i32
      %dma_wait3A_695 = arith.constant 0 : i32
      %dma_wait3A_696 = tpu.memref_slice %arg8[%dma_wait3A_693, %dma_wait3A_694, %dma_wait3A_695] : memref<10x40x128xf32, #tpu.memory_space<vmem>> -> memref<1x40x128xf32, #tpu.memory_space<vmem>>
      %dma_wait3A_697 = tpu.memref_squeeze %dma_wait3A_696 : memref<1x40x128xf32, #tpu.memory_space<vmem>> -> memref<40x128xf32, #tpu.memory_space<vmem>>
      %dma_wait3A_698 = arith.constant 128 : i32
      %dma_wait3A_699 = tpu.memref_slice %arg6[%add3A_534, %dma_wait3A_698] : memref<160000x256xf32, #tpu.memory_space<hbm>> -> memref<40x128xf32, #tpu.memory_space<hbm>>
      %dma_wait3A_700 = arith.constant 128 : i32
      %dma_wait3A_701 = tpu.memref_slice %arg6[%add3A_534, %dma_wait3A_700] : memref<160000x256xf32, #tpu.memory_space<hbm>> -> memref<40x128xf32, #tpu.memory_space<hbm>>
      %dma_wait3A_702 = arith.constant 0 : i32
      %dma_wait3A_703 = arith.constant 0 : i32
      %dma_wait3A_704 = tpu.memref_slice %arg8[%dma_wait3A_693, %dma_wait3A_702, %dma_wait3A_703] : memref<10x40x128xf32, #tpu.memory_space<vmem>> -> memref<1x40x128xf32, #tpu.memory_space<vmem>>
      %dma_wait3A_705 = tpu.memref_squeeze %dma_wait3A_704 : memref<1x40x128xf32, #tpu.memory_space<vmem>> -> memref<40x128xf32, #tpu.memory_space<vmem>>
      tpu.wait_dma2 semaphore(%arg36 : memref<!tpu.dma_semaphore, #tpu.memory_space<semaphore_mem>>) src(%dma_wait3A_705 : memref<40x128xf32, #tpu.memory_space<vmem>>) dst(%dma_wait3A_701 : memref<40x128xf32, #tpu.memory_space<hbm>>)
      %dma_wait3A_706 = arith.constant 8 : i32
      %dma_wait3A_707 = arith.constant 0 : i32
      %dma_wait3A_708 = arith.constant 0 : i32
      %dma_wait3A_709 = tpu.memref_slice %arg8[%dma_wait3A_706, %dma_wait3A_707, %dma_wait3A_708] : memref<10x40x128xf32, #tpu.memory_space<vmem>> -> memref<1x40x128xf32, #tpu.memory_space<vmem>>
      %dma_wait3A_710 = tpu.memref_squeeze %dma_wait3A_709 : memref<1x40x128xf32, #tpu.memory_space<vmem>> -> memref<40x128xf32, #tpu.memory_space<vmem>>
      %dma_wait3A_711 = arith.constant 0 : i32
      %dma_wait3A_712 = tpu.memref_slice %arg6[%add3A_561, %dma_wait3A_711] : memref<160000x256xf32, #tpu.memory_space<hbm>> -> memref<40x128xf32, #tpu.memory_space<hbm>>
      %dma_wait3A_713 = arith.constant 0 : i32
      %dma_wait3A_714 = tpu.memref_slice %arg6[%add3A_561, %dma_wait3A_713] : memref<160000x256xf32, #tpu.memory_space<hbm>> -> memref<40x128xf32, #tpu.memory_space<hbm>>
      %dma_wait3A_715 = arith.constant 0 : i32
      %dma_wait3A_716 = arith.constant 0 : i32
      %dma_wait3A_717 = tpu.memref_slice %arg8[%dma_wait3A_706, %dma_wait3A_715, %dma_wait3A_716] : memref<10x40x128xf32, #tpu.memory_space<vmem>> -> memref<1x40x128xf32, #tpu.memory_space<vmem>>
      %dma_wait3A_718 = tpu.memref_squeeze %dma_wait3A_717 : memref<1x40x128xf32, #tpu.memory_space<vmem>> -> memref<40x128xf32, #tpu.memory_space<vmem>>
      tpu.wait_dma2 semaphore(%arg37 : memref<!tpu.dma_semaphore, #tpu.memory_space<semaphore_mem>>) src(%dma_wait3A_718 : memref<40x128xf32, #tpu.memory_space<vmem>>) dst(%dma_wait3A_714 : memref<40x128xf32, #tpu.memory_space<hbm>>)
      %dma_wait3A_719 = arith.constant 9 : i32
      %dma_wait3A_720 = arith.constant 0 : i32
      %dma_wait3A_721 = arith.constant 0 : i32
      %dma_wait3A_722 = tpu.memref_slice %arg8[%dma_wait3A_719, %dma_wait3A_720, %dma_wait3A_721] : memref<10x40x128xf32, #tpu.memory_space<vmem>> -> memref<1x40x128xf32, #tpu.memory_space<vmem>>
      %dma_wait3A_723 = tpu.memref_squeeze %dma_wait3A_722 : memref<1x40x128xf32, #tpu.memory_space<vmem>> -> memref<40x128xf32, #tpu.memory_space<vmem>>
      %dma_wait3A_724 = arith.constant 128 : i32
      %dma_wait3A_725 = tpu.memref_slice %arg6[%add3A_588, %dma_wait3A_724] : memref<160000x256xf32, #tpu.memory_space<hbm>> -> memref<40x128xf32, #tpu.memory_space<hbm>>
      %dma_wait3A_726 = arith.constant 128 : i32
      %dma_wait3A_727 = tpu.memref_slice %arg6[%add3A_588, %dma_wait3A_726] : memref<160000x256xf32, #tpu.memory_space<hbm>> -> memref<40x128xf32, #tpu.memory_space<hbm>>
      %dma_wait3A_728 = arith.constant 0 : i32
      %dma_wait3A_729 = arith.constant 0 : i32
      %dma_wait3A_730 = tpu.memref_slice %arg8[%dma_wait3A_719, %dma_wait3A_728, %dma_wait3A_729] : memref<10x40x128xf32, #tpu.memory_space<vmem>> -> memref<1x40x128xf32, #tpu.memory_space<vmem>>
      %dma_wait3A_731 = tpu.memref_squeeze %dma_wait3A_730 : memref<1x40x128xf32, #tpu.memory_space<vmem>> -> memref<40x128xf32, #tpu.memory_space<vmem>>
      tpu.wait_dma2 semaphore(%arg38 : memref<!tpu.dma_semaphore, #tpu.memory_space<semaphore_mem>>) src(%dma_wait3A_731 : memref<40x128xf32, #tpu.memory_space<vmem>>) dst(%dma_wait3A_727 : memref<40x128xf32, #tpu.memory_space<hbm>>)
    }
    %scan3A_7 = arith.constant 25 : i32
    return
  }
}

#map = affine_map<(d0, d1) -> (0, 0)>
#map1 = affine_map<(d0, d1) -> (0)>
module attributes {stable_mosaic.version = 14 : i64} {
  func.func @body(%arg0: i32, %arg1: i32, %arg2: memref<10000x128xf32, #tpu.memory_space<hbm>>, %arg3: memref<160000xi32, #tpu.memory_space<hbm>>, %arg4: memref<160000xi32, #tpu.memory_space<hbm>>, %arg5: memref<160000x256xf32, #tpu.memory_space<hbm>>, %arg6: memref<10x40xi32, #tpu.memory_space<vmem>>, %arg7: memref<10x40x128xf32, #tpu.memory_space<vmem>>, %arg8: memref<!tpu.dma_semaphore, #tpu.memory_space<semaphore_mem>>, %arg9: memref<!tpu.dma_semaphore, #tpu.memory_space<semaphore_mem>>, %arg10: memref<!tpu.dma_semaphore, #tpu.memory_space<semaphore_mem>>, %arg11: memref<!tpu.dma_semaphore, #tpu.memory_space<semaphore_mem>>, %arg12: memref<!tpu.dma_semaphore, #tpu.memory_space<semaphore_mem>>, %arg13: memref<!tpu.dma_semaphore, #tpu.memory_space<semaphore_mem>>, %arg14: memref<!tpu.dma_semaphore, #tpu.memory_space<semaphore_mem>>, %arg15: memref<!tpu.dma_semaphore, #tpu.memory_space<semaphore_mem>>, %arg16: memref<!tpu.dma_semaphore, #tpu.memory_space<semaphore_mem>>, %arg17: memref<!tpu.dma_semaphore, #tpu.memory_space<semaphore_mem>>, %arg18: memref<!tpu.dma_semaphore, #tpu.memory_space<semaphore_mem>>, %arg19: memref<!tpu.dma_semaphore, #tpu.memory_space<semaphore_mem>>, %arg20: memref<!tpu.dma_semaphore, #tpu.memory_space<semaphore_mem>>, %arg21: memref<!tpu.dma_semaphore, #tpu.memory_space<semaphore_mem>>, %arg22: memref<!tpu.dma_semaphore, #tpu.memory_space<semaphore_mem>>, %arg23: memref<!tpu.dma_semaphore, #tpu.memory_space<semaphore_mem>>, %arg24: memref<!tpu.dma_semaphore, #tpu.memory_space<semaphore_mem>>, %arg25: memref<!tpu.dma_semaphore, #tpu.memory_space<semaphore_mem>>, %arg26: memref<!tpu.dma_semaphore, #tpu.memory_space<semaphore_mem>>, %arg27: memref<!tpu.dma_semaphore, #tpu.memory_space<semaphore_mem>>, %arg28: memref<!tpu.dma_semaphore, #tpu.memory_space<semaphore_mem>>, %arg29: memref<!tpu.dma_semaphore, #tpu.memory_space<semaphore_mem>>, %arg30: memref<!tpu.dma_semaphore, #tpu.memory_space<semaphore_mem>>, %arg31: memref<!tpu.dma_semaphore, #tpu.memory_space<semaphore_mem>>, %arg32: memref<!tpu.dma_semaphore, #tpu.memory_space<semaphore_mem>>, %arg33: memref<!tpu.dma_semaphore, #tpu.memory_space<semaphore_mem>>, %arg34: memref<!tpu.dma_semaphore, #tpu.memory_space<semaphore_mem>>, %arg35: memref<!tpu.dma_semaphore, #tpu.memory_space<semaphore_mem>>, %arg36: memref<!tpu.dma_semaphore, #tpu.memory_space<semaphore_mem>>, %arg37: memref<!tpu.dma_semaphore, #tpu.memory_space<semaphore_mem>>) attributes {dimension_semantics = [#tpu.dimension_semantics<core_parallel>, #tpu.dimension_semantics<subcore_parallel>], iteration_bounds = array<i64: 2, 16>, scalar_prefetch = 0 : i64, scratch_operands = 32 : i64, tpu.core_type = #tpu.core_type<sc_vector_subcore>, window_params = [{transform_indices = #map}, {transform_indices = #map1}, {transform_indices = #map1}, {transform_indices = #map}]} {
    %mul3A = arith.constant 2 : i32
    %mul3A_0 = arith.muli %arg1, %mul3A : i32
    %add3A = arith.addi %mul3A_0, %arg0 : i32
    %mul3A_1 = arith.constant 5000 : i32
    %mul3A_2 = arith.muli %add3A, %mul3A_1 : i32
    %scan3A = arith.constant 0 : i32
    %scan3A_3 = arith.constant 0 : i32
    %scan3A_4 = arith.constant 25 : i32
    %scan3A_5 = arith.addi %scan3A_3, %scan3A_4 : i32
    %scan3A_6 = arith.constant 1 : i32
    scf.for %scan3A_8 = %scan3A_3 to %scan3A_5 step %scan3A_6  : i32 {
      %mul3A_9 = arith.constant 5 : i32
      %mul3A_10 = arith.muli %scan3A_8, %mul3A_9 : i32
      %mul3A_11 = arith.constant 40 : i32
      %mul3A_12 = arith.muli %mul3A_10, %mul3A_11 : i32
      %add3A_13 = arith.addi %mul3A_2, %mul3A_12 : i32
      %add3A_14 = arith.constant 0 : i32
      %add3A_15 = arith.addi %add3A_13, %add3A_14 : i32
      %dma_start3A = arith.constant 0 : i32
      %dma_start3A_16 = arith.constant 0 : i32
      %dma_start3A_17 = tpu.memref_slice %arg6[%dma_start3A, %dma_start3A_16] : memref<10x40xi32, #tpu.memory_space<vmem>> -> memref<1x40xi32, #tpu.memory_space<vmem>>
      %dma_start3A_18 = tpu.memref_squeeze %dma_start3A_17 : memref<1x40xi32, #tpu.memory_space<vmem>> -> memref<40xi32, #tpu.memory_space<vmem>>
      %dma_start3A_19 = tpu.memref_slice %arg3[%add3A_15] : memref<160000xi32, #tpu.memory_space<hbm>> -> memref<40xi32, #tpu.memory_space<hbm>>
      %dma_start3A_20 = arith.constant 0 : i32
      %dma_start3A_21 = tpu.memref_slice %arg6[%dma_start3A, %dma_start3A_20] : memref<10x40xi32, #tpu.memory_space<vmem>> -> memref<1x40xi32, #tpu.memory_space<vmem>>
      %dma_start3A_22 = tpu.memref_squeeze %dma_start3A_21 : memref<1x40xi32, #tpu.memory_space<vmem>> -> memref<40xi32, #tpu.memory_space<vmem>>
      %dma_start3A_23 = tpu.memref_slice %arg3[%add3A_15] : memref<160000xi32, #tpu.memory_space<hbm>> -> memref<40xi32, #tpu.memory_space<hbm>>
      tpu.enqueue_dma source(%dma_start3A_23 : memref<40xi32, #tpu.memory_space<hbm>>) target(%dma_start3A_22 : memref<40xi32, #tpu.memory_space<vmem>>) target_semaphore(%arg8 : memref<!tpu.dma_semaphore, #tpu.memory_space<semaphore_mem>>)
      %add3A_24 = arith.constant 0 : i32
      %add3A_25 = arith.addi %add3A_13, %add3A_24 : i32
      %dma_start3A_26 = arith.constant 1 : i32
      %dma_start3A_27 = arith.constant 0 : i32
      %dma_start3A_28 = tpu.memref_slice %arg6[%dma_start3A_26, %dma_start3A_27] : memref<10x40xi32, #tpu.memory_space<vmem>> -> memref<1x40xi32, #tpu.memory_space<vmem>>
      %dma_start3A_29 = tpu.memref_squeeze %dma_start3A_28 : memref<1x40xi32, #tpu.memory_space<vmem>> -> memref<40xi32, #tpu.memory_space<vmem>>
      %dma_start3A_30 = tpu.memref_slice %arg4[%add3A_25] : memref<160000xi32, #tpu.memory_space<hbm>> -> memref<40xi32, #tpu.memory_space<hbm>>
      %dma_start3A_31 = arith.constant 0 : i32
      %dma_start3A_32 = tpu.memref_slice %arg6[%dma_start3A_26, %dma_start3A_31] : memref<10x40xi32, #tpu.memory_space<vmem>> -> memref<1x40xi32, #tpu.memory_space<vmem>>
      %dma_start3A_33 = tpu.memref_squeeze %dma_start3A_32 : memref<1x40xi32, #tpu.memory_space<vmem>> -> memref<40xi32, #tpu.memory_space<vmem>>
      %dma_start3A_34 = tpu.memref_slice %arg4[%add3A_25] : memref<160000xi32, #tpu.memory_space<hbm>> -> memref<40xi32, #tpu.memory_space<hbm>>
      tpu.enqueue_dma source(%dma_start3A_34 : memref<40xi32, #tpu.memory_space<hbm>>) target(%dma_start3A_33 : memref<40xi32, #tpu.memory_space<vmem>>) target_semaphore(%arg9 : memref<!tpu.dma_semaphore, #tpu.memory_space<semaphore_mem>>)
      %add3A_35 = arith.constant 40 : i32
      %add3A_36 = arith.addi %add3A_13, %add3A_35 : i32
      %dma_start3A_37 = arith.constant 2 : i32
      %dma_start3A_38 = arith.constant 0 : i32
      %dma_start3A_39 = tpu.memref_slice %arg6[%dma_start3A_37, %dma_start3A_38] : memref<10x40xi32, #tpu.memory_space<vmem>> -> memref<1x40xi32, #tpu.memory_space<vmem>>
      %dma_start3A_40 = tpu.memref_squeeze %dma_start3A_39 : memref<1x40xi32, #tpu.memory_space<vmem>> -> memref<40xi32, #tpu.memory_space<vmem>>
      %dma_start3A_41 = tpu.memref_slice %arg3[%add3A_36] : memref<160000xi32, #tpu.memory_space<hbm>> -> memref<40xi32, #tpu.memory_space<hbm>>
      %dma_start3A_42 = arith.constant 0 : i32
      %dma_start3A_43 = tpu.memref_slice %arg6[%dma_start3A_37, %dma_start3A_42] : memref<10x40xi32, #tpu.memory_space<vmem>> -> memref<1x40xi32, #tpu.memory_space<vmem>>
      %dma_start3A_44 = tpu.memref_squeeze %dma_start3A_43 : memref<1x40xi32, #tpu.memory_space<vmem>> -> memref<40xi32, #tpu.memory_space<vmem>>
      %dma_start3A_45 = tpu.memref_slice %arg3[%add3A_36] : memref<160000xi32, #tpu.memory_space<hbm>> -> memref<40xi32, #tpu.memory_space<hbm>>
      tpu.enqueue_dma source(%dma_start3A_45 : memref<40xi32, #tpu.memory_space<hbm>>) target(%dma_start3A_44 : memref<40xi32, #tpu.memory_space<vmem>>) target_semaphore(%arg10 : memref<!tpu.dma_semaphore, #tpu.memory_space<semaphore_mem>>)
      %add3A_46 = arith.constant 40 : i32
      %add3A_47 = arith.addi %add3A_13, %add3A_46 : i32
      %dma_start3A_48 = arith.constant 3 : i32
      %dma_start3A_49 = arith.constant 0 : i32
      %dma_start3A_50 = tpu.memref_slice %arg6[%dma_start3A_48, %dma_start3A_49] : memref<10x40xi32, #tpu.memory_space<vmem>> -> memref<1x40xi32, #tpu.memory_space<vmem>>
      %dma_start3A_51 = tpu.memref_squeeze %dma_start3A_50 : memref<1x40xi32, #tpu.memory_space<vmem>> -> memref<40xi32, #tpu.memory_space<vmem>>
      %dma_start3A_52 = tpu.memref_slice %arg4[%add3A_47] : memref<160000xi32, #tpu.memory_space<hbm>> -> memref<40xi32, #tpu.memory_space<hbm>>
      %dma_start3A_53 = arith.constant 0 : i32
      %dma_start3A_54 = tpu.memref_slice %arg6[%dma_start3A_48, %dma_start3A_53] : memref<10x40xi32, #tpu.memory_space<vmem>> -> memref<1x40xi32, #tpu.memory_space<vmem>>
      %dma_start3A_55 = tpu.memref_squeeze %dma_start3A_54 : memref<1x40xi32, #tpu.memory_space<vmem>> -> memref<40xi32, #tpu.memory_space<vmem>>
      %dma_start3A_56 = tpu.memref_slice %arg4[%add3A_47] : memref<160000xi32, #tpu.memory_space<hbm>> -> memref<40xi32, #tpu.memory_space<hbm>>
      tpu.enqueue_dma source(%dma_start3A_56 : memref<40xi32, #tpu.memory_space<hbm>>) target(%dma_start3A_55 : memref<40xi32, #tpu.memory_space<vmem>>) target_semaphore(%arg11 : memref<!tpu.dma_semaphore, #tpu.memory_space<semaphore_mem>>)
      %add3A_57 = arith.constant 80 : i32
      %add3A_58 = arith.addi %add3A_13, %add3A_57 : i32
      %dma_start3A_59 = arith.constant 4 : i32
      %dma_start3A_60 = arith.constant 0 : i32
      %dma_start3A_61 = tpu.memref_slice %arg6[%dma_start3A_59, %dma_start3A_60] : memref<10x40xi32, #tpu.memory_space<vmem>> -> memref<1x40xi32, #tpu.memory_space<vmem>>
      %dma_start3A_62 = tpu.memref_squeeze %dma_start3A_61 : memref<1x40xi32, #tpu.memory_space<vmem>> -> memref<40xi32, #tpu.memory_space<vmem>>
      %dma_start3A_63 = tpu.memref_slice %arg3[%add3A_58] : memref<160000xi32, #tpu.memory_space<hbm>> -> memref<40xi32, #tpu.memory_space<hbm>>
      %dma_start3A_64 = arith.constant 0 : i32
      %dma_start3A_65 = tpu.memref_slice %arg6[%dma_start3A_59, %dma_start3A_64] : memref<10x40xi32, #tpu.memory_space<vmem>> -> memref<1x40xi32, #tpu.memory_space<vmem>>
      %dma_start3A_66 = tpu.memref_squeeze %dma_start3A_65 : memref<1x40xi32, #tpu.memory_space<vmem>> -> memref<40xi32, #tpu.memory_space<vmem>>
      %dma_start3A_67 = tpu.memref_slice %arg3[%add3A_58] : memref<160000xi32, #tpu.memory_space<hbm>> -> memref<40xi32, #tpu.memory_space<hbm>>
      tpu.enqueue_dma source(%dma_start3A_67 : memref<40xi32, #tpu.memory_space<hbm>>) target(%dma_start3A_66 : memref<40xi32, #tpu.memory_space<vmem>>) target_semaphore(%arg12 : memref<!tpu.dma_semaphore, #tpu.memory_space<semaphore_mem>>)
      %add3A_68 = arith.constant 80 : i32
      %add3A_69 = arith.addi %add3A_13, %add3A_68 : i32
      %dma_start3A_70 = arith.constant 5 : i32
      %dma_start3A_71 = arith.constant 0 : i32
      %dma_start3A_72 = tpu.memref_slice %arg6[%dma_start3A_70, %dma_start3A_71] : memref<10x40xi32, #tpu.memory_space<vmem>> -> memref<1x40xi32, #tpu.memory_space<vmem>>
      %dma_start3A_73 = tpu.memref_squeeze %dma_start3A_72 : memref<1x40xi32, #tpu.memory_space<vmem>> -> memref<40xi32, #tpu.memory_space<vmem>>
      %dma_start3A_74 = tpu.memref_slice %arg4[%add3A_69] : memref<160000xi32, #tpu.memory_space<hbm>> -> memref<40xi32, #tpu.memory_space<hbm>>
      %dma_start3A_75 = arith.constant 0 : i32
      %dma_start3A_76 = tpu.memref_slice %arg6[%dma_start3A_70, %dma_start3A_75] : memref<10x40xi32, #tpu.memory_space<vmem>> -> memref<1x40xi32, #tpu.memory_space<vmem>>
      %dma_start3A_77 = tpu.memref_squeeze %dma_start3A_76 : memref<1x40xi32, #tpu.memory_space<vmem>> -> memref<40xi32, #tpu.memory_space<vmem>>
      %dma_start3A_78 = tpu.memref_slice %arg4[%add3A_69] : memref<160000xi32, #tpu.memory_space<hbm>> -> memref<40xi32, #tpu.memory_space<hbm>>
      tpu.enqueue_dma source(%dma_start3A_78 : memref<40xi32, #tpu.memory_space<hbm>>) target(%dma_start3A_77 : memref<40xi32, #tpu.memory_space<vmem>>) target_semaphore(%arg13 : memref<!tpu.dma_semaphore, #tpu.memory_space<semaphore_mem>>)
      %add3A_79 = arith.constant 120 : i32
      %add3A_80 = arith.addi %add3A_13, %add3A_79 : i32
      %dma_start3A_81 = arith.constant 6 : i32
      %dma_start3A_82 = arith.constant 0 : i32
      %dma_start3A_83 = tpu.memref_slice %arg6[%dma_start3A_81, %dma_start3A_82] : memref<10x40xi32, #tpu.memory_space<vmem>> -> memref<1x40xi32, #tpu.memory_space<vmem>>
      %dma_start3A_84 = tpu.memref_squeeze %dma_start3A_83 : memref<1x40xi32, #tpu.memory_space<vmem>> -> memref<40xi32, #tpu.memory_space<vmem>>
      %dma_start3A_85 = tpu.memref_slice %arg3[%add3A_80] : memref<160000xi32, #tpu.memory_space<hbm>> -> memref<40xi32, #tpu.memory_space<hbm>>
      %dma_start3A_86 = arith.constant 0 : i32
      %dma_start3A_87 = tpu.memref_slice %arg6[%dma_start3A_81, %dma_start3A_86] : memref<10x40xi32, #tpu.memory_space<vmem>> -> memref<1x40xi32, #tpu.memory_space<vmem>>
      %dma_start3A_88 = tpu.memref_squeeze %dma_start3A_87 : memref<1x40xi32, #tpu.memory_space<vmem>> -> memref<40xi32, #tpu.memory_space<vmem>>
      %dma_start3A_89 = tpu.memref_slice %arg3[%add3A_80] : memref<160000xi32, #tpu.memory_space<hbm>> -> memref<40xi32, #tpu.memory_space<hbm>>
      tpu.enqueue_dma source(%dma_start3A_89 : memref<40xi32, #tpu.memory_space<hbm>>) target(%dma_start3A_88 : memref<40xi32, #tpu.memory_space<vmem>>) target_semaphore(%arg14 : memref<!tpu.dma_semaphore, #tpu.memory_space<semaphore_mem>>)
      %add3A_90 = arith.constant 120 : i32
      %add3A_91 = arith.addi %add3A_13, %add3A_90 : i32
      %dma_start3A_92 = arith.constant 7 : i32
      %dma_start3A_93 = arith.constant 0 : i32
      %dma_start3A_94 = tpu.memref_slice %arg6[%dma_start3A_92, %dma_start3A_93] : memref<10x40xi32, #tpu.memory_space<vmem>> -> memref<1x40xi32, #tpu.memory_space<vmem>>
      %dma_start3A_95 = tpu.memref_squeeze %dma_start3A_94 : memref<1x40xi32, #tpu.memory_space<vmem>> -> memref<40xi32, #tpu.memory_space<vmem>>
      %dma_start3A_96 = tpu.memref_slice %arg4[%add3A_91] : memref<160000xi32, #tpu.memory_space<hbm>> -> memref<40xi32, #tpu.memory_space<hbm>>
      %dma_start3A_97 = arith.constant 0 : i32
      %dma_start3A_98 = tpu.memref_slice %arg6[%dma_start3A_92, %dma_start3A_97] : memref<10x40xi32, #tpu.memory_space<vmem>> -> memref<1x40xi32, #tpu.memory_space<vmem>>
      %dma_start3A_99 = tpu.memref_squeeze %dma_start3A_98 : memref<1x40xi32, #tpu.memory_space<vmem>> -> memref<40xi32, #tpu.memory_space<vmem>>
      %dma_start3A_100 = tpu.memref_slice %arg4[%add3A_91] : memref<160000xi32, #tpu.memory_space<hbm>> -> memref<40xi32, #tpu.memory_space<hbm>>
      tpu.enqueue_dma source(%dma_start3A_100 : memref<40xi32, #tpu.memory_space<hbm>>) target(%dma_start3A_99 : memref<40xi32, #tpu.memory_space<vmem>>) target_semaphore(%arg15 : memref<!tpu.dma_semaphore, #tpu.memory_space<semaphore_mem>>)
      %add3A_101 = arith.constant 160 : i32
      %add3A_102 = arith.addi %add3A_13, %add3A_101 : i32
      %dma_start3A_103 = arith.constant 8 : i32
      %dma_start3A_104 = arith.constant 0 : i32
      %dma_start3A_105 = tpu.memref_slice %arg6[%dma_start3A_103, %dma_start3A_104] : memref<10x40xi32, #tpu.memory_space<vmem>> -> memref<1x40xi32, #tpu.memory_space<vmem>>
      %dma_start3A_106 = tpu.memref_squeeze %dma_start3A_105 : memref<1x40xi32, #tpu.memory_space<vmem>> -> memref<40xi32, #tpu.memory_space<vmem>>
      %dma_start3A_107 = tpu.memref_slice %arg3[%add3A_102] : memref<160000xi32, #tpu.memory_space<hbm>> -> memref<40xi32, #tpu.memory_space<hbm>>
      %dma_start3A_108 = arith.constant 0 : i32
      %dma_start3A_109 = tpu.memref_slice %arg6[%dma_start3A_103, %dma_start3A_108] : memref<10x40xi32, #tpu.memory_space<vmem>> -> memref<1x40xi32, #tpu.memory_space<vmem>>
      %dma_start3A_110 = tpu.memref_squeeze %dma_start3A_109 : memref<1x40xi32, #tpu.memory_space<vmem>> -> memref<40xi32, #tpu.memory_space<vmem>>
      %dma_start3A_111 = tpu.memref_slice %arg3[%add3A_102] : memref<160000xi32, #tpu.memory_space<hbm>> -> memref<40xi32, #tpu.memory_space<hbm>>
      tpu.enqueue_dma source(%dma_start3A_111 : memref<40xi32, #tpu.memory_space<hbm>>) target(%dma_start3A_110 : memref<40xi32, #tpu.memory_space<vmem>>) target_semaphore(%arg16 : memref<!tpu.dma_semaphore, #tpu.memory_space<semaphore_mem>>)
      %add3A_112 = arith.constant 160 : i32
      %add3A_113 = arith.addi %add3A_13, %add3A_112 : i32
      %dma_start3A_114 = arith.constant 9 : i32
      %dma_start3A_115 = arith.constant 0 : i32
      %dma_start3A_116 = tpu.memref_slice %arg6[%dma_start3A_114, %dma_start3A_115] : memref<10x40xi32, #tpu.memory_space<vmem>> -> memref<1x40xi32, #tpu.memory_space<vmem>>
      %dma_start3A_117 = tpu.memref_squeeze %dma_start3A_116 : memref<1x40xi32, #tpu.memory_space<vmem>> -> memref<40xi32, #tpu.memory_space<vmem>>
      %dma_start3A_118 = tpu.memref_slice %arg4[%add3A_113] : memref<160000xi32, #tpu.memory_space<hbm>> -> memref<40xi32, #tpu.memory_space<hbm>>
      %dma_start3A_119 = arith.constant 0 : i32
      %dma_start3A_120 = tpu.memref_slice %arg6[%dma_start3A_114, %dma_start3A_119] : memref<10x40xi32, #tpu.memory_space<vmem>> -> memref<1x40xi32, #tpu.memory_space<vmem>>
      %dma_start3A_121 = tpu.memref_squeeze %dma_start3A_120 : memref<1x40xi32, #tpu.memory_space<vmem>> -> memref<40xi32, #tpu.memory_space<vmem>>
      %dma_start3A_122 = tpu.memref_slice %arg4[%add3A_113] : memref<160000xi32, #tpu.memory_space<hbm>> -> memref<40xi32, #tpu.memory_space<hbm>>
      tpu.enqueue_dma source(%dma_start3A_122 : memref<40xi32, #tpu.memory_space<hbm>>) target(%dma_start3A_121 : memref<40xi32, #tpu.memory_space<vmem>>) target_semaphore(%arg17 : memref<!tpu.dma_semaphore, #tpu.memory_space<semaphore_mem>>)
      %dma_wait3A = arith.constant 0 : i32
      %dma_wait3A_123 = arith.constant 0 : i32
      %dma_wait3A_124 = tpu.memref_slice %arg6[%dma_wait3A, %dma_wait3A_123] : memref<10x40xi32, #tpu.memory_space<vmem>> -> memref<1x40xi32, #tpu.memory_space<vmem>>
      %dma_wait3A_125 = tpu.memref_squeeze %dma_wait3A_124 : memref<1x40xi32, #tpu.memory_space<vmem>> -> memref<40xi32, #tpu.memory_space<vmem>>
      %dma_wait3A_126 = tpu.memref_slice %arg3[%add3A_15] : memref<160000xi32, #tpu.memory_space<hbm>> -> memref<40xi32, #tpu.memory_space<hbm>>
      %dma_wait3A_127 = arith.constant 0 : i32
      %dma_wait3A_128 = tpu.memref_slice %arg6[%dma_wait3A, %dma_wait3A_127] : memref<10x40xi32, #tpu.memory_space<vmem>> -> memref<1x40xi32, #tpu.memory_space<vmem>>
      %dma_wait3A_129 = tpu.memref_squeeze %dma_wait3A_128 : memref<1x40xi32, #tpu.memory_space<vmem>> -> memref<40xi32, #tpu.memory_space<vmem>>
      %dma_wait3A_130 = tpu.memref_slice %arg3[%add3A_15] : memref<160000xi32, #tpu.memory_space<hbm>> -> memref<40xi32, #tpu.memory_space<hbm>>
      tpu.wait_dma2 semaphore(%arg8 : memref<!tpu.dma_semaphore, #tpu.memory_space<semaphore_mem>>) src(%dma_wait3A_130 : memref<40xi32, #tpu.memory_space<hbm>>) dst(%dma_wait3A_129 : memref<40xi32, #tpu.memory_space<vmem>>)
      %dma_start3A_131 = arith.constant 0 : i32
      %dma_start3A_132 = arith.constant 0 : i32
      %dma_start3A_133 = arith.constant 0 : i32
      %dma_start3A_134 = arith.constant 0 : i32
      %dma_start3A_135 = tpu.memref_slice %arg7[%dma_start3A_132, %dma_start3A_133, %dma_start3A_134] : memref<10x40x128xf32, #tpu.memory_space<vmem>> -> memref<1x40x128xf32, #tpu.memory_space<vmem>>
      %dma_start3A_136 = tpu.memref_squeeze %dma_start3A_135 : memref<1x40x128xf32, #tpu.memory_space<vmem>> -> memref<40x128xf32, #tpu.memory_space<vmem>>
      %dma_start3A_137 = arith.constant 0 : i32
      %dma_start3A_138 = tpu.memref_slice %arg6[%dma_start3A_131, %dma_start3A_137] : memref<10x40xi32, #tpu.memory_space<vmem>> -> memref<1x40xi32, #tpu.memory_space<vmem>>
      %dma_start3A_139 = tpu.memref_squeeze %dma_start3A_138 : memref<1x40xi32, #tpu.memory_space<vmem>> -> memref<40xi32, #tpu.memory_space<vmem>>
      %dma_start3A_140 = arith.constant 0 : i32
      %dma_start3A_141 = arith.constant 0 : i32
      %dma_start3A_142 = tpu.memref_slice %arg2[%dma_start3A_140, %dma_start3A_141] : memref<10000x128xf32, #tpu.memory_space<hbm>> -> memref<10000x128xf32, #tpu.memory_space<hbm>>
      tpu.enqueue_indirect_dma source(%dma_start3A_142 : memref<10000x128xf32, #tpu.memory_space<hbm>>) target(%dma_start3A_136 : memref<40x128xf32, #tpu.memory_space<vmem>>) offsets(%dma_start3A_139 : memref<40xi32, #tpu.memory_space<vmem>>) semaphore(%arg18 : memref<!tpu.dma_semaphore, #tpu.memory_space<semaphore_mem>>)
      %dma_wait3A_143 = arith.constant 1 : i32
      %dma_wait3A_144 = arith.constant 0 : i32
      %dma_wait3A_145 = tpu.memref_slice %arg6[%dma_wait3A_143, %dma_wait3A_144] : memref<10x40xi32, #tpu.memory_space<vmem>> -> memref<1x40xi32, #tpu.memory_space<vmem>>
      %dma_wait3A_146 = tpu.memref_squeeze %dma_wait3A_145 : memref<1x40xi32, #tpu.memory_space<vmem>> -> memref<40xi32, #tpu.memory_space<vmem>>
      %dma_wait3A_147 = tpu.memref_slice %arg4[%add3A_25] : memref<160000xi32, #tpu.memory_space<hbm>> -> memref<40xi32, #tpu.memory_space<hbm>>
      %dma_wait3A_148 = arith.constant 0 : i32
      %dma_wait3A_149 = tpu.memref_slice %arg6[%dma_wait3A_143, %dma_wait3A_148] : memref<10x40xi32, #tpu.memory_space<vmem>> -> memref<1x40xi32, #tpu.memory_space<vmem>>
      %dma_wait3A_150 = tpu.memref_squeeze %dma_wait3A_149 : memref<1x40xi32, #tpu.memory_space<vmem>> -> memref<40xi32, #tpu.memory_space<vmem>>
      %dma_wait3A_151 = tpu.memref_slice %arg4[%add3A_25] : memref<160000xi32, #tpu.memory_space<hbm>> -> memref<40xi32, #tpu.memory_space<hbm>>
      tpu.wait_dma2 semaphore(%arg9 : memref<!tpu.dma_semaphore, #tpu.memory_space<semaphore_mem>>) src(%dma_wait3A_151 : memref<40xi32, #tpu.memory_space<hbm>>) dst(%dma_wait3A_150 : memref<40xi32, #tpu.memory_space<vmem>>)
      %dma_start3A_152 = arith.constant 1 : i32
      %dma_start3A_153 = arith.constant 1 : i32
      %dma_start3A_154 = arith.constant 0 : i32
      %dma_start3A_155 = arith.constant 0 : i32
      %dma_start3A_156 = tpu.memref_slice %arg7[%dma_start3A_153, %dma_start3A_154, %dma_start3A_155] : memref<10x40x128xf32, #tpu.memory_space<vmem>> -> memref<1x40x128xf32, #tpu.memory_space<vmem>>
      %dma_start3A_157 = tpu.memref_squeeze %dma_start3A_156 : memref<1x40x128xf32, #tpu.memory_space<vmem>> -> memref<40x128xf32, #tpu.memory_space<vmem>>
      %dma_start3A_158 = arith.constant 0 : i32
      %dma_start3A_159 = tpu.memref_slice %arg6[%dma_start3A_152, %dma_start3A_158] : memref<10x40xi32, #tpu.memory_space<vmem>> -> memref<1x40xi32, #tpu.memory_space<vmem>>
      %dma_start3A_160 = tpu.memref_squeeze %dma_start3A_159 : memref<1x40xi32, #tpu.memory_space<vmem>> -> memref<40xi32, #tpu.memory_space<vmem>>
      %dma_start3A_161 = arith.constant 0 : i32
      %dma_start3A_162 = arith.constant 0 : i32
      %dma_start3A_163 = tpu.memref_slice %arg2[%dma_start3A_161, %dma_start3A_162] : memref<10000x128xf32, #tpu.memory_space<hbm>> -> memref<10000x128xf32, #tpu.memory_space<hbm>>
      tpu.enqueue_indirect_dma source(%dma_start3A_163 : memref<10000x128xf32, #tpu.memory_space<hbm>>) target(%dma_start3A_157 : memref<40x128xf32, #tpu.memory_space<vmem>>) offsets(%dma_start3A_160 : memref<40xi32, #tpu.memory_space<vmem>>) semaphore(%arg19 : memref<!tpu.dma_semaphore, #tpu.memory_space<semaphore_mem>>)
      %dma_wait3A_164 = arith.constant 2 : i32
      %dma_wait3A_165 = arith.constant 0 : i32
      %dma_wait3A_166 = tpu.memref_slice %arg6[%dma_wait3A_164, %dma_wait3A_165] : memref<10x40xi32, #tpu.memory_space<vmem>> -> memref<1x40xi32, #tpu.memory_space<vmem>>
      %dma_wait3A_167 = tpu.memref_squeeze %dma_wait3A_166 : memref<1x40xi32, #tpu.memory_space<vmem>> -> memref<40xi32, #tpu.memory_space<vmem>>
      %dma_wait3A_168 = tpu.memref_slice %arg3[%add3A_36] : memref<160000xi32, #tpu.memory_space<hbm>> -> memref<40xi32, #tpu.memory_space<hbm>>
      %dma_wait3A_169 = arith.constant 0 : i32
      %dma_wait3A_170 = tpu.memref_slice %arg6[%dma_wait3A_164, %dma_wait3A_169] : memref<10x40xi32, #tpu.memory_space<vmem>> -> memref<1x40xi32, #tpu.memory_space<vmem>>
      %dma_wait3A_171 = tpu.memref_squeeze %dma_wait3A_170 : memref<1x40xi32, #tpu.memory_space<vmem>> -> memref<40xi32, #tpu.memory_space<vmem>>
      %dma_wait3A_172 = tpu.memref_slice %arg3[%add3A_36] : memref<160000xi32, #tpu.memory_space<hbm>> -> memref<40xi32, #tpu.memory_space<hbm>>
      tpu.wait_dma2 semaphore(%arg10 : memref<!tpu.dma_semaphore, #tpu.memory_space<semaphore_mem>>) src(%dma_wait3A_172 : memref<40xi32, #tpu.memory_space<hbm>>) dst(%dma_wait3A_171 : memref<40xi32, #tpu.memory_space<vmem>>)
      %dma_start3A_173 = arith.constant 2 : i32
      %dma_start3A_174 = arith.constant 2 : i32
      %dma_start3A_175 = arith.constant 0 : i32
      %dma_start3A_176 = arith.constant 0 : i32
      %dma_start3A_177 = tpu.memref_slice %arg7[%dma_start3A_174, %dma_start3A_175, %dma_start3A_176] : memref<10x40x128xf32, #tpu.memory_space<vmem>> -> memref<1x40x128xf32, #tpu.memory_space<vmem>>
      %dma_start3A_178 = tpu.memref_squeeze %dma_start3A_177 : memref<1x40x128xf32, #tpu.memory_space<vmem>> -> memref<40x128xf32, #tpu.memory_space<vmem>>
      %dma_start3A_179 = arith.constant 0 : i32
      %dma_start3A_180 = tpu.memref_slice %arg6[%dma_start3A_173, %dma_start3A_179] : memref<10x40xi32, #tpu.memory_space<vmem>> -> memref<1x40xi32, #tpu.memory_space<vmem>>
      %dma_start3A_181 = tpu.memref_squeeze %dma_start3A_180 : memref<1x40xi32, #tpu.memory_space<vmem>> -> memref<40xi32, #tpu.memory_space<vmem>>
      %dma_start3A_182 = arith.constant 0 : i32
      %dma_start3A_183 = arith.constant 0 : i32
      %dma_start3A_184 = tpu.memref_slice %arg2[%dma_start3A_182, %dma_start3A_183] : memref<10000x128xf32, #tpu.memory_space<hbm>> -> memref<10000x128xf32, #tpu.memory_space<hbm>>
      tpu.enqueue_indirect_dma source(%dma_start3A_184 : memref<10000x128xf32, #tpu.memory_space<hbm>>) target(%dma_start3A_178 : memref<40x128xf32, #tpu.memory_space<vmem>>) offsets(%dma_start3A_181 : memref<40xi32, #tpu.memory_space<vmem>>) semaphore(%arg20 : memref<!tpu.dma_semaphore, #tpu.memory_space<semaphore_mem>>)
      %dma_wait3A_185 = arith.constant 3 : i32
      %dma_wait3A_186 = arith.constant 0 : i32
      %dma_wait3A_187 = tpu.memref_slice %arg6[%dma_wait3A_185, %dma_wait3A_186] : memref<10x40xi32, #tpu.memory_space<vmem>> -> memref<1x40xi32, #tpu.memory_space<vmem>>
      %dma_wait3A_188 = tpu.memref_squeeze %dma_wait3A_187 : memref<1x40xi32, #tpu.memory_space<vmem>> -> memref<40xi32, #tpu.memory_space<vmem>>
      %dma_wait3A_189 = tpu.memref_slice %arg4[%add3A_47] : memref<160000xi32, #tpu.memory_space<hbm>> -> memref<40xi32, #tpu.memory_space<hbm>>
      %dma_wait3A_190 = arith.constant 0 : i32
      %dma_wait3A_191 = tpu.memref_slice %arg6[%dma_wait3A_185, %dma_wait3A_190] : memref<10x40xi32, #tpu.memory_space<vmem>> -> memref<1x40xi32, #tpu.memory_space<vmem>>
      %dma_wait3A_192 = tpu.memref_squeeze %dma_wait3A_191 : memref<1x40xi32, #tpu.memory_space<vmem>> -> memref<40xi32, #tpu.memory_space<vmem>>
      %dma_wait3A_193 = tpu.memref_slice %arg4[%add3A_47] : memref<160000xi32, #tpu.memory_space<hbm>> -> memref<40xi32, #tpu.memory_space<hbm>>
      tpu.wait_dma2 semaphore(%arg11 : memref<!tpu.dma_semaphore, #tpu.memory_space<semaphore_mem>>) src(%dma_wait3A_193 : memref<40xi32, #tpu.memory_space<hbm>>) dst(%dma_wait3A_192 : memref<40xi32, #tpu.memory_space<vmem>>)
      %dma_start3A_194 = arith.constant 3 : i32
      %dma_start3A_195 = arith.constant 3 : i32
      %dma_start3A_196 = arith.constant 0 : i32
      %dma_start3A_197 = arith.constant 0 : i32
      %dma_start3A_198 = tpu.memref_slice %arg7[%dma_start3A_195, %dma_start3A_196, %dma_start3A_197] : memref<10x40x128xf32, #tpu.memory_space<vmem>> -> memref<1x40x128xf32, #tpu.memory_space<vmem>>
      %dma_start3A_199 = tpu.memref_squeeze %dma_start3A_198 : memref<1x40x128xf32, #tpu.memory_space<vmem>> -> memref<40x128xf32, #tpu.memory_space<vmem>>
      %dma_start3A_200 = arith.constant 0 : i32
      %dma_start3A_201 = tpu.memref_slice %arg6[%dma_start3A_194, %dma_start3A_200] : memref<10x40xi32, #tpu.memory_space<vmem>> -> memref<1x40xi32, #tpu.memory_space<vmem>>
      %dma_start3A_202 = tpu.memref_squeeze %dma_start3A_201 : memref<1x40xi32, #tpu.memory_space<vmem>> -> memref<40xi32, #tpu.memory_space<vmem>>
      %dma_start3A_203 = arith.constant 0 : i32
      %dma_start3A_204 = arith.constant 0 : i32
      %dma_start3A_205 = tpu.memref_slice %arg2[%dma_start3A_203, %dma_start3A_204] : memref<10000x128xf32, #tpu.memory_space<hbm>> -> memref<10000x128xf32, #tpu.memory_space<hbm>>
      tpu.enqueue_indirect_dma source(%dma_start3A_205 : memref<10000x128xf32, #tpu.memory_space<hbm>>) target(%dma_start3A_199 : memref<40x128xf32, #tpu.memory_space<vmem>>) offsets(%dma_start3A_202 : memref<40xi32, #tpu.memory_space<vmem>>) semaphore(%arg21 : memref<!tpu.dma_semaphore, #tpu.memory_space<semaphore_mem>>)
      %dma_wait3A_206 = arith.constant 4 : i32
      %dma_wait3A_207 = arith.constant 0 : i32
      %dma_wait3A_208 = tpu.memref_slice %arg6[%dma_wait3A_206, %dma_wait3A_207] : memref<10x40xi32, #tpu.memory_space<vmem>> -> memref<1x40xi32, #tpu.memory_space<vmem>>
      %dma_wait3A_209 = tpu.memref_squeeze %dma_wait3A_208 : memref<1x40xi32, #tpu.memory_space<vmem>> -> memref<40xi32, #tpu.memory_space<vmem>>
      %dma_wait3A_210 = tpu.memref_slice %arg3[%add3A_58] : memref<160000xi32, #tpu.memory_space<hbm>> -> memref<40xi32, #tpu.memory_space<hbm>>
      %dma_wait3A_211 = arith.constant 0 : i32
      %dma_wait3A_212 = tpu.memref_slice %arg6[%dma_wait3A_206, %dma_wait3A_211] : memref<10x40xi32, #tpu.memory_space<vmem>> -> memref<1x40xi32, #tpu.memory_space<vmem>>
      %dma_wait3A_213 = tpu.memref_squeeze %dma_wait3A_212 : memref<1x40xi32, #tpu.memory_space<vmem>> -> memref<40xi32, #tpu.memory_space<vmem>>
      %dma_wait3A_214 = tpu.memref_slice %arg3[%add3A_58] : memref<160000xi32, #tpu.memory_space<hbm>> -> memref<40xi32, #tpu.memory_space<hbm>>
      tpu.wait_dma2 semaphore(%arg12 : memref<!tpu.dma_semaphore, #tpu.memory_space<semaphore_mem>>) src(%dma_wait3A_214 : memref<40xi32, #tpu.memory_space<hbm>>) dst(%dma_wait3A_213 : memref<40xi32, #tpu.memory_space<vmem>>)
      %dma_start3A_215 = arith.constant 4 : i32
      %dma_start3A_216 = arith.constant 4 : i32
      %dma_start3A_217 = arith.constant 0 : i32
      %dma_start3A_218 = arith.constant 0 : i32
      %dma_start3A_219 = tpu.memref_slice %arg7[%dma_start3A_216, %dma_start3A_217, %dma_start3A_218] : memref<10x40x128xf32, #tpu.memory_space<vmem>> -> memref<1x40x128xf32, #tpu.memory_space<vmem>>
      %dma_start3A_220 = tpu.memref_squeeze %dma_start3A_219 : memref<1x40x128xf32, #tpu.memory_space<vmem>> -> memref<40x128xf32, #tpu.memory_space<vmem>>
      %dma_start3A_221 = arith.constant 0 : i32
      %dma_start3A_222 = tpu.memref_slice %arg6[%dma_start3A_215, %dma_start3A_221] : memref<10x40xi32, #tpu.memory_space<vmem>> -> memref<1x40xi32, #tpu.memory_space<vmem>>
      %dma_start3A_223 = tpu.memref_squeeze %dma_start3A_222 : memref<1x40xi32, #tpu.memory_space<vmem>> -> memref<40xi32, #tpu.memory_space<vmem>>
      %dma_start3A_224 = arith.constant 0 : i32
      %dma_start3A_225 = arith.constant 0 : i32
      %dma_start3A_226 = tpu.memref_slice %arg2[%dma_start3A_224, %dma_start3A_225] : memref<10000x128xf32, #tpu.memory_space<hbm>> -> memref<10000x128xf32, #tpu.memory_space<hbm>>
      tpu.enqueue_indirect_dma source(%dma_start3A_226 : memref<10000x128xf32, #tpu.memory_space<hbm>>) target(%dma_start3A_220 : memref<40x128xf32, #tpu.memory_space<vmem>>) offsets(%dma_start3A_223 : memref<40xi32, #tpu.memory_space<vmem>>) semaphore(%arg22 : memref<!tpu.dma_semaphore, #tpu.memory_space<semaphore_mem>>)
      %dma_wait3A_227 = arith.constant 5 : i32
      %dma_wait3A_228 = arith.constant 0 : i32
      %dma_wait3A_229 = tpu.memref_slice %arg6[%dma_wait3A_227, %dma_wait3A_228] : memref<10x40xi32, #tpu.memory_space<vmem>> -> memref<1x40xi32, #tpu.memory_space<vmem>>
      %dma_wait3A_230 = tpu.memref_squeeze %dma_wait3A_229 : memref<1x40xi32, #tpu.memory_space<vmem>> -> memref<40xi32, #tpu.memory_space<vmem>>
      %dma_wait3A_231 = tpu.memref_slice %arg4[%add3A_69] : memref<160000xi32, #tpu.memory_space<hbm>> -> memref<40xi32, #tpu.memory_space<hbm>>
      %dma_wait3A_232 = arith.constant 0 : i32
      %dma_wait3A_233 = tpu.memref_slice %arg6[%dma_wait3A_227, %dma_wait3A_232] : memref<10x40xi32, #tpu.memory_space<vmem>> -> memref<1x40xi32, #tpu.memory_space<vmem>>
      %dma_wait3A_234 = tpu.memref_squeeze %dma_wait3A_233 : memref<1x40xi32, #tpu.memory_space<vmem>> -> memref<40xi32, #tpu.memory_space<vmem>>
      %dma_wait3A_235 = tpu.memref_slice %arg4[%add3A_69] : memref<160000xi32, #tpu.memory_space<hbm>> -> memref<40xi32, #tpu.memory_space<hbm>>
      tpu.wait_dma2 semaphore(%arg13 : memref<!tpu.dma_semaphore, #tpu.memory_space<semaphore_mem>>) src(%dma_wait3A_235 : memref<40xi32, #tpu.memory_space<hbm>>) dst(%dma_wait3A_234 : memref<40xi32, #tpu.memory_space<vmem>>)
      %dma_start3A_236 = arith.constant 5 : i32
      %dma_start3A_237 = arith.constant 5 : i32
      %dma_start3A_238 = arith.constant 0 : i32
      %dma_start3A_239 = arith.constant 0 : i32
      %dma_start3A_240 = tpu.memref_slice %arg7[%dma_start3A_237, %dma_start3A_238, %dma_start3A_239] : memref<10x40x128xf32, #tpu.memory_space<vmem>> -> memref<1x40x128xf32, #tpu.memory_space<vmem>>
      %dma_start3A_241 = tpu.memref_squeeze %dma_start3A_240 : memref<1x40x128xf32, #tpu.memory_space<vmem>> -> memref<40x128xf32, #tpu.memory_space<vmem>>
      %dma_start3A_242 = arith.constant 0 : i32
      %dma_start3A_243 = tpu.memref_slice %arg6[%dma_start3A_236, %dma_start3A_242] : memref<10x40xi32, #tpu.memory_space<vmem>> -> memref<1x40xi32, #tpu.memory_space<vmem>>
      %dma_start3A_244 = tpu.memref_squeeze %dma_start3A_243 : memref<1x40xi32, #tpu.memory_space<vmem>> -> memref<40xi32, #tpu.memory_space<vmem>>
      %dma_start3A_245 = arith.constant 0 : i32
      %dma_start3A_246 = arith.constant 0 : i32
      %dma_start3A_247 = tpu.memref_slice %arg2[%dma_start3A_245, %dma_start3A_246] : memref<10000x128xf32, #tpu.memory_space<hbm>> -> memref<10000x128xf32, #tpu.memory_space<hbm>>
      tpu.enqueue_indirect_dma source(%dma_start3A_247 : memref<10000x128xf32, #tpu.memory_space<hbm>>) target(%dma_start3A_241 : memref<40x128xf32, #tpu.memory_space<vmem>>) offsets(%dma_start3A_244 : memref<40xi32, #tpu.memory_space<vmem>>) semaphore(%arg23 : memref<!tpu.dma_semaphore, #tpu.memory_space<semaphore_mem>>)
      %dma_wait3A_248 = arith.constant 6 : i32
      %dma_wait3A_249 = arith.constant 0 : i32
      %dma_wait3A_250 = tpu.memref_slice %arg6[%dma_wait3A_248, %dma_wait3A_249] : memref<10x40xi32, #tpu.memory_space<vmem>> -> memref<1x40xi32, #tpu.memory_space<vmem>>
      %dma_wait3A_251 = tpu.memref_squeeze %dma_wait3A_250 : memref<1x40xi32, #tpu.memory_space<vmem>> -> memref<40xi32, #tpu.memory_space<vmem>>
      %dma_wait3A_252 = tpu.memref_slice %arg3[%add3A_80] : memref<160000xi32, #tpu.memory_space<hbm>> -> memref<40xi32, #tpu.memory_space<hbm>>
      %dma_wait3A_253 = arith.constant 0 : i32
      %dma_wait3A_254 = tpu.memref_slice %arg6[%dma_wait3A_248, %dma_wait3A_253] : memref<10x40xi32, #tpu.memory_space<vmem>> -> memref<1x40xi32, #tpu.memory_space<vmem>>
      %dma_wait3A_255 = tpu.memref_squeeze %dma_wait3A_254 : memref<1x40xi32, #tpu.memory_space<vmem>> -> memref<40xi32, #tpu.memory_space<vmem>>
      %dma_wait3A_256 = tpu.memref_slice %arg3[%add3A_80] : memref<160000xi32, #tpu.memory_space<hbm>> -> memref<40xi32, #tpu.memory_space<hbm>>
      tpu.wait_dma2 semaphore(%arg14 : memref<!tpu.dma_semaphore, #tpu.memory_space<semaphore_mem>>) src(%dma_wait3A_256 : memref<40xi32, #tpu.memory_space<hbm>>) dst(%dma_wait3A_255 : memref<40xi32, #tpu.memory_space<vmem>>)
      %dma_start3A_257 = arith.constant 6 : i32
      %dma_start3A_258 = arith.constant 6 : i32
      %dma_start3A_259 = arith.constant 0 : i32
      %dma_start3A_260 = arith.constant 0 : i32
      %dma_start3A_261 = tpu.memref_slice %arg7[%dma_start3A_258, %dma_start3A_259, %dma_start3A_260] : memref<10x40x128xf32, #tpu.memory_space<vmem>> -> memref<1x40x128xf32, #tpu.memory_space<vmem>>
      %dma_start3A_262 = tpu.memref_squeeze %dma_start3A_261 : memref<1x40x128xf32, #tpu.memory_space<vmem>> -> memref<40x128xf32, #tpu.memory_space<vmem>>
      %dma_start3A_263 = arith.constant 0 : i32
      %dma_start3A_264 = tpu.memref_slice %arg6[%dma_start3A_257, %dma_start3A_263] : memref<10x40xi32, #tpu.memory_space<vmem>> -> memref<1x40xi32, #tpu.memory_space<vmem>>
      %dma_start3A_265 = tpu.memref_squeeze %dma_start3A_264 : memref<1x40xi32, #tpu.memory_space<vmem>> -> memref<40xi32, #tpu.memory_space<vmem>>
      %dma_start3A_266 = arith.constant 0 : i32
      %dma_start3A_267 = arith.constant 0 : i32
      %dma_start3A_268 = tpu.memref_slice %arg2[%dma_start3A_266, %dma_start3A_267] : memref<10000x128xf32, #tpu.memory_space<hbm>> -> memref<10000x128xf32, #tpu.memory_space<hbm>>
      tpu.enqueue_indirect_dma source(%dma_start3A_268 : memref<10000x128xf32, #tpu.memory_space<hbm>>) target(%dma_start3A_262 : memref<40x128xf32, #tpu.memory_space<vmem>>) offsets(%dma_start3A_265 : memref<40xi32, #tpu.memory_space<vmem>>) semaphore(%arg24 : memref<!tpu.dma_semaphore, #tpu.memory_space<semaphore_mem>>)
      %dma_wait3A_269 = arith.constant 7 : i32
      %dma_wait3A_270 = arith.constant 0 : i32
      %dma_wait3A_271 = tpu.memref_slice %arg6[%dma_wait3A_269, %dma_wait3A_270] : memref<10x40xi32, #tpu.memory_space<vmem>> -> memref<1x40xi32, #tpu.memory_space<vmem>>
      %dma_wait3A_272 = tpu.memref_squeeze %dma_wait3A_271 : memref<1x40xi32, #tpu.memory_space<vmem>> -> memref<40xi32, #tpu.memory_space<vmem>>
      %dma_wait3A_273 = tpu.memref_slice %arg4[%add3A_91] : memref<160000xi32, #tpu.memory_space<hbm>> -> memref<40xi32, #tpu.memory_space<hbm>>
      %dma_wait3A_274 = arith.constant 0 : i32
      %dma_wait3A_275 = tpu.memref_slice %arg6[%dma_wait3A_269, %dma_wait3A_274] : memref<10x40xi32, #tpu.memory_space<vmem>> -> memref<1x40xi32, #tpu.memory_space<vmem>>
      %dma_wait3A_276 = tpu.memref_squeeze %dma_wait3A_275 : memref<1x40xi32, #tpu.memory_space<vmem>> -> memref<40xi32, #tpu.memory_space<vmem>>
      %dma_wait3A_277 = tpu.memref_slice %arg4[%add3A_91] : memref<160000xi32, #tpu.memory_space<hbm>> -> memref<40xi32, #tpu.memory_space<hbm>>
      tpu.wait_dma2 semaphore(%arg15 : memref<!tpu.dma_semaphore, #tpu.memory_space<semaphore_mem>>) src(%dma_wait3A_277 : memref<40xi32, #tpu.memory_space<hbm>>) dst(%dma_wait3A_276 : memref<40xi32, #tpu.memory_space<vmem>>)
      %dma_start3A_278 = arith.constant 7 : i32
      %dma_start3A_279 = arith.constant 7 : i32
      %dma_start3A_280 = arith.constant 0 : i32
      %dma_start3A_281 = arith.constant 0 : i32
      %dma_start3A_282 = tpu.memref_slice %arg7[%dma_start3A_279, %dma_start3A_280, %dma_start3A_281] : memref<10x40x128xf32, #tpu.memory_space<vmem>> -> memref<1x40x128xf32, #tpu.memory_space<vmem>>
      %dma_start3A_283 = tpu.memref_squeeze %dma_start3A_282 : memref<1x40x128xf32, #tpu.memory_space<vmem>> -> memref<40x128xf32, #tpu.memory_space<vmem>>
      %dma_start3A_284 = arith.constant 0 : i32
      %dma_start3A_285 = tpu.memref_slice %arg6[%dma_start3A_278, %dma_start3A_284] : memref<10x40xi32, #tpu.memory_space<vmem>> -> memref<1x40xi32, #tpu.memory_space<vmem>>
      %dma_start3A_286 = tpu.memref_squeeze %dma_start3A_285 : memref<1x40xi32, #tpu.memory_space<vmem>> -> memref<40xi32, #tpu.memory_space<vmem>>
      %dma_start3A_287 = arith.constant 0 : i32
      %dma_start3A_288 = arith.constant 0 : i32
      %dma_start3A_289 = tpu.memref_slice %arg2[%dma_start3A_287, %dma_start3A_288] : memref<10000x128xf32, #tpu.memory_space<hbm>> -> memref<10000x128xf32, #tpu.memory_space<hbm>>
      tpu.enqueue_indirect_dma source(%dma_start3A_289 : memref<10000x128xf32, #tpu.memory_space<hbm>>) target(%dma_start3A_283 : memref<40x128xf32, #tpu.memory_space<vmem>>) offsets(%dma_start3A_286 : memref<40xi32, #tpu.memory_space<vmem>>) semaphore(%arg25 : memref<!tpu.dma_semaphore, #tpu.memory_space<semaphore_mem>>)
      %dma_wait3A_290 = arith.constant 8 : i32
      %dma_wait3A_291 = arith.constant 0 : i32
      %dma_wait3A_292 = tpu.memref_slice %arg6[%dma_wait3A_290, %dma_wait3A_291] : memref<10x40xi32, #tpu.memory_space<vmem>> -> memref<1x40xi32, #tpu.memory_space<vmem>>
      %dma_wait3A_293 = tpu.memref_squeeze %dma_wait3A_292 : memref<1x40xi32, #tpu.memory_space<vmem>> -> memref<40xi32, #tpu.memory_space<vmem>>
      %dma_wait3A_294 = tpu.memref_slice %arg3[%add3A_102] : memref<160000xi32, #tpu.memory_space<hbm>> -> memref<40xi32, #tpu.memory_space<hbm>>
      %dma_wait3A_295 = arith.constant 0 : i32
      %dma_wait3A_296 = tpu.memref_slice %arg6[%dma_wait3A_290, %dma_wait3A_295] : memref<10x40xi32, #tpu.memory_space<vmem>> -> memref<1x40xi32, #tpu.memory_space<vmem>>
      %dma_wait3A_297 = tpu.memref_squeeze %dma_wait3A_296 : memref<1x40xi32, #tpu.memory_space<vmem>> -> memref<40xi32, #tpu.memory_space<vmem>>
      %dma_wait3A_298 = tpu.memref_slice %arg3[%add3A_102] : memref<160000xi32, #tpu.memory_space<hbm>> -> memref<40xi32, #tpu.memory_space<hbm>>
      tpu.wait_dma2 semaphore(%arg16 : memref<!tpu.dma_semaphore, #tpu.memory_space<semaphore_mem>>) src(%dma_wait3A_298 : memref<40xi32, #tpu.memory_space<hbm>>) dst(%dma_wait3A_297 : memref<40xi32, #tpu.memory_space<vmem>>)
      %dma_start3A_299 = arith.constant 8 : i32
      %dma_start3A_300 = arith.constant 8 : i32
      %dma_start3A_301 = arith.constant 0 : i32
      %dma_start3A_302 = arith.constant 0 : i32
      %dma_start3A_303 = tpu.memref_slice %arg7[%dma_start3A_300, %dma_start3A_301, %dma_start3A_302] : memref<10x40x128xf32, #tpu.memory_space<vmem>> -> memref<1x40x128xf32, #tpu.memory_space<vmem>>
      %dma_start3A_304 = tpu.memref_squeeze %dma_start3A_303 : memref<1x40x128xf32, #tpu.memory_space<vmem>> -> memref<40x128xf32, #tpu.memory_space<vmem>>
      %dma_start3A_305 = arith.constant 0 : i32
      %dma_start3A_306 = tpu.memref_slice %arg6[%dma_start3A_299, %dma_start3A_305] : memref<10x40xi32, #tpu.memory_space<vmem>> -> memref<1x40xi32, #tpu.memory_space<vmem>>
      %dma_start3A_307 = tpu.memref_squeeze %dma_start3A_306 : memref<1x40xi32, #tpu.memory_space<vmem>> -> memref<40xi32, #tpu.memory_space<vmem>>
      %dma_start3A_308 = arith.constant 0 : i32
      %dma_start3A_309 = arith.constant 0 : i32
      %dma_start3A_310 = tpu.memref_slice %arg2[%dma_start3A_308, %dma_start3A_309] : memref<10000x128xf32, #tpu.memory_space<hbm>> -> memref<10000x128xf32, #tpu.memory_space<hbm>>
      tpu.enqueue_indirect_dma source(%dma_start3A_310 : memref<10000x128xf32, #tpu.memory_space<hbm>>) target(%dma_start3A_304 : memref<40x128xf32, #tpu.memory_space<vmem>>) offsets(%dma_start3A_307 : memref<40xi32, #tpu.memory_space<vmem>>) semaphore(%arg26 : memref<!tpu.dma_semaphore, #tpu.memory_space<semaphore_mem>>)
      %dma_wait3A_311 = arith.constant 9 : i32
      %dma_wait3A_312 = arith.constant 0 : i32
      %dma_wait3A_313 = tpu.memref_slice %arg6[%dma_wait3A_311, %dma_wait3A_312] : memref<10x40xi32, #tpu.memory_space<vmem>> -> memref<1x40xi32, #tpu.memory_space<vmem>>
      %dma_wait3A_314 = tpu.memref_squeeze %dma_wait3A_313 : memref<1x40xi32, #tpu.memory_space<vmem>> -> memref<40xi32, #tpu.memory_space<vmem>>
      %dma_wait3A_315 = tpu.memref_slice %arg4[%add3A_113] : memref<160000xi32, #tpu.memory_space<hbm>> -> memref<40xi32, #tpu.memory_space<hbm>>
      %dma_wait3A_316 = arith.constant 0 : i32
      %dma_wait3A_317 = tpu.memref_slice %arg6[%dma_wait3A_311, %dma_wait3A_316] : memref<10x40xi32, #tpu.memory_space<vmem>> -> memref<1x40xi32, #tpu.memory_space<vmem>>
      %dma_wait3A_318 = tpu.memref_squeeze %dma_wait3A_317 : memref<1x40xi32, #tpu.memory_space<vmem>> -> memref<40xi32, #tpu.memory_space<vmem>>
      %dma_wait3A_319 = tpu.memref_slice %arg4[%add3A_113] : memref<160000xi32, #tpu.memory_space<hbm>> -> memref<40xi32, #tpu.memory_space<hbm>>
      tpu.wait_dma2 semaphore(%arg17 : memref<!tpu.dma_semaphore, #tpu.memory_space<semaphore_mem>>) src(%dma_wait3A_319 : memref<40xi32, #tpu.memory_space<hbm>>) dst(%dma_wait3A_318 : memref<40xi32, #tpu.memory_space<vmem>>)
      %dma_start3A_320 = arith.constant 9 : i32
      %dma_start3A_321 = arith.constant 9 : i32
      %dma_start3A_322 = arith.constant 0 : i32
      %dma_start3A_323 = arith.constant 0 : i32
      %dma_start3A_324 = tpu.memref_slice %arg7[%dma_start3A_321, %dma_start3A_322, %dma_start3A_323] : memref<10x40x128xf32, #tpu.memory_space<vmem>> -> memref<1x40x128xf32, #tpu.memory_space<vmem>>
      %dma_start3A_325 = tpu.memref_squeeze %dma_start3A_324 : memref<1x40x128xf32, #tpu.memory_space<vmem>> -> memref<40x128xf32, #tpu.memory_space<vmem>>
      %dma_start3A_326 = arith.constant 0 : i32
      %dma_start3A_327 = tpu.memref_slice %arg6[%dma_start3A_320, %dma_start3A_326] : memref<10x40xi32, #tpu.memory_space<vmem>> -> memref<1x40xi32, #tpu.memory_space<vmem>>
      %dma_start3A_328 = tpu.memref_squeeze %dma_start3A_327 : memref<1x40xi32, #tpu.memory_space<vmem>> -> memref<40xi32, #tpu.memory_space<vmem>>
      %dma_start3A_329 = arith.constant 0 : i32
      %dma_start3A_330 = arith.constant 0 : i32
      %dma_start3A_331 = tpu.memref_slice %arg2[%dma_start3A_329, %dma_start3A_330] : memref<10000x128xf32, #tpu.memory_space<hbm>> -> memref<10000x128xf32, #tpu.memory_space<hbm>>
      tpu.enqueue_indirect_dma source(%dma_start3A_331 : memref<10000x128xf32, #tpu.memory_space<hbm>>) target(%dma_start3A_325 : memref<40x128xf32, #tpu.memory_space<vmem>>) offsets(%dma_start3A_328 : memref<40xi32, #tpu.memory_space<vmem>>) semaphore(%arg27 : memref<!tpu.dma_semaphore, #tpu.memory_space<semaphore_mem>>)
      %dma_wait3A_332 = arith.constant 0 : i32
      %dma_wait3A_333 = arith.constant 0 : i32
      %dma_wait3A_334 = arith.constant 0 : i32
      %dma_wait3A_335 = arith.constant 0 : i32
      %dma_wait3A_336 = tpu.memref_slice %arg7[%dma_wait3A_333, %dma_wait3A_334, %dma_wait3A_335] : memref<10x40x128xf32, #tpu.memory_space<vmem>> -> memref<1x40x128xf32, #tpu.memory_space<vmem>>
      %dma_wait3A_337 = tpu.memref_squeeze %dma_wait3A_336 : memref<1x40x128xf32, #tpu.memory_space<vmem>> -> memref<40x128xf32, #tpu.memory_space<vmem>>
      %dma_wait3A_338 = arith.constant 0 : i32
      %dma_wait3A_339 = tpu.memref_slice %arg6[%dma_wait3A_332, %dma_wait3A_338] : memref<10x40xi32, #tpu.memory_space<vmem>> -> memref<1x40xi32, #tpu.memory_space<vmem>>
      %dma_wait3A_340 = tpu.memref_squeeze %dma_wait3A_339 : memref<1x40xi32, #tpu.memory_space<vmem>> -> memref<40xi32, #tpu.memory_space<vmem>>
      %dma_wait3A_341 = arith.constant 0 : i32
      %dma_wait3A_342 = arith.constant 0 : i32
      %dma_wait3A_343 = tpu.memref_slice %arg2[%dma_wait3A_341, %dma_wait3A_342] : memref<10000x128xf32, #tpu.memory_space<hbm>> -> memref<10000x128xf32, #tpu.memory_space<hbm>>
      tpu.wait_indirect_dma semaphore(%arg18 : memref<!tpu.dma_semaphore, #tpu.memory_space<semaphore_mem>>) src(%dma_wait3A_343 : memref<10000x128xf32, #tpu.memory_space<hbm>>) dst(%dma_wait3A_337 : memref<40x128xf32, #tpu.memory_space<vmem>>)
      %add3A_344 = arith.constant 0 : i32
      %add3A_345 = arith.addi %add3A_13, %add3A_344 : i32
      %dma_start3A_346 = arith.constant 0 : i32
      %dma_start3A_347 = arith.constant 0 : i32
      %dma_start3A_348 = arith.constant 0 : i32
      %dma_start3A_349 = tpu.memref_slice %arg7[%dma_start3A_346, %dma_start3A_347, %dma_start3A_348] : memref<10x40x128xf32, #tpu.memory_space<vmem>> -> memref<1x40x128xf32, #tpu.memory_space<vmem>>
      %dma_start3A_350 = tpu.memref_squeeze %dma_start3A_349 : memref<1x40x128xf32, #tpu.memory_space<vmem>> -> memref<40x128xf32, #tpu.memory_space<vmem>>
      %dma_start3A_351 = arith.constant 0 : i32
      %dma_start3A_352 = tpu.memref_slice %arg5[%add3A_345, %dma_start3A_351] : memref<160000x256xf32, #tpu.memory_space<hbm>> -> memref<40x128xf32, #tpu.memory_space<hbm>>
      %dma_start3A_353 = arith.constant 0 : i32
      %dma_start3A_354 = tpu.memref_slice %arg5[%add3A_345, %dma_start3A_353] : memref<160000x256xf32, #tpu.memory_space<hbm>> -> memref<40x128xf32, #tpu.memory_space<hbm>>
      %dma_start3A_355 = arith.constant 0 : i32
      %dma_start3A_356 = arith.constant 0 : i32
      %dma_start3A_357 = tpu.memref_slice %arg7[%dma_start3A_346, %dma_start3A_355, %dma_start3A_356] : memref<10x40x128xf32, #tpu.memory_space<vmem>> -> memref<1x40x128xf32, #tpu.memory_space<vmem>>
      %dma_start3A_358 = tpu.memref_squeeze %dma_start3A_357 : memref<1x40x128xf32, #tpu.memory_space<vmem>> -> memref<40x128xf32, #tpu.memory_space<vmem>>
      tpu.enqueue_dma source(%dma_start3A_358 : memref<40x128xf32, #tpu.memory_space<vmem>>) target(%dma_start3A_354 : memref<40x128xf32, #tpu.memory_space<hbm>>) target_semaphore(%arg28 : memref<!tpu.dma_semaphore, #tpu.memory_space<semaphore_mem>>)
      %dma_wait3A_359 = arith.constant 1 : i32
      %dma_wait3A_360 = arith.constant 1 : i32
      %dma_wait3A_361 = arith.constant 0 : i32
      %dma_wait3A_362 = arith.constant 0 : i32
      %dma_wait3A_363 = tpu.memref_slice %arg7[%dma_wait3A_360, %dma_wait3A_361, %dma_wait3A_362] : memref<10x40x128xf32, #tpu.memory_space<vmem>> -> memref<1x40x128xf32, #tpu.memory_space<vmem>>
      %dma_wait3A_364 = tpu.memref_squeeze %dma_wait3A_363 : memref<1x40x128xf32, #tpu.memory_space<vmem>> -> memref<40x128xf32, #tpu.memory_space<vmem>>
      %dma_wait3A_365 = arith.constant 0 : i32
      %dma_wait3A_366 = tpu.memref_slice %arg6[%dma_wait3A_359, %dma_wait3A_365] : memref<10x40xi32, #tpu.memory_space<vmem>> -> memref<1x40xi32, #tpu.memory_space<vmem>>
      %dma_wait3A_367 = tpu.memref_squeeze %dma_wait3A_366 : memref<1x40xi32, #tpu.memory_space<vmem>> -> memref<40xi32, #tpu.memory_space<vmem>>
      %dma_wait3A_368 = arith.constant 0 : i32
      %dma_wait3A_369 = arith.constant 0 : i32
      %dma_wait3A_370 = tpu.memref_slice %arg2[%dma_wait3A_368, %dma_wait3A_369] : memref<10000x128xf32, #tpu.memory_space<hbm>> -> memref<10000x128xf32, #tpu.memory_space<hbm>>
      tpu.wait_indirect_dma semaphore(%arg19 : memref<!tpu.dma_semaphore, #tpu.memory_space<semaphore_mem>>) src(%dma_wait3A_370 : memref<10000x128xf32, #tpu.memory_space<hbm>>) dst(%dma_wait3A_364 : memref<40x128xf32, #tpu.memory_space<vmem>>)
      %add3A_371 = arith.constant 0 : i32
      %add3A_372 = arith.addi %add3A_13, %add3A_371 : i32
      %dma_start3A_373 = arith.constant 1 : i32
      %dma_start3A_374 = arith.constant 0 : i32
      %dma_start3A_375 = arith.constant 0 : i32
      %dma_start3A_376 = tpu.memref_slice %arg7[%dma_start3A_373, %dma_start3A_374, %dma_start3A_375] : memref<10x40x128xf32, #tpu.memory_space<vmem>> -> memref<1x40x128xf32, #tpu.memory_space<vmem>>
      %dma_start3A_377 = tpu.memref_squeeze %dma_start3A_376 : memref<1x40x128xf32, #tpu.memory_space<vmem>> -> memref<40x128xf32, #tpu.memory_space<vmem>>
      %dma_start3A_378 = arith.constant 128 : i32
      %dma_start3A_379 = tpu.memref_slice %arg5[%add3A_372, %dma_start3A_378] : memref<160000x256xf32, #tpu.memory_space<hbm>> -> memref<40x128xf32, #tpu.memory_space<hbm>>
      %dma_start3A_380 = arith.constant 128 : i32
      %dma_start3A_381 = tpu.memref_slice %arg5[%add3A_372, %dma_start3A_380] : memref<160000x256xf32, #tpu.memory_space<hbm>> -> memref<40x128xf32, #tpu.memory_space<hbm>>
      %dma_start3A_382 = arith.constant 0 : i32
      %dma_start3A_383 = arith.constant 0 : i32
      %dma_start3A_384 = tpu.memref_slice %arg7[%dma_start3A_373, %dma_start3A_382, %dma_start3A_383] : memref<10x40x128xf32, #tpu.memory_space<vmem>> -> memref<1x40x128xf32, #tpu.memory_space<vmem>>
      %dma_start3A_385 = tpu.memref_squeeze %dma_start3A_384 : memref<1x40x128xf32, #tpu.memory_space<vmem>> -> memref<40x128xf32, #tpu.memory_space<vmem>>
      tpu.enqueue_dma source(%dma_start3A_385 : memref<40x128xf32, #tpu.memory_space<vmem>>) target(%dma_start3A_381 : memref<40x128xf32, #tpu.memory_space<hbm>>) target_semaphore(%arg29 : memref<!tpu.dma_semaphore, #tpu.memory_space<semaphore_mem>>)
      %dma_wait3A_386 = arith.constant 2 : i32
      %dma_wait3A_387 = arith.constant 2 : i32
      %dma_wait3A_388 = arith.constant 0 : i32
      %dma_wait3A_389 = arith.constant 0 : i32
      %dma_wait3A_390 = tpu.memref_slice %arg7[%dma_wait3A_387, %dma_wait3A_388, %dma_wait3A_389] : memref<10x40x128xf32, #tpu.memory_space<vmem>> -> memref<1x40x128xf32, #tpu.memory_space<vmem>>
      %dma_wait3A_391 = tpu.memref_squeeze %dma_wait3A_390 : memref<1x40x128xf32, #tpu.memory_space<vmem>> -> memref<40x128xf32, #tpu.memory_space<vmem>>
      %dma_wait3A_392 = arith.constant 0 : i32
      %dma_wait3A_393 = tpu.memref_slice %arg6[%dma_wait3A_386, %dma_wait3A_392] : memref<10x40xi32, #tpu.memory_space<vmem>> -> memref<1x40xi32, #tpu.memory_space<vmem>>
      %dma_wait3A_394 = tpu.memref_squeeze %dma_wait3A_393 : memref<1x40xi32, #tpu.memory_space<vmem>> -> memref<40xi32, #tpu.memory_space<vmem>>
      %dma_wait3A_395 = arith.constant 0 : i32
      %dma_wait3A_396 = arith.constant 0 : i32
      %dma_wait3A_397 = tpu.memref_slice %arg2[%dma_wait3A_395, %dma_wait3A_396] : memref<10000x128xf32, #tpu.memory_space<hbm>> -> memref<10000x128xf32, #tpu.memory_space<hbm>>
      tpu.wait_indirect_dma semaphore(%arg20 : memref<!tpu.dma_semaphore, #tpu.memory_space<semaphore_mem>>) src(%dma_wait3A_397 : memref<10000x128xf32, #tpu.memory_space<hbm>>) dst(%dma_wait3A_391 : memref<40x128xf32, #tpu.memory_space<vmem>>)
      %add3A_398 = arith.constant 40 : i32
      %add3A_399 = arith.addi %add3A_13, %add3A_398 : i32
      %dma_start3A_400 = arith.constant 2 : i32
      %dma_start3A_401 = arith.constant 0 : i32
      %dma_start3A_402 = arith.constant 0 : i32
      %dma_start3A_403 = tpu.memref_slice %arg7[%dma_start3A_400, %dma_start3A_401, %dma_start3A_402] : memref<10x40x128xf32, #tpu.memory_space<vmem>> -> memref<1x40x128xf32, #tpu.memory_space<vmem>>
      %dma_start3A_404 = tpu.memref_squeeze %dma_start3A_403 : memref<1x40x128xf32, #tpu.memory_space<vmem>> -> memref<40x128xf32, #tpu.memory_space<vmem>>
      %dma_start3A_405 = arith.constant 0 : i32
      %dma_start3A_406 = tpu.memref_slice %arg5[%add3A_399, %dma_start3A_405] : memref<160000x256xf32, #tpu.memory_space<hbm>> -> memref<40x128xf32, #tpu.memory_space<hbm>>
      %dma_start3A_407 = arith.constant 0 : i32
      %dma_start3A_408 = tpu.memref_slice %arg5[%add3A_399, %dma_start3A_407] : memref<160000x256xf32, #tpu.memory_space<hbm>> -> memref<40x128xf32, #tpu.memory_space<hbm>>
      %dma_start3A_409 = arith.constant 0 : i32
      %dma_start3A_410 = arith.constant 0 : i32
      %dma_start3A_411 = tpu.memref_slice %arg7[%dma_start3A_400, %dma_start3A_409, %dma_start3A_410] : memref<10x40x128xf32, #tpu.memory_space<vmem>> -> memref<1x40x128xf32, #tpu.memory_space<vmem>>
      %dma_start3A_412 = tpu.memref_squeeze %dma_start3A_411 : memref<1x40x128xf32, #tpu.memory_space<vmem>> -> memref<40x128xf32, #tpu.memory_space<vmem>>
      tpu.enqueue_dma source(%dma_start3A_412 : memref<40x128xf32, #tpu.memory_space<vmem>>) target(%dma_start3A_408 : memref<40x128xf32, #tpu.memory_space<hbm>>) target_semaphore(%arg30 : memref<!tpu.dma_semaphore, #tpu.memory_space<semaphore_mem>>)
      %dma_wait3A_413 = arith.constant 3 : i32
      %dma_wait3A_414 = arith.constant 3 : i32
      %dma_wait3A_415 = arith.constant 0 : i32
      %dma_wait3A_416 = arith.constant 0 : i32
      %dma_wait3A_417 = tpu.memref_slice %arg7[%dma_wait3A_414, %dma_wait3A_415, %dma_wait3A_416] : memref<10x40x128xf32, #tpu.memory_space<vmem>> -> memref<1x40x128xf32, #tpu.memory_space<vmem>>
      %dma_wait3A_418 = tpu.memref_squeeze %dma_wait3A_417 : memref<1x40x128xf32, #tpu.memory_space<vmem>> -> memref<40x128xf32, #tpu.memory_space<vmem>>
      %dma_wait3A_419 = arith.constant 0 : i32
      %dma_wait3A_420 = tpu.memref_slice %arg6[%dma_wait3A_413, %dma_wait3A_419] : memref<10x40xi32, #tpu.memory_space<vmem>> -> memref<1x40xi32, #tpu.memory_space<vmem>>
      %dma_wait3A_421 = tpu.memref_squeeze %dma_wait3A_420 : memref<1x40xi32, #tpu.memory_space<vmem>> -> memref<40xi32, #tpu.memory_space<vmem>>
      %dma_wait3A_422 = arith.constant 0 : i32
      %dma_wait3A_423 = arith.constant 0 : i32
      %dma_wait3A_424 = tpu.memref_slice %arg2[%dma_wait3A_422, %dma_wait3A_423] : memref<10000x128xf32, #tpu.memory_space<hbm>> -> memref<10000x128xf32, #tpu.memory_space<hbm>>
      tpu.wait_indirect_dma semaphore(%arg21 : memref<!tpu.dma_semaphore, #tpu.memory_space<semaphore_mem>>) src(%dma_wait3A_424 : memref<10000x128xf32, #tpu.memory_space<hbm>>) dst(%dma_wait3A_418 : memref<40x128xf32, #tpu.memory_space<vmem>>)
      %add3A_425 = arith.constant 40 : i32
      %add3A_426 = arith.addi %add3A_13, %add3A_425 : i32
      %dma_start3A_427 = arith.constant 3 : i32
      %dma_start3A_428 = arith.constant 0 : i32
      %dma_start3A_429 = arith.constant 0 : i32
      %dma_start3A_430 = tpu.memref_slice %arg7[%dma_start3A_427, %dma_start3A_428, %dma_start3A_429] : memref<10x40x128xf32, #tpu.memory_space<vmem>> -> memref<1x40x128xf32, #tpu.memory_space<vmem>>
      %dma_start3A_431 = tpu.memref_squeeze %dma_start3A_430 : memref<1x40x128xf32, #tpu.memory_space<vmem>> -> memref<40x128xf32, #tpu.memory_space<vmem>>
      %dma_start3A_432 = arith.constant 128 : i32
      %dma_start3A_433 = tpu.memref_slice %arg5[%add3A_426, %dma_start3A_432] : memref<160000x256xf32, #tpu.memory_space<hbm>> -> memref<40x128xf32, #tpu.memory_space<hbm>>
      %dma_start3A_434 = arith.constant 128 : i32
      %dma_start3A_435 = tpu.memref_slice %arg5[%add3A_426, %dma_start3A_434] : memref<160000x256xf32, #tpu.memory_space<hbm>> -> memref<40x128xf32, #tpu.memory_space<hbm>>
      %dma_start3A_436 = arith.constant 0 : i32
      %dma_start3A_437 = arith.constant 0 : i32
      %dma_start3A_438 = tpu.memref_slice %arg7[%dma_start3A_427, %dma_start3A_436, %dma_start3A_437] : memref<10x40x128xf32, #tpu.memory_space<vmem>> -> memref<1x40x128xf32, #tpu.memory_space<vmem>>
      %dma_start3A_439 = tpu.memref_squeeze %dma_start3A_438 : memref<1x40x128xf32, #tpu.memory_space<vmem>> -> memref<40x128xf32, #tpu.memory_space<vmem>>
      tpu.enqueue_dma source(%dma_start3A_439 : memref<40x128xf32, #tpu.memory_space<vmem>>) target(%dma_start3A_435 : memref<40x128xf32, #tpu.memory_space<hbm>>) target_semaphore(%arg31 : memref<!tpu.dma_semaphore, #tpu.memory_space<semaphore_mem>>)
      %dma_wait3A_440 = arith.constant 4 : i32
      %dma_wait3A_441 = arith.constant 4 : i32
      %dma_wait3A_442 = arith.constant 0 : i32
      %dma_wait3A_443 = arith.constant 0 : i32
      %dma_wait3A_444 = tpu.memref_slice %arg7[%dma_wait3A_441, %dma_wait3A_442, %dma_wait3A_443] : memref<10x40x128xf32, #tpu.memory_space<vmem>> -> memref<1x40x128xf32, #tpu.memory_space<vmem>>
      %dma_wait3A_445 = tpu.memref_squeeze %dma_wait3A_444 : memref<1x40x128xf32, #tpu.memory_space<vmem>> -> memref<40x128xf32, #tpu.memory_space<vmem>>
      %dma_wait3A_446 = arith.constant 0 : i32
      %dma_wait3A_447 = tpu.memref_slice %arg6[%dma_wait3A_440, %dma_wait3A_446] : memref<10x40xi32, #tpu.memory_space<vmem>> -> memref<1x40xi32, #tpu.memory_space<vmem>>
      %dma_wait3A_448 = tpu.memref_squeeze %dma_wait3A_447 : memref<1x40xi32, #tpu.memory_space<vmem>> -> memref<40xi32, #tpu.memory_space<vmem>>
      %dma_wait3A_449 = arith.constant 0 : i32
      %dma_wait3A_450 = arith.constant 0 : i32
      %dma_wait3A_451 = tpu.memref_slice %arg2[%dma_wait3A_449, %dma_wait3A_450] : memref<10000x128xf32, #tpu.memory_space<hbm>> -> memref<10000x128xf32, #tpu.memory_space<hbm>>
      tpu.wait_indirect_dma semaphore(%arg22 : memref<!tpu.dma_semaphore, #tpu.memory_space<semaphore_mem>>) src(%dma_wait3A_451 : memref<10000x128xf32, #tpu.memory_space<hbm>>) dst(%dma_wait3A_445 : memref<40x128xf32, #tpu.memory_space<vmem>>)
      %add3A_452 = arith.constant 80 : i32
      %add3A_453 = arith.addi %add3A_13, %add3A_452 : i32
      %dma_start3A_454 = arith.constant 4 : i32
      %dma_start3A_455 = arith.constant 0 : i32
      %dma_start3A_456 = arith.constant 0 : i32
      %dma_start3A_457 = tpu.memref_slice %arg7[%dma_start3A_454, %dma_start3A_455, %dma_start3A_456] : memref<10x40x128xf32, #tpu.memory_space<vmem>> -> memref<1x40x128xf32, #tpu.memory_space<vmem>>
      %dma_start3A_458 = tpu.memref_squeeze %dma_start3A_457 : memref<1x40x128xf32, #tpu.memory_space<vmem>> -> memref<40x128xf32, #tpu.memory_space<vmem>>
      %dma_start3A_459 = arith.constant 0 : i32
      %dma_start3A_460 = tpu.memref_slice %arg5[%add3A_453, %dma_start3A_459] : memref<160000x256xf32, #tpu.memory_space<hbm>> -> memref<40x128xf32, #tpu.memory_space<hbm>>
      %dma_start3A_461 = arith.constant 0 : i32
      %dma_start3A_462 = tpu.memref_slice %arg5[%add3A_453, %dma_start3A_461] : memref<160000x256xf32, #tpu.memory_space<hbm>> -> memref<40x128xf32, #tpu.memory_space<hbm>>
      %dma_start3A_463 = arith.constant 0 : i32
      %dma_start3A_464 = arith.constant 0 : i32
      %dma_start3A_465 = tpu.memref_slice %arg7[%dma_start3A_454, %dma_start3A_463, %dma_start3A_464] : memref<10x40x128xf32, #tpu.memory_space<vmem>> -> memref<1x40x128xf32, #tpu.memory_space<vmem>>
      %dma_start3A_466 = tpu.memref_squeeze %dma_start3A_465 : memref<1x40x128xf32, #tpu.memory_space<vmem>> -> memref<40x128xf32, #tpu.memory_space<vmem>>
      tpu.enqueue_dma source(%dma_start3A_466 : memref<40x128xf32, #tpu.memory_space<vmem>>) target(%dma_start3A_462 : memref<40x128xf32, #tpu.memory_space<hbm>>) target_semaphore(%arg32 : memref<!tpu.dma_semaphore, #tpu.memory_space<semaphore_mem>>)
      %dma_wait3A_467 = arith.constant 5 : i32
      %dma_wait3A_468 = arith.constant 5 : i32
      %dma_wait3A_469 = arith.constant 0 : i32
      %dma_wait3A_470 = arith.constant 0 : i32
      %dma_wait3A_471 = tpu.memref_slice %arg7[%dma_wait3A_468, %dma_wait3A_469, %dma_wait3A_470] : memref<10x40x128xf32, #tpu.memory_space<vmem>> -> memref<1x40x128xf32, #tpu.memory_space<vmem>>
      %dma_wait3A_472 = tpu.memref_squeeze %dma_wait3A_471 : memref<1x40x128xf32, #tpu.memory_space<vmem>> -> memref<40x128xf32, #tpu.memory_space<vmem>>
      %dma_wait3A_473 = arith.constant 0 : i32
      %dma_wait3A_474 = tpu.memref_slice %arg6[%dma_wait3A_467, %dma_wait3A_473] : memref<10x40xi32, #tpu.memory_space<vmem>> -> memref<1x40xi32, #tpu.memory_space<vmem>>
      %dma_wait3A_475 = tpu.memref_squeeze %dma_wait3A_474 : memref<1x40xi32, #tpu.memory_space<vmem>> -> memref<40xi32, #tpu.memory_space<vmem>>
      %dma_wait3A_476 = arith.constant 0 : i32
      %dma_wait3A_477 = arith.constant 0 : i32
      %dma_wait3A_478 = tpu.memref_slice %arg2[%dma_wait3A_476, %dma_wait3A_477] : memref<10000x128xf32, #tpu.memory_space<hbm>> -> memref<10000x128xf32, #tpu.memory_space<hbm>>
      tpu.wait_indirect_dma semaphore(%arg23 : memref<!tpu.dma_semaphore, #tpu.memory_space<semaphore_mem>>) src(%dma_wait3A_478 : memref<10000x128xf32, #tpu.memory_space<hbm>>) dst(%dma_wait3A_472 : memref<40x128xf32, #tpu.memory_space<vmem>>)
      %add3A_479 = arith.constant 80 : i32
      %add3A_480 = arith.addi %add3A_13, %add3A_479 : i32
      %dma_start3A_481 = arith.constant 5 : i32
      %dma_start3A_482 = arith.constant 0 : i32
      %dma_start3A_483 = arith.constant 0 : i32
      %dma_start3A_484 = tpu.memref_slice %arg7[%dma_start3A_481, %dma_start3A_482, %dma_start3A_483] : memref<10x40x128xf32, #tpu.memory_space<vmem>> -> memref<1x40x128xf32, #tpu.memory_space<vmem>>
      %dma_start3A_485 = tpu.memref_squeeze %dma_start3A_484 : memref<1x40x128xf32, #tpu.memory_space<vmem>> -> memref<40x128xf32, #tpu.memory_space<vmem>>
      %dma_start3A_486 = arith.constant 128 : i32
      %dma_start3A_487 = tpu.memref_slice %arg5[%add3A_480, %dma_start3A_486] : memref<160000x256xf32, #tpu.memory_space<hbm>> -> memref<40x128xf32, #tpu.memory_space<hbm>>
      %dma_start3A_488 = arith.constant 128 : i32
      %dma_start3A_489 = tpu.memref_slice %arg5[%add3A_480, %dma_start3A_488] : memref<160000x256xf32, #tpu.memory_space<hbm>> -> memref<40x128xf32, #tpu.memory_space<hbm>>
      %dma_start3A_490 = arith.constant 0 : i32
      %dma_start3A_491 = arith.constant 0 : i32
      %dma_start3A_492 = tpu.memref_slice %arg7[%dma_start3A_481, %dma_start3A_490, %dma_start3A_491] : memref<10x40x128xf32, #tpu.memory_space<vmem>> -> memref<1x40x128xf32, #tpu.memory_space<vmem>>
      %dma_start3A_493 = tpu.memref_squeeze %dma_start3A_492 : memref<1x40x128xf32, #tpu.memory_space<vmem>> -> memref<40x128xf32, #tpu.memory_space<vmem>>
      tpu.enqueue_dma source(%dma_start3A_493 : memref<40x128xf32, #tpu.memory_space<vmem>>) target(%dma_start3A_489 : memref<40x128xf32, #tpu.memory_space<hbm>>) target_semaphore(%arg33 : memref<!tpu.dma_semaphore, #tpu.memory_space<semaphore_mem>>)
      %dma_wait3A_494 = arith.constant 6 : i32
      %dma_wait3A_495 = arith.constant 6 : i32
      %dma_wait3A_496 = arith.constant 0 : i32
      %dma_wait3A_497 = arith.constant 0 : i32
      %dma_wait3A_498 = tpu.memref_slice %arg7[%dma_wait3A_495, %dma_wait3A_496, %dma_wait3A_497] : memref<10x40x128xf32, #tpu.memory_space<vmem>> -> memref<1x40x128xf32, #tpu.memory_space<vmem>>
      %dma_wait3A_499 = tpu.memref_squeeze %dma_wait3A_498 : memref<1x40x128xf32, #tpu.memory_space<vmem>> -> memref<40x128xf32, #tpu.memory_space<vmem>>
      %dma_wait3A_500 = arith.constant 0 : i32
      %dma_wait3A_501 = tpu.memref_slice %arg6[%dma_wait3A_494, %dma_wait3A_500] : memref<10x40xi32, #tpu.memory_space<vmem>> -> memref<1x40xi32, #tpu.memory_space<vmem>>
      %dma_wait3A_502 = tpu.memref_squeeze %dma_wait3A_501 : memref<1x40xi32, #tpu.memory_space<vmem>> -> memref<40xi32, #tpu.memory_space<vmem>>
      %dma_wait3A_503 = arith.constant 0 : i32
      %dma_wait3A_504 = arith.constant 0 : i32
      %dma_wait3A_505 = tpu.memref_slice %arg2[%dma_wait3A_503, %dma_wait3A_504] : memref<10000x128xf32, #tpu.memory_space<hbm>> -> memref<10000x128xf32, #tpu.memory_space<hbm>>
      tpu.wait_indirect_dma semaphore(%arg24 : memref<!tpu.dma_semaphore, #tpu.memory_space<semaphore_mem>>) src(%dma_wait3A_505 : memref<10000x128xf32, #tpu.memory_space<hbm>>) dst(%dma_wait3A_499 : memref<40x128xf32, #tpu.memory_space<vmem>>)
      %add3A_506 = arith.constant 120 : i32
      %add3A_507 = arith.addi %add3A_13, %add3A_506 : i32
      %dma_start3A_508 = arith.constant 6 : i32
      %dma_start3A_509 = arith.constant 0 : i32
      %dma_start3A_510 = arith.constant 0 : i32
      %dma_start3A_511 = tpu.memref_slice %arg7[%dma_start3A_508, %dma_start3A_509, %dma_start3A_510] : memref<10x40x128xf32, #tpu.memory_space<vmem>> -> memref<1x40x128xf32, #tpu.memory_space<vmem>>
      %dma_start3A_512 = tpu.memref_squeeze %dma_start3A_511 : memref<1x40x128xf32, #tpu.memory_space<vmem>> -> memref<40x128xf32, #tpu.memory_space<vmem>>
      %dma_start3A_513 = arith.constant 0 : i32
      %dma_start3A_514 = tpu.memref_slice %arg5[%add3A_507, %dma_start3A_513] : memref<160000x256xf32, #tpu.memory_space<hbm>> -> memref<40x128xf32, #tpu.memory_space<hbm>>
      %dma_start3A_515 = arith.constant 0 : i32
      %dma_start3A_516 = tpu.memref_slice %arg5[%add3A_507, %dma_start3A_515] : memref<160000x256xf32, #tpu.memory_space<hbm>> -> memref<40x128xf32, #tpu.memory_space<hbm>>
      %dma_start3A_517 = arith.constant 0 : i32
      %dma_start3A_518 = arith.constant 0 : i32
      %dma_start3A_519 = tpu.memref_slice %arg7[%dma_start3A_508, %dma_start3A_517, %dma_start3A_518] : memref<10x40x128xf32, #tpu.memory_space<vmem>> -> memref<1x40x128xf32, #tpu.memory_space<vmem>>
      %dma_start3A_520 = tpu.memref_squeeze %dma_start3A_519 : memref<1x40x128xf32, #tpu.memory_space<vmem>> -> memref<40x128xf32, #tpu.memory_space<vmem>>
      tpu.enqueue_dma source(%dma_start3A_520 : memref<40x128xf32, #tpu.memory_space<vmem>>) target(%dma_start3A_516 : memref<40x128xf32, #tpu.memory_space<hbm>>) target_semaphore(%arg34 : memref<!tpu.dma_semaphore, #tpu.memory_space<semaphore_mem>>)
      %dma_wait3A_521 = arith.constant 7 : i32
      %dma_wait3A_522 = arith.constant 7 : i32
      %dma_wait3A_523 = arith.constant 0 : i32
      %dma_wait3A_524 = arith.constant 0 : i32
      %dma_wait3A_525 = tpu.memref_slice %arg7[%dma_wait3A_522, %dma_wait3A_523, %dma_wait3A_524] : memref<10x40x128xf32, #tpu.memory_space<vmem>> -> memref<1x40x128xf32, #tpu.memory_space<vmem>>
      %dma_wait3A_526 = tpu.memref_squeeze %dma_wait3A_525 : memref<1x40x128xf32, #tpu.memory_space<vmem>> -> memref<40x128xf32, #tpu.memory_space<vmem>>
      %dma_wait3A_527 = arith.constant 0 : i32
      %dma_wait3A_528 = tpu.memref_slice %arg6[%dma_wait3A_521, %dma_wait3A_527] : memref<10x40xi32, #tpu.memory_space<vmem>> -> memref<1x40xi32, #tpu.memory_space<vmem>>
      %dma_wait3A_529 = tpu.memref_squeeze %dma_wait3A_528 : memref<1x40xi32, #tpu.memory_space<vmem>> -> memref<40xi32, #tpu.memory_space<vmem>>
      %dma_wait3A_530 = arith.constant 0 : i32
      %dma_wait3A_531 = arith.constant 0 : i32
      %dma_wait3A_532 = tpu.memref_slice %arg2[%dma_wait3A_530, %dma_wait3A_531] : memref<10000x128xf32, #tpu.memory_space<hbm>> -> memref<10000x128xf32, #tpu.memory_space<hbm>>
      tpu.wait_indirect_dma semaphore(%arg25 : memref<!tpu.dma_semaphore, #tpu.memory_space<semaphore_mem>>) src(%dma_wait3A_532 : memref<10000x128xf32, #tpu.memory_space<hbm>>) dst(%dma_wait3A_526 : memref<40x128xf32, #tpu.memory_space<vmem>>)
      %add3A_533 = arith.constant 120 : i32
      %add3A_534 = arith.addi %add3A_13, %add3A_533 : i32
      %dma_start3A_535 = arith.constant 7 : i32
      %dma_start3A_536 = arith.constant 0 : i32
      %dma_start3A_537 = arith.constant 0 : i32
      %dma_start3A_538 = tpu.memref_slice %arg7[%dma_start3A_535, %dma_start3A_536, %dma_start3A_537] : memref<10x40x128xf32, #tpu.memory_space<vmem>> -> memref<1x40x128xf32, #tpu.memory_space<vmem>>
      %dma_start3A_539 = tpu.memref_squeeze %dma_start3A_538 : memref<1x40x128xf32, #tpu.memory_space<vmem>> -> memref<40x128xf32, #tpu.memory_space<vmem>>
      %dma_start3A_540 = arith.constant 128 : i32
      %dma_start3A_541 = tpu.memref_slice %arg5[%add3A_534, %dma_start3A_540] : memref<160000x256xf32, #tpu.memory_space<hbm>> -> memref<40x128xf32, #tpu.memory_space<hbm>>
      %dma_start3A_542 = arith.constant 128 : i32
      %dma_start3A_543 = tpu.memref_slice %arg5[%add3A_534, %dma_start3A_542] : memref<160000x256xf32, #tpu.memory_space<hbm>> -> memref<40x128xf32, #tpu.memory_space<hbm>>
      %dma_start3A_544 = arith.constant 0 : i32
      %dma_start3A_545 = arith.constant 0 : i32
      %dma_start3A_546 = tpu.memref_slice %arg7[%dma_start3A_535, %dma_start3A_544, %dma_start3A_545] : memref<10x40x128xf32, #tpu.memory_space<vmem>> -> memref<1x40x128xf32, #tpu.memory_space<vmem>>
      %dma_start3A_547 = tpu.memref_squeeze %dma_start3A_546 : memref<1x40x128xf32, #tpu.memory_space<vmem>> -> memref<40x128xf32, #tpu.memory_space<vmem>>
      tpu.enqueue_dma source(%dma_start3A_547 : memref<40x128xf32, #tpu.memory_space<vmem>>) target(%dma_start3A_543 : memref<40x128xf32, #tpu.memory_space<hbm>>) target_semaphore(%arg35 : memref<!tpu.dma_semaphore, #tpu.memory_space<semaphore_mem>>)
      %dma_wait3A_548 = arith.constant 8 : i32
      %dma_wait3A_549 = arith.constant 8 : i32
      %dma_wait3A_550 = arith.constant 0 : i32
      %dma_wait3A_551 = arith.constant 0 : i32
      %dma_wait3A_552 = tpu.memref_slice %arg7[%dma_wait3A_549, %dma_wait3A_550, %dma_wait3A_551] : memref<10x40x128xf32, #tpu.memory_space<vmem>> -> memref<1x40x128xf32, #tpu.memory_space<vmem>>
      %dma_wait3A_553 = tpu.memref_squeeze %dma_wait3A_552 : memref<1x40x128xf32, #tpu.memory_space<vmem>> -> memref<40x128xf32, #tpu.memory_space<vmem>>
      %dma_wait3A_554 = arith.constant 0 : i32
      %dma_wait3A_555 = tpu.memref_slice %arg6[%dma_wait3A_548, %dma_wait3A_554] : memref<10x40xi32, #tpu.memory_space<vmem>> -> memref<1x40xi32, #tpu.memory_space<vmem>>
      %dma_wait3A_556 = tpu.memref_squeeze %dma_wait3A_555 : memref<1x40xi32, #tpu.memory_space<vmem>> -> memref<40xi32, #tpu.memory_space<vmem>>
      %dma_wait3A_557 = arith.constant 0 : i32
      %dma_wait3A_558 = arith.constant 0 : i32
      %dma_wait3A_559 = tpu.memref_slice %arg2[%dma_wait3A_557, %dma_wait3A_558] : memref<10000x128xf32, #tpu.memory_space<hbm>> -> memref<10000x128xf32, #tpu.memory_space<hbm>>
      tpu.wait_indirect_dma semaphore(%arg26 : memref<!tpu.dma_semaphore, #tpu.memory_space<semaphore_mem>>) src(%dma_wait3A_559 : memref<10000x128xf32, #tpu.memory_space<hbm>>) dst(%dma_wait3A_553 : memref<40x128xf32, #tpu.memory_space<vmem>>)
      %add3A_560 = arith.constant 160 : i32
      %add3A_561 = arith.addi %add3A_13, %add3A_560 : i32
      %dma_start3A_562 = arith.constant 8 : i32
      %dma_start3A_563 = arith.constant 0 : i32
      %dma_start3A_564 = arith.constant 0 : i32
      %dma_start3A_565 = tpu.memref_slice %arg7[%dma_start3A_562, %dma_start3A_563, %dma_start3A_564] : memref<10x40x128xf32, #tpu.memory_space<vmem>> -> memref<1x40x128xf32, #tpu.memory_space<vmem>>
      %dma_start3A_566 = tpu.memref_squeeze %dma_start3A_565 : memref<1x40x128xf32, #tpu.memory_space<vmem>> -> memref<40x128xf32, #tpu.memory_space<vmem>>
      %dma_start3A_567 = arith.constant 0 : i32
      %dma_start3A_568 = tpu.memref_slice %arg5[%add3A_561, %dma_start3A_567] : memref<160000x256xf32, #tpu.memory_space<hbm>> -> memref<40x128xf32, #tpu.memory_space<hbm>>
      %dma_start3A_569 = arith.constant 0 : i32
      %dma_start3A_570 = tpu.memref_slice %arg5[%add3A_561, %dma_start3A_569] : memref<160000x256xf32, #tpu.memory_space<hbm>> -> memref<40x128xf32, #tpu.memory_space<hbm>>
      %dma_start3A_571 = arith.constant 0 : i32
      %dma_start3A_572 = arith.constant 0 : i32
      %dma_start3A_573 = tpu.memref_slice %arg7[%dma_start3A_562, %dma_start3A_571, %dma_start3A_572] : memref<10x40x128xf32, #tpu.memory_space<vmem>> -> memref<1x40x128xf32, #tpu.memory_space<vmem>>
      %dma_start3A_574 = tpu.memref_squeeze %dma_start3A_573 : memref<1x40x128xf32, #tpu.memory_space<vmem>> -> memref<40x128xf32, #tpu.memory_space<vmem>>
      tpu.enqueue_dma source(%dma_start3A_574 : memref<40x128xf32, #tpu.memory_space<vmem>>) target(%dma_start3A_570 : memref<40x128xf32, #tpu.memory_space<hbm>>) target_semaphore(%arg36 : memref<!tpu.dma_semaphore, #tpu.memory_space<semaphore_mem>>)
      %dma_wait3A_575 = arith.constant 9 : i32
      %dma_wait3A_576 = arith.constant 9 : i32
      %dma_wait3A_577 = arith.constant 0 : i32
      %dma_wait3A_578 = arith.constant 0 : i32
      %dma_wait3A_579 = tpu.memref_slice %arg7[%dma_wait3A_576, %dma_wait3A_577, %dma_wait3A_578] : memref<10x40x128xf32, #tpu.memory_space<vmem>> -> memref<1x40x128xf32, #tpu.memory_space<vmem>>
      %dma_wait3A_580 = tpu.memref_squeeze %dma_wait3A_579 : memref<1x40x128xf32, #tpu.memory_space<vmem>> -> memref<40x128xf32, #tpu.memory_space<vmem>>
      %dma_wait3A_581 = arith.constant 0 : i32
      %dma_wait3A_582 = tpu.memref_slice %arg6[%dma_wait3A_575, %dma_wait3A_581] : memref<10x40xi32, #tpu.memory_space<vmem>> -> memref<1x40xi32, #tpu.memory_space<vmem>>
      %dma_wait3A_583 = tpu.memref_squeeze %dma_wait3A_582 : memref<1x40xi32, #tpu.memory_space<vmem>> -> memref<40xi32, #tpu.memory_space<vmem>>
      %dma_wait3A_584 = arith.constant 0 : i32
      %dma_wait3A_585 = arith.constant 0 : i32
      %dma_wait3A_586 = tpu.memref_slice %arg2[%dma_wait3A_584, %dma_wait3A_585] : memref<10000x128xf32, #tpu.memory_space<hbm>> -> memref<10000x128xf32, #tpu.memory_space<hbm>>
      tpu.wait_indirect_dma semaphore(%arg27 : memref<!tpu.dma_semaphore, #tpu.memory_space<semaphore_mem>>) src(%dma_wait3A_586 : memref<10000x128xf32, #tpu.memory_space<hbm>>) dst(%dma_wait3A_580 : memref<40x128xf32, #tpu.memory_space<vmem>>)
      %add3A_587 = arith.constant 160 : i32
      %add3A_588 = arith.addi %add3A_13, %add3A_587 : i32
      %dma_start3A_589 = arith.constant 9 : i32
      %dma_start3A_590 = arith.constant 0 : i32
      %dma_start3A_591 = arith.constant 0 : i32
      %dma_start3A_592 = tpu.memref_slice %arg7[%dma_start3A_589, %dma_start3A_590, %dma_start3A_591] : memref<10x40x128xf32, #tpu.memory_space<vmem>> -> memref<1x40x128xf32, #tpu.memory_space<vmem>>
      %dma_start3A_593 = tpu.memref_squeeze %dma_start3A_592 : memref<1x40x128xf32, #tpu.memory_space<vmem>> -> memref<40x128xf32, #tpu.memory_space<vmem>>
      %dma_start3A_594 = arith.constant 128 : i32
      %dma_start3A_595 = tpu.memref_slice %arg5[%add3A_588, %dma_start3A_594] : memref<160000x256xf32, #tpu.memory_space<hbm>> -> memref<40x128xf32, #tpu.memory_space<hbm>>
      %dma_start3A_596 = arith.constant 128 : i32
      %dma_start3A_597 = tpu.memref_slice %arg5[%add3A_588, %dma_start3A_596] : memref<160000x256xf32, #tpu.memory_space<hbm>> -> memref<40x128xf32, #tpu.memory_space<hbm>>
      %dma_start3A_598 = arith.constant 0 : i32
      %dma_start3A_599 = arith.constant 0 : i32
      %dma_start3A_600 = tpu.memref_slice %arg7[%dma_start3A_589, %dma_start3A_598, %dma_start3A_599] : memref<10x40x128xf32, #tpu.memory_space<vmem>> -> memref<1x40x128xf32, #tpu.memory_space<vmem>>
      %dma_start3A_601 = tpu.memref_squeeze %dma_start3A_600 : memref<1x40x128xf32, #tpu.memory_space<vmem>> -> memref<40x128xf32, #tpu.memory_space<vmem>>
      tpu.enqueue_dma source(%dma_start3A_601 : memref<40x128xf32, #tpu.memory_space<vmem>>) target(%dma_start3A_597 : memref<40x128xf32, #tpu.memory_space<hbm>>) target_semaphore(%arg37 : memref<!tpu.dma_semaphore, #tpu.memory_space<semaphore_mem>>)
      %dma_wait3A_602 = arith.constant 0 : i32
      %dma_wait3A_603 = arith.constant 0 : i32
      %dma_wait3A_604 = arith.constant 0 : i32
      %dma_wait3A_605 = tpu.memref_slice %arg7[%dma_wait3A_602, %dma_wait3A_603, %dma_wait3A_604] : memref<10x40x128xf32, #tpu.memory_space<vmem>> -> memref<1x40x128xf32, #tpu.memory_space<vmem>>
      %dma_wait3A_606 = tpu.memref_squeeze %dma_wait3A_605 : memref<1x40x128xf32, #tpu.memory_space<vmem>> -> memref<40x128xf32, #tpu.memory_space<vmem>>
      %dma_wait3A_607 = arith.constant 0 : i32
      %dma_wait3A_608 = tpu.memref_slice %arg5[%add3A_345, %dma_wait3A_607] : memref<160000x256xf32, #tpu.memory_space<hbm>> -> memref<40x128xf32, #tpu.memory_space<hbm>>
      %dma_wait3A_609 = arith.constant 0 : i32
      %dma_wait3A_610 = tpu.memref_slice %arg5[%add3A_345, %dma_wait3A_609] : memref<160000x256xf32, #tpu.memory_space<hbm>> -> memref<40x128xf32, #tpu.memory_space<hbm>>
      %dma_wait3A_611 = arith.constant 0 : i32
      %dma_wait3A_612 = arith.constant 0 : i32
      %dma_wait3A_613 = tpu.memref_slice %arg7[%dma_wait3A_602, %dma_wait3A_611, %dma_wait3A_612] : memref<10x40x128xf32, #tpu.memory_space<vmem>> -> memref<1x40x128xf32, #tpu.memory_space<vmem>>
      %dma_wait3A_614 = tpu.memref_squeeze %dma_wait3A_613 : memref<1x40x128xf32, #tpu.memory_space<vmem>> -> memref<40x128xf32, #tpu.memory_space<vmem>>
      tpu.wait_dma2 semaphore(%arg28 : memref<!tpu.dma_semaphore, #tpu.memory_space<semaphore_mem>>) src(%dma_wait3A_614 : memref<40x128xf32, #tpu.memory_space<vmem>>) dst(%dma_wait3A_610 : memref<40x128xf32, #tpu.memory_space<hbm>>)
      %dma_wait3A_615 = arith.constant 1 : i32
      %dma_wait3A_616 = arith.constant 0 : i32
      %dma_wait3A_617 = arith.constant 0 : i32
      %dma_wait3A_618 = tpu.memref_slice %arg7[%dma_wait3A_615, %dma_wait3A_616, %dma_wait3A_617] : memref<10x40x128xf32, #tpu.memory_space<vmem>> -> memref<1x40x128xf32, #tpu.memory_space<vmem>>
      %dma_wait3A_619 = tpu.memref_squeeze %dma_wait3A_618 : memref<1x40x128xf32, #tpu.memory_space<vmem>> -> memref<40x128xf32, #tpu.memory_space<vmem>>
      %dma_wait3A_620 = arith.constant 128 : i32
      %dma_wait3A_621 = tpu.memref_slice %arg5[%add3A_372, %dma_wait3A_620] : memref<160000x256xf32, #tpu.memory_space<hbm>> -> memref<40x128xf32, #tpu.memory_space<hbm>>
      %dma_wait3A_622 = arith.constant 128 : i32
      %dma_wait3A_623 = tpu.memref_slice %arg5[%add3A_372, %dma_wait3A_622] : memref<160000x256xf32, #tpu.memory_space<hbm>> -> memref<40x128xf32, #tpu.memory_space<hbm>>
      %dma_wait3A_624 = arith.constant 0 : i32
      %dma_wait3A_625 = arith.constant 0 : i32
      %dma_wait3A_626 = tpu.memref_slice %arg7[%dma_wait3A_615, %dma_wait3A_624, %dma_wait3A_625] : memref<10x40x128xf32, #tpu.memory_space<vmem>> -> memref<1x40x128xf32, #tpu.memory_space<vmem>>
      %dma_wait3A_627 = tpu.memref_squeeze %dma_wait3A_626 : memref<1x40x128xf32, #tpu.memory_space<vmem>> -> memref<40x128xf32, #tpu.memory_space<vmem>>
      tpu.wait_dma2 semaphore(%arg29 : memref<!tpu.dma_semaphore, #tpu.memory_space<semaphore_mem>>) src(%dma_wait3A_627 : memref<40x128xf32, #tpu.memory_space<vmem>>) dst(%dma_wait3A_623 : memref<40x128xf32, #tpu.memory_space<hbm>>)
      %dma_wait3A_628 = arith.constant 2 : i32
      %dma_wait3A_629 = arith.constant 0 : i32
      %dma_wait3A_630 = arith.constant 0 : i32
      %dma_wait3A_631 = tpu.memref_slice %arg7[%dma_wait3A_628, %dma_wait3A_629, %dma_wait3A_630] : memref<10x40x128xf32, #tpu.memory_space<vmem>> -> memref<1x40x128xf32, #tpu.memory_space<vmem>>
      %dma_wait3A_632 = tpu.memref_squeeze %dma_wait3A_631 : memref<1x40x128xf32, #tpu.memory_space<vmem>> -> memref<40x128xf32, #tpu.memory_space<vmem>>
      %dma_wait3A_633 = arith.constant 0 : i32
      %dma_wait3A_634 = tpu.memref_slice %arg5[%add3A_399, %dma_wait3A_633] : memref<160000x256xf32, #tpu.memory_space<hbm>> -> memref<40x128xf32, #tpu.memory_space<hbm>>
      %dma_wait3A_635 = arith.constant 0 : i32
      %dma_wait3A_636 = tpu.memref_slice %arg5[%add3A_399, %dma_wait3A_635] : memref<160000x256xf32, #tpu.memory_space<hbm>> -> memref<40x128xf32, #tpu.memory_space<hbm>>
      %dma_wait3A_637 = arith.constant 0 : i32
      %dma_wait3A_638 = arith.constant 0 : i32
      %dma_wait3A_639 = tpu.memref_slice %arg7[%dma_wait3A_628, %dma_wait3A_637, %dma_wait3A_638] : memref<10x40x128xf32, #tpu.memory_space<vmem>> -> memref<1x40x128xf32, #tpu.memory_space<vmem>>
      %dma_wait3A_640 = tpu.memref_squeeze %dma_wait3A_639 : memref<1x40x128xf32, #tpu.memory_space<vmem>> -> memref<40x128xf32, #tpu.memory_space<vmem>>
      tpu.wait_dma2 semaphore(%arg30 : memref<!tpu.dma_semaphore, #tpu.memory_space<semaphore_mem>>) src(%dma_wait3A_640 : memref<40x128xf32, #tpu.memory_space<vmem>>) dst(%dma_wait3A_636 : memref<40x128xf32, #tpu.memory_space<hbm>>)
      %dma_wait3A_641 = arith.constant 3 : i32
      %dma_wait3A_642 = arith.constant 0 : i32
      %dma_wait3A_643 = arith.constant 0 : i32
      %dma_wait3A_644 = tpu.memref_slice %arg7[%dma_wait3A_641, %dma_wait3A_642, %dma_wait3A_643] : memref<10x40x128xf32, #tpu.memory_space<vmem>> -> memref<1x40x128xf32, #tpu.memory_space<vmem>>
      %dma_wait3A_645 = tpu.memref_squeeze %dma_wait3A_644 : memref<1x40x128xf32, #tpu.memory_space<vmem>> -> memref<40x128xf32, #tpu.memory_space<vmem>>
      %dma_wait3A_646 = arith.constant 128 : i32
      %dma_wait3A_647 = tpu.memref_slice %arg5[%add3A_426, %dma_wait3A_646] : memref<160000x256xf32, #tpu.memory_space<hbm>> -> memref<40x128xf32, #tpu.memory_space<hbm>>
      %dma_wait3A_648 = arith.constant 128 : i32
      %dma_wait3A_649 = tpu.memref_slice %arg5[%add3A_426, %dma_wait3A_648] : memref<160000x256xf32, #tpu.memory_space<hbm>> -> memref<40x128xf32, #tpu.memory_space<hbm>>
      %dma_wait3A_650 = arith.constant 0 : i32
      %dma_wait3A_651 = arith.constant 0 : i32
      %dma_wait3A_652 = tpu.memref_slice %arg7[%dma_wait3A_641, %dma_wait3A_650, %dma_wait3A_651] : memref<10x40x128xf32, #tpu.memory_space<vmem>> -> memref<1x40x128xf32, #tpu.memory_space<vmem>>
      %dma_wait3A_653 = tpu.memref_squeeze %dma_wait3A_652 : memref<1x40x128xf32, #tpu.memory_space<vmem>> -> memref<40x128xf32, #tpu.memory_space<vmem>>
      tpu.wait_dma2 semaphore(%arg31 : memref<!tpu.dma_semaphore, #tpu.memory_space<semaphore_mem>>) src(%dma_wait3A_653 : memref<40x128xf32, #tpu.memory_space<vmem>>) dst(%dma_wait3A_649 : memref<40x128xf32, #tpu.memory_space<hbm>>)
      %dma_wait3A_654 = arith.constant 4 : i32
      %dma_wait3A_655 = arith.constant 0 : i32
      %dma_wait3A_656 = arith.constant 0 : i32
      %dma_wait3A_657 = tpu.memref_slice %arg7[%dma_wait3A_654, %dma_wait3A_655, %dma_wait3A_656] : memref<10x40x128xf32, #tpu.memory_space<vmem>> -> memref<1x40x128xf32, #tpu.memory_space<vmem>>
      %dma_wait3A_658 = tpu.memref_squeeze %dma_wait3A_657 : memref<1x40x128xf32, #tpu.memory_space<vmem>> -> memref<40x128xf32, #tpu.memory_space<vmem>>
      %dma_wait3A_659 = arith.constant 0 : i32
      %dma_wait3A_660 = tpu.memref_slice %arg5[%add3A_453, %dma_wait3A_659] : memref<160000x256xf32, #tpu.memory_space<hbm>> -> memref<40x128xf32, #tpu.memory_space<hbm>>
      %dma_wait3A_661 = arith.constant 0 : i32
      %dma_wait3A_662 = tpu.memref_slice %arg5[%add3A_453, %dma_wait3A_661] : memref<160000x256xf32, #tpu.memory_space<hbm>> -> memref<40x128xf32, #tpu.memory_space<hbm>>
      %dma_wait3A_663 = arith.constant 0 : i32
      %dma_wait3A_664 = arith.constant 0 : i32
      %dma_wait3A_665 = tpu.memref_slice %arg7[%dma_wait3A_654, %dma_wait3A_663, %dma_wait3A_664] : memref<10x40x128xf32, #tpu.memory_space<vmem>> -> memref<1x40x128xf32, #tpu.memory_space<vmem>>
      %dma_wait3A_666 = tpu.memref_squeeze %dma_wait3A_665 : memref<1x40x128xf32, #tpu.memory_space<vmem>> -> memref<40x128xf32, #tpu.memory_space<vmem>>
      tpu.wait_dma2 semaphore(%arg32 : memref<!tpu.dma_semaphore, #tpu.memory_space<semaphore_mem>>) src(%dma_wait3A_666 : memref<40x128xf32, #tpu.memory_space<vmem>>) dst(%dma_wait3A_662 : memref<40x128xf32, #tpu.memory_space<hbm>>)
      %dma_wait3A_667 = arith.constant 5 : i32
      %dma_wait3A_668 = arith.constant 0 : i32
      %dma_wait3A_669 = arith.constant 0 : i32
      %dma_wait3A_670 = tpu.memref_slice %arg7[%dma_wait3A_667, %dma_wait3A_668, %dma_wait3A_669] : memref<10x40x128xf32, #tpu.memory_space<vmem>> -> memref<1x40x128xf32, #tpu.memory_space<vmem>>
      %dma_wait3A_671 = tpu.memref_squeeze %dma_wait3A_670 : memref<1x40x128xf32, #tpu.memory_space<vmem>> -> memref<40x128xf32, #tpu.memory_space<vmem>>
      %dma_wait3A_672 = arith.constant 128 : i32
      %dma_wait3A_673 = tpu.memref_slice %arg5[%add3A_480, %dma_wait3A_672] : memref<160000x256xf32, #tpu.memory_space<hbm>> -> memref<40x128xf32, #tpu.memory_space<hbm>>
      %dma_wait3A_674 = arith.constant 128 : i32
      %dma_wait3A_675 = tpu.memref_slice %arg5[%add3A_480, %dma_wait3A_674] : memref<160000x256xf32, #tpu.memory_space<hbm>> -> memref<40x128xf32, #tpu.memory_space<hbm>>
      %dma_wait3A_676 = arith.constant 0 : i32
      %dma_wait3A_677 = arith.constant 0 : i32
      %dma_wait3A_678 = tpu.memref_slice %arg7[%dma_wait3A_667, %dma_wait3A_676, %dma_wait3A_677] : memref<10x40x128xf32, #tpu.memory_space<vmem>> -> memref<1x40x128xf32, #tpu.memory_space<vmem>>
      %dma_wait3A_679 = tpu.memref_squeeze %dma_wait3A_678 : memref<1x40x128xf32, #tpu.memory_space<vmem>> -> memref<40x128xf32, #tpu.memory_space<vmem>>
      tpu.wait_dma2 semaphore(%arg33 : memref<!tpu.dma_semaphore, #tpu.memory_space<semaphore_mem>>) src(%dma_wait3A_679 : memref<40x128xf32, #tpu.memory_space<vmem>>) dst(%dma_wait3A_675 : memref<40x128xf32, #tpu.memory_space<hbm>>)
      %dma_wait3A_680 = arith.constant 6 : i32
      %dma_wait3A_681 = arith.constant 0 : i32
      %dma_wait3A_682 = arith.constant 0 : i32
      %dma_wait3A_683 = tpu.memref_slice %arg7[%dma_wait3A_680, %dma_wait3A_681, %dma_wait3A_682] : memref<10x40x128xf32, #tpu.memory_space<vmem>> -> memref<1x40x128xf32, #tpu.memory_space<vmem>>
      %dma_wait3A_684 = tpu.memref_squeeze %dma_wait3A_683 : memref<1x40x128xf32, #tpu.memory_space<vmem>> -> memref<40x128xf32, #tpu.memory_space<vmem>>
      %dma_wait3A_685 = arith.constant 0 : i32
      %dma_wait3A_686 = tpu.memref_slice %arg5[%add3A_507, %dma_wait3A_685] : memref<160000x256xf32, #tpu.memory_space<hbm>> -> memref<40x128xf32, #tpu.memory_space<hbm>>
      %dma_wait3A_687 = arith.constant 0 : i32
      %dma_wait3A_688 = tpu.memref_slice %arg5[%add3A_507, %dma_wait3A_687] : memref<160000x256xf32, #tpu.memory_space<hbm>> -> memref<40x128xf32, #tpu.memory_space<hbm>>
      %dma_wait3A_689 = arith.constant 0 : i32
      %dma_wait3A_690 = arith.constant 0 : i32
      %dma_wait3A_691 = tpu.memref_slice %arg7[%dma_wait3A_680, %dma_wait3A_689, %dma_wait3A_690] : memref<10x40x128xf32, #tpu.memory_space<vmem>> -> memref<1x40x128xf32, #tpu.memory_space<vmem>>
      %dma_wait3A_692 = tpu.memref_squeeze %dma_wait3A_691 : memref<1x40x128xf32, #tpu.memory_space<vmem>> -> memref<40x128xf32, #tpu.memory_space<vmem>>
      tpu.wait_dma2 semaphore(%arg34 : memref<!tpu.dma_semaphore, #tpu.memory_space<semaphore_mem>>) src(%dma_wait3A_692 : memref<40x128xf32, #tpu.memory_space<vmem>>) dst(%dma_wait3A_688 : memref<40x128xf32, #tpu.memory_space<hbm>>)
      %dma_wait3A_693 = arith.constant 7 : i32
      %dma_wait3A_694 = arith.constant 0 : i32
      %dma_wait3A_695 = arith.constant 0 : i32
      %dma_wait3A_696 = tpu.memref_slice %arg7[%dma_wait3A_693, %dma_wait3A_694, %dma_wait3A_695] : memref<10x40x128xf32, #tpu.memory_space<vmem>> -> memref<1x40x128xf32, #tpu.memory_space<vmem>>
      %dma_wait3A_697 = tpu.memref_squeeze %dma_wait3A_696 : memref<1x40x128xf32, #tpu.memory_space<vmem>> -> memref<40x128xf32, #tpu.memory_space<vmem>>
      %dma_wait3A_698 = arith.constant 128 : i32
      %dma_wait3A_699 = tpu.memref_slice %arg5[%add3A_534, %dma_wait3A_698] : memref<160000x256xf32, #tpu.memory_space<hbm>> -> memref<40x128xf32, #tpu.memory_space<hbm>>
      %dma_wait3A_700 = arith.constant 128 : i32
      %dma_wait3A_701 = tpu.memref_slice %arg5[%add3A_534, %dma_wait3A_700] : memref<160000x256xf32, #tpu.memory_space<hbm>> -> memref<40x128xf32, #tpu.memory_space<hbm>>
      %dma_wait3A_702 = arith.constant 0 : i32
      %dma_wait3A_703 = arith.constant 0 : i32
      %dma_wait3A_704 = tpu.memref_slice %arg7[%dma_wait3A_693, %dma_wait3A_702, %dma_wait3A_703] : memref<10x40x128xf32, #tpu.memory_space<vmem>> -> memref<1x40x128xf32, #tpu.memory_space<vmem>>
      %dma_wait3A_705 = tpu.memref_squeeze %dma_wait3A_704 : memref<1x40x128xf32, #tpu.memory_space<vmem>> -> memref<40x128xf32, #tpu.memory_space<vmem>>
      tpu.wait_dma2 semaphore(%arg35 : memref<!tpu.dma_semaphore, #tpu.memory_space<semaphore_mem>>) src(%dma_wait3A_705 : memref<40x128xf32, #tpu.memory_space<vmem>>) dst(%dma_wait3A_701 : memref<40x128xf32, #tpu.memory_space<hbm>>)
      %dma_wait3A_706 = arith.constant 8 : i32
      %dma_wait3A_707 = arith.constant 0 : i32
      %dma_wait3A_708 = arith.constant 0 : i32
      %dma_wait3A_709 = tpu.memref_slice %arg7[%dma_wait3A_706, %dma_wait3A_707, %dma_wait3A_708] : memref<10x40x128xf32, #tpu.memory_space<vmem>> -> memref<1x40x128xf32, #tpu.memory_space<vmem>>
      %dma_wait3A_710 = tpu.memref_squeeze %dma_wait3A_709 : memref<1x40x128xf32, #tpu.memory_space<vmem>> -> memref<40x128xf32, #tpu.memory_space<vmem>>
      %dma_wait3A_711 = arith.constant 0 : i32
      %dma_wait3A_712 = tpu.memref_slice %arg5[%add3A_561, %dma_wait3A_711] : memref<160000x256xf32, #tpu.memory_space<hbm>> -> memref<40x128xf32, #tpu.memory_space<hbm>>
      %dma_wait3A_713 = arith.constant 0 : i32
      %dma_wait3A_714 = tpu.memref_slice %arg5[%add3A_561, %dma_wait3A_713] : memref<160000x256xf32, #tpu.memory_space<hbm>> -> memref<40x128xf32, #tpu.memory_space<hbm>>
      %dma_wait3A_715 = arith.constant 0 : i32
      %dma_wait3A_716 = arith.constant 0 : i32
      %dma_wait3A_717 = tpu.memref_slice %arg7[%dma_wait3A_706, %dma_wait3A_715, %dma_wait3A_716] : memref<10x40x128xf32, #tpu.memory_space<vmem>> -> memref<1x40x128xf32, #tpu.memory_space<vmem>>
      %dma_wait3A_718 = tpu.memref_squeeze %dma_wait3A_717 : memref<1x40x128xf32, #tpu.memory_space<vmem>> -> memref<40x128xf32, #tpu.memory_space<vmem>>
      tpu.wait_dma2 semaphore(%arg36 : memref<!tpu.dma_semaphore, #tpu.memory_space<semaphore_mem>>) src(%dma_wait3A_718 : memref<40x128xf32, #tpu.memory_space<vmem>>) dst(%dma_wait3A_714 : memref<40x128xf32, #tpu.memory_space<hbm>>)
      %dma_wait3A_719 = arith.constant 9 : i32
      %dma_wait3A_720 = arith.constant 0 : i32
      %dma_wait3A_721 = arith.constant 0 : i32
      %dma_wait3A_722 = tpu.memref_slice %arg7[%dma_wait3A_719, %dma_wait3A_720, %dma_wait3A_721] : memref<10x40x128xf32, #tpu.memory_space<vmem>> -> memref<1x40x128xf32, #tpu.memory_space<vmem>>
      %dma_wait3A_723 = tpu.memref_squeeze %dma_wait3A_722 : memref<1x40x128xf32, #tpu.memory_space<vmem>> -> memref<40x128xf32, #tpu.memory_space<vmem>>
      %dma_wait3A_724 = arith.constant 128 : i32
      %dma_wait3A_725 = tpu.memref_slice %arg5[%add3A_588, %dma_wait3A_724] : memref<160000x256xf32, #tpu.memory_space<hbm>> -> memref<40x128xf32, #tpu.memory_space<hbm>>
      %dma_wait3A_726 = arith.constant 128 : i32
      %dma_wait3A_727 = tpu.memref_slice %arg5[%add3A_588, %dma_wait3A_726] : memref<160000x256xf32, #tpu.memory_space<hbm>> -> memref<40x128xf32, #tpu.memory_space<hbm>>
      %dma_wait3A_728 = arith.constant 0 : i32
      %dma_wait3A_729 = arith.constant 0 : i32
      %dma_wait3A_730 = tpu.memref_slice %arg7[%dma_wait3A_719, %dma_wait3A_728, %dma_wait3A_729] : memref<10x40x128xf32, #tpu.memory_space<vmem>> -> memref<1x40x128xf32, #tpu.memory_space<vmem>>
      %dma_wait3A_731 = tpu.memref_squeeze %dma_wait3A_730 : memref<1x40x128xf32, #tpu.memory_space<vmem>> -> memref<40x128xf32, #tpu.memory_space<vmem>>
      tpu.wait_dma2 semaphore(%arg37 : memref<!tpu.dma_semaphore, #tpu.memory_space<semaphore_mem>>) src(%dma_wait3A_731 : memref<40x128xf32, #tpu.memory_space<vmem>>) dst(%dma_wait3A_727 : memref<40x128xf32, #tpu.memory_space<hbm>>)
    }
    %scan3A_7 = arith.constant 25 : i32
    return
  }
}

module attributes {stable_mosaic.version = 14 : i64} {
  func.func @_tc_mlp_body(%arg0: i32, %arg1: memref<3200x256xf32, #tpu.memory_space<vmem>>, %arg2: memref<3200x16xf32, #tpu.memory_space<vmem>>, %arg3: memref<256x512xbf16, #tpu.memory_space<vmem>>, %arg4: memref<16x512xbf16, #tpu.memory_space<vmem>>, %arg5: memref<1x512xf32, #tpu.memory_space<vmem>>, %arg6: memref<256x128xbf16, #tpu.memory_space<vmem>>, %arg7: memref<1x128xf32, #tpu.memory_space<vmem>>, %arg8: memref<256x128xbf16, #tpu.memory_space<vmem>>, %arg9: memref<1x128xf32, #tpu.memory_space<vmem>>, %arg10: memref<3200x128xf32, #tpu.memory_space<vmem>>) attributes {dimension_semantics = [#tpu.dimension_semantics<arbitrary>], iteration_bounds = array<i64: 50>, scalar_prefetch = 0 : i64, scratch_operands = 0 : i64, tpu.core_type = #tpu.core_type<tc>, window_params = [{transform_indices = @transform_0, window_bounds = array<i64: 3200, 256>}, {transform_indices = @transform_1, window_bounds = array<i64: 3200, 16>}, {pipeline_mode = #tpu.pipeline_mode<synchronous>, transform_indices = @transform_2, window_bounds = array<i64: 256, 512>}, {pipeline_mode = #tpu.pipeline_mode<synchronous>, transform_indices = @transform_3, window_bounds = array<i64: 16, 512>}, {pipeline_mode = #tpu.pipeline_mode<synchronous>, transform_indices = @transform_4, window_bounds = array<i64: 1, 512>}, {pipeline_mode = #tpu.pipeline_mode<synchronous>, transform_indices = @transform_5, window_bounds = array<i64: 256, 128>}, {pipeline_mode = #tpu.pipeline_mode<synchronous>, transform_indices = @transform_6, window_bounds = array<i64: 1, 128>}, {pipeline_mode = #tpu.pipeline_mode<synchronous>, transform_indices = @transform_7, window_bounds = array<i64: 256, 128>}, {pipeline_mode = #tpu.pipeline_mode<synchronous>, transform_indices = @transform_8, window_bounds = array<i64: 1, 128>}, {transform_indices = @transform_9, window_bounds = array<i64: 3200, 128>}]} {
    %get3A = arith.constant 0 : index
    %get3A_0 = arith.constant 0 : index
    %get3A_1 = vector.load %arg1[%get3A, %get3A_0] : memref<3200x256xf32, #tpu.memory_space<vmem>>, vector<3200x256xf32>
    %convert_element_type3A = arith.truncf %get3A_1 : vector<3200x256xf32> to vector<3200x256xbf16>
    %get3A_2 = arith.constant 0 : index
    %get3A_3 = arith.constant 0 : index
    %get3A_4 = vector.load %arg2[%get3A_2, %get3A_3] : memref<3200x16xf32, #tpu.memory_space<vmem>>, vector<3200x16xf32>
    %convert_element_type3A_5 = arith.truncf %get3A_4 : vector<3200x16xf32> to vector<3200x16xbf16>
    %get3A_6 = arith.constant 0 : index
    %get3A_7 = arith.constant 0 : index
    %get3A_8 = vector.load %arg3[%get3A_6, %get3A_7] : memref<256x512xbf16, #tpu.memory_space<vmem>>, vector<256x512xbf16>
    %dot_general3A = arith.constant dense<0.000000e+00> : vector<3200x512xf32>
    %dot_general3A_9 = tpu.matmul %convert_element_type3A, %get3A_8, %dot_general3A {dimension_numbers = #tpu.dot_dimension_numbers<[1], [0], [0], [1], [0, 0, 1, 1], [], []>, transpose_lhs_hint = false} : vector<3200x256xbf16>, vector<256x512xbf16>, vector<3200x512xf32> -> vector<3200x512xf32>
    %get3A_10 = arith.constant 0 : index
    %get3A_11 = arith.constant 0 : index
    %get3A_12 = vector.load %arg4[%get3A_10, %get3A_11] : memref<16x512xbf16, #tpu.memory_space<vmem>>, vector<16x512xbf16>
    %dot_general3A_13 = arith.constant dense<0.000000e+00> : vector<3200x512xf32>
    %dot_general3A_14 = tpu.matmul %convert_element_type3A_5, %get3A_12, %dot_general3A_13 {dimension_numbers = #tpu.dot_dimension_numbers<[1], [0], [0], [1], [0, 0, 1, 1], [], []>, transpose_lhs_hint = false} : vector<3200x16xbf16>, vector<16x512xbf16>, vector<3200x512xf32> -> vector<3200x512xf32>
    %add3A = arith.addf %dot_general3A_9, %dot_general3A_14 : vector<3200x512xf32>
    %get3A_15 = arith.constant 0 : index
    %get3A_16 = arith.constant 0 : index
    %get3A_17 = vector.load %arg5[%get3A_15, %get3A_16] : memref<1x512xf32, #tpu.memory_space<vmem>>, vector<1x512xf32>
    %add3A_18 = vector.broadcast %get3A_17 : vector<1x512xf32> to vector<3200x512xf32>
    %add3A_19 = arith.addf %add3A, %add3A_18 : vector<3200x512xf32>
    %tanh3A = math.tanh %add3A_19 : vector<3200x512xf32>
    %mul3A = arith.mulf %add3A_19, %tanh3A : vector<3200x512xf32>
    %add3A_20 = arith.addf %add3A_19, %mul3A : vector<3200x512xf32>
    %slice3A = vector.extract_strided_slice %add3A_20 {offsets = [0, 0], sizes = [3200, 256], strides = [1, 1]} : vector<3200x512xf32> to vector<3200x256xf32>
    %convert_element_type3A_21 = arith.truncf %slice3A : vector<3200x256xf32> to vector<3200x256xbf16>
    %slice3A_22 = vector.extract_strided_slice %add3A_20 {offsets = [0, 256], sizes = [3200, 256], strides = [1, 1]} : vector<3200x512xf32> to vector<3200x256xf32>
    %convert_element_type3A_23 = arith.truncf %slice3A_22 : vector<3200x256xf32> to vector<3200x256xbf16>
    %get3A_24 = arith.constant 0 : index
    %get3A_25 = arith.constant 0 : index
    %get3A_26 = vector.load %arg6[%get3A_24, %get3A_25] : memref<256x128xbf16, #tpu.memory_space<vmem>>, vector<256x128xbf16>
    %dot_general3A_27 = arith.constant dense<0.000000e+00> : vector<3200x128xf32>
    %dot_general3A_28 = tpu.matmul %convert_element_type3A_21, %get3A_26, %dot_general3A_27 {dimension_numbers = #tpu.dot_dimension_numbers<[1], [0], [0], [1], [0, 0, 1, 1], [], []>, transpose_lhs_hint = false} : vector<3200x256xbf16>, vector<256x128xbf16>, vector<3200x128xf32> -> vector<3200x128xf32>
    %get3A_29 = arith.constant 0 : index
    %get3A_30 = arith.constant 0 : index
    %get3A_31 = vector.load %arg7[%get3A_29, %get3A_30] : memref<1x128xf32, #tpu.memory_space<vmem>>, vector<1x128xf32>
    %add3A_32 = vector.broadcast %get3A_31 : vector<1x128xf32> to vector<3200x128xf32>
    %add3A_33 = arith.addf %dot_general3A_28, %add3A_32 : vector<3200x128xf32>
    %tanh3A_34 = math.tanh %add3A_33 : vector<3200x128xf32>
    %mul3A_35 = arith.mulf %add3A_33, %tanh3A_34 : vector<3200x128xf32>
    %add3A_36 = arith.addf %add3A_33, %mul3A_35 : vector<3200x128xf32>
    %get3A_37 = arith.constant 0 : index
    %get3A_38 = arith.constant 0 : index
    %get3A_39 = vector.load %arg8[%get3A_37, %get3A_38] : memref<256x128xbf16, #tpu.memory_space<vmem>>, vector<256x128xbf16>
    %dot_general3A_40 = arith.constant dense<0.000000e+00> : vector<3200x128xf32>
    %dot_general3A_41 = tpu.matmul %convert_element_type3A_23, %get3A_39, %dot_general3A_40 {dimension_numbers = #tpu.dot_dimension_numbers<[1], [0], [0], [1], [0, 0, 1, 1], [], []>, transpose_lhs_hint = false} : vector<3200x256xbf16>, vector<256x128xbf16>, vector<3200x128xf32> -> vector<3200x128xf32>
    %get3A_42 = arith.constant 0 : index
    %get3A_43 = arith.constant 0 : index
    %get3A_44 = vector.load %arg9[%get3A_42, %get3A_43] : memref<1x128xf32, #tpu.memory_space<vmem>>, vector<1x128xf32>
    %add3A_45 = vector.broadcast %get3A_44 : vector<1x128xf32> to vector<3200x128xf32>
    %add3A_46 = arith.addf %dot_general3A_41, %add3A_45 : vector<3200x128xf32>
    %tanh3A_47 = math.tanh %add3A_46 : vector<3200x128xf32>
    %mul3A_48 = arith.mulf %add3A_36, %tanh3A_47 : vector<3200x128xf32>
    %add3A_49 = arith.addf %add3A_36, %mul3A_48 : vector<3200x128xf32>
    %mul3A_50 = arith.constant 5.000000e-01 : f32
    %mul3A_51 = vector.broadcast %mul3A_50 : f32 to vector<3200x128xf32>
    %mul3A_52 = arith.mulf %mul3A_51, %add3A_49 : vector<3200x128xf32>
    %swap3A = arith.constant 0 : index
    %swap3A_53 = arith.constant 0 : index
    %swap3A_54 = vector.load %arg10[%swap3A, %swap3A_53] : memref<3200x128xf32, #tpu.memory_space<vmem>>, vector<3200x128xf32>
    tpu.vector_store %arg10[%swap3A, %swap3A_53], %mul3A_52 {strides = array<i32>} : memref<3200x128xf32, #tpu.memory_space<vmem>>, vector<3200x128xf32>,
    return
  }
  func.func @transform_0(%arg0: i32) -> (i32, i32) {
    %c0_i32 = arith.constant 0 : i32
    %c0_i32_0 = arith.constant 0 : i32
    return %arg0, %c0_i32 : i32, i32
  }
  func.func @transform_1(%arg0: i32) -> (i32, i32) {
    %add3A = arith.constant 0 : i32
    %add3A_0 = arith.addi %arg0, %add3A : i32
    %c0_i32 = arith.constant 0 : i32
    %c0_i32_1 = arith.constant 0 : i32
    return %add3A_0, %c0_i32 : i32, i32
  }
  func.func @transform_2(%arg0: i32) -> (i32, i32) {
    %c0_i32 = arith.constant 0 : i32
    %c0_i32_0 = arith.constant 0 : i32
    %c0_i32_1 = arith.constant 0 : i32
    return %c0_i32, %c0_i32_0 : i32, i32
  }
  func.func @transform_3(%arg0: i32) -> (i32, i32) {
    %c0_i32 = arith.constant 0 : i32
    %c0_i32_0 = arith.constant 0 : i32
    %c0_i32_1 = arith.constant 0 : i32
    return %c0_i32, %c0_i32_0 : i32, i32
  }
  func.func @transform_4(%arg0: i32) -> (i32, i32) {
    %c0_i32 = arith.constant 0 : i32
    %c0_i32_0 = arith.constant 0 : i32
    %c0_i32_1 = arith.constant 0 : i32
    return %c0_i32, %c0_i32_0 : i32, i32
  }
  func.func @transform_5(%arg0: i32) -> (i32, i32) {
    %c0_i32 = arith.constant 0 : i32
    %c0_i32_0 = arith.constant 0 : i32
    %c0_i32_1 = arith.constant 0 : i32
    return %c0_i32, %c0_i32_0 : i32, i32
  }
  func.func @transform_6(%arg0: i32) -> (i32, i32) {
    %c0_i32 = arith.constant 0 : i32
    %c0_i32_0 = arith.constant 0 : i32
    %c0_i32_1 = arith.constant 0 : i32
    return %c0_i32, %c0_i32_0 : i32, i32
  }
  func.func @transform_7(%arg0: i32) -> (i32, i32) {
    %c0_i32 = arith.constant 0 : i32
    %c0_i32_0 = arith.constant 0 : i32
    %c0_i32_1 = arith.constant 0 : i32
    return %c0_i32, %c0_i32_0 : i32, i32
  }
  func.func @transform_8(%arg0: i32) -> (i32, i32) {
    %c0_i32 = arith.constant 0 : i32
    %c0_i32_0 = arith.constant 0 : i32
    %c0_i32_1 = arith.constant 0 : i32
    return %c0_i32, %c0_i32_0 : i32, i32
  }
  func.func @transform_9(%arg0: i32) -> (i32, i32) {
    %add3A = arith.constant 0 : i32
    %add3A_0 = arith.addi %arg0, %add3A : i32
    %c0_i32 = arith.constant 0 : i32
    %c0_i32_1 = arith.constant 0 : i32
    return %add3A_0, %c0_i32 : i32, i32
  }
}

module attributes {stable_mosaic.version = 14 : i64} {
  func.func @_tc_mlp_body(%arg0: i32, %arg1: memref<3200x256xf32, #tpu.memory_space<vmem>>, %arg2: memref<3200x16xf32, #tpu.memory_space<vmem>>, %arg3: memref<256x512xbf16, #tpu.memory_space<vmem>>, %arg4: memref<16x512xbf16, #tpu.memory_space<vmem>>, %arg5: memref<1x512xf32, #tpu.memory_space<vmem>>, %arg6: memref<256x128xbf16, #tpu.memory_space<vmem>>, %arg7: memref<1x128xf32, #tpu.memory_space<vmem>>, %arg8: memref<256x128xbf16, #tpu.memory_space<vmem>>, %arg9: memref<1x128xf32, #tpu.memory_space<vmem>>, %arg10: memref<320000x128xf32, #tpu.memory_space<any>>, %arg11: memref<3200x128xf32, #tpu.memory_space<vmem>>) attributes {dimension_semantics = [#tpu.dimension_semantics<arbitrary>], iteration_bounds = array<i64: 50>, scalar_prefetch = 0 : i64, scratch_operands = 0 : i64, tpu.core_type = #tpu.core_type<tc>, window_params = [{transform_indices = @transform_0, window_bounds = array<i64: 3200, 256>}, {transform_indices = @transform_1, window_bounds = array<i64: 3200, 16>}, {pipeline_mode = #tpu.pipeline_mode<synchronous>, transform_indices = @transform_2, window_bounds = array<i64: 256, 512>}, {pipeline_mode = #tpu.pipeline_mode<synchronous>, transform_indices = @transform_3, window_bounds = array<i64: 16, 512>}, {pipeline_mode = #tpu.pipeline_mode<synchronous>, transform_indices = @transform_4, window_bounds = array<i64: 1, 512>}, {pipeline_mode = #tpu.pipeline_mode<synchronous>, transform_indices = @transform_5, window_bounds = array<i64: 256, 128>}, {pipeline_mode = #tpu.pipeline_mode<synchronous>, transform_indices = @transform_6, window_bounds = array<i64: 1, 128>}, {pipeline_mode = #tpu.pipeline_mode<synchronous>, transform_indices = @transform_7, window_bounds = array<i64: 256, 128>}, {pipeline_mode = #tpu.pipeline_mode<synchronous>, transform_indices = @transform_8, window_bounds = array<i64: 1, 128>}, {}, {transform_indices = @transform_10, window_bounds = array<i64: 3200, 128>}]} {
    %get3A = arith.constant 0 : index
    %get3A_0 = arith.constant 0 : index
    %get3A_1 = vector.load %arg1[%get3A, %get3A_0] : memref<3200x256xf32, #tpu.memory_space<vmem>>, vector<3200x256xf32>
    %convert_element_type3A = arith.truncf %get3A_1 : vector<3200x256xf32> to vector<3200x256xbf16>
    %get3A_2 = arith.constant 0 : index
    %get3A_3 = arith.constant 0 : index
    %get3A_4 = vector.load %arg2[%get3A_2, %get3A_3] : memref<3200x16xf32, #tpu.memory_space<vmem>>, vector<3200x16xf32>
    %convert_element_type3A_5 = arith.truncf %get3A_4 : vector<3200x16xf32> to vector<3200x16xbf16>
    %get3A_6 = arith.constant 0 : index
    %get3A_7 = arith.constant 0 : index
    %get3A_8 = vector.load %arg3[%get3A_6, %get3A_7] : memref<256x512xbf16, #tpu.memory_space<vmem>>, vector<256x512xbf16>
    %dot_general3A = arith.constant dense<0.000000e+00> : vector<3200x512xf32>
    %dot_general3A_9 = tpu.matmul %convert_element_type3A, %get3A_8, %dot_general3A {dimension_numbers = #tpu.dot_dimension_numbers<[1], [0], [0], [1], [0, 0, 1, 1], [], []>, transpose_lhs_hint = false} : vector<3200x256xbf16>, vector<256x512xbf16>, vector<3200x512xf32> -> vector<3200x512xf32>
    %get3A_10 = arith.constant 0 : index
    %get3A_11 = arith.constant 0 : index
    %get3A_12 = vector.load %arg4[%get3A_10, %get3A_11] : memref<16x512xbf16, #tpu.memory_space<vmem>>, vector<16x512xbf16>
    %dot_general3A_13 = arith.constant dense<0.000000e+00> : vector<3200x512xf32>
    %dot_general3A_14 = tpu.matmul %convert_element_type3A_5, %get3A_12, %dot_general3A_13 {dimension_numbers = #tpu.dot_dimension_numbers<[1], [0], [0], [1], [0, 0, 1, 1], [], []>, transpose_lhs_hint = false} : vector<3200x16xbf16>, vector<16x512xbf16>, vector<3200x512xf32> -> vector<3200x512xf32>
    %add3A = arith.addf %dot_general3A_9, %dot_general3A_14 : vector<3200x512xf32>
    %get3A_15 = arith.constant 0 : index
    %get3A_16 = arith.constant 0 : index
    %get3A_17 = vector.load %arg5[%get3A_15, %get3A_16] : memref<1x512xf32, #tpu.memory_space<vmem>>, vector<1x512xf32>
    %add3A_18 = vector.broadcast %get3A_17 : vector<1x512xf32> to vector<3200x512xf32>
    %add3A_19 = arith.addf %add3A, %add3A_18 : vector<3200x512xf32>
    %tanh3A = math.tanh %add3A_19 : vector<3200x512xf32>
    %mul3A = arith.mulf %add3A_19, %tanh3A : vector<3200x512xf32>
    %add3A_20 = arith.addf %add3A_19, %mul3A : vector<3200x512xf32>
    %slice3A = vector.extract_strided_slice %add3A_20 {offsets = [0, 0], sizes = [3200, 256], strides = [1, 1]} : vector<3200x512xf32> to vector<3200x256xf32>
    %convert_element_type3A_21 = arith.truncf %slice3A : vector<3200x256xf32> to vector<3200x256xbf16>
    %slice3A_22 = vector.extract_strided_slice %add3A_20 {offsets = [0, 256], sizes = [3200, 256], strides = [1, 1]} : vector<3200x512xf32> to vector<3200x256xf32>
    %convert_element_type3A_23 = arith.truncf %slice3A_22 : vector<3200x256xf32> to vector<3200x256xbf16>
    %get3A_24 = arith.constant 0 : index
    %get3A_25 = arith.constant 0 : index
    %get3A_26 = vector.load %arg6[%get3A_24, %get3A_25] : memref<256x128xbf16, #tpu.memory_space<vmem>>, vector<256x128xbf16>
    %dot_general3A_27 = arith.constant dense<0.000000e+00> : vector<3200x128xf32>
    %dot_general3A_28 = tpu.matmul %convert_element_type3A_21, %get3A_26, %dot_general3A_27 {dimension_numbers = #tpu.dot_dimension_numbers<[1], [0], [0], [1], [0, 0, 1, 1], [], []>, transpose_lhs_hint = false} : vector<3200x256xbf16>, vector<256x128xbf16>, vector<3200x128xf32> -> vector<3200x128xf32>
    %get3A_29 = arith.constant 0 : index
    %get3A_30 = arith.constant 0 : index
    %get3A_31 = vector.load %arg7[%get3A_29, %get3A_30] : memref<1x128xf32, #tpu.memory_space<vmem>>, vector<1x128xf32>
    %add3A_32 = vector.broadcast %get3A_31 : vector<1x128xf32> to vector<3200x128xf32>
    %add3A_33 = arith.addf %dot_general3A_28, %add3A_32 : vector<3200x128xf32>
    %tanh3A_34 = math.tanh %add3A_33 : vector<3200x128xf32>
    %mul3A_35 = arith.mulf %add3A_33, %tanh3A_34 : vector<3200x128xf32>
    %add3A_36 = arith.addf %add3A_33, %mul3A_35 : vector<3200x128xf32>
    %get3A_37 = arith.constant 0 : index
    %get3A_38 = arith.constant 0 : index
    %get3A_39 = vector.load %arg8[%get3A_37, %get3A_38] : memref<256x128xbf16, #tpu.memory_space<vmem>>, vector<256x128xbf16>
    %dot_general3A_40 = arith.constant dense<0.000000e+00> : vector<3200x128xf32>
    %dot_general3A_41 = tpu.matmul %convert_element_type3A_23, %get3A_39, %dot_general3A_40 {dimension_numbers = #tpu.dot_dimension_numbers<[1], [0], [0], [1], [0, 0, 1, 1], [], []>, transpose_lhs_hint = false} : vector<3200x256xbf16>, vector<256x128xbf16>, vector<3200x128xf32> -> vector<3200x128xf32>
    %get3A_42 = arith.constant 0 : index
    %get3A_43 = arith.constant 0 : index
    %get3A_44 = vector.load %arg9[%get3A_42, %get3A_43] : memref<1x128xf32, #tpu.memory_space<vmem>>, vector<1x128xf32>
    %add3A_45 = vector.broadcast %get3A_44 : vector<1x128xf32> to vector<3200x128xf32>
    %add3A_46 = arith.addf %dot_general3A_41, %add3A_45 : vector<3200x128xf32>
    %tanh3A_47 = math.tanh %add3A_46 : vector<3200x128xf32>
    %mul3A_48 = arith.mulf %add3A_36, %tanh3A_47 : vector<3200x128xf32>
    %add3A_49 = arith.addf %add3A_36, %mul3A_48 : vector<3200x128xf32>
    %mul3A_50 = arith.constant 5.000000e-01 : f32
    %mul3A_51 = vector.broadcast %mul3A_50 : f32 to vector<3200x128xf32>
    %mul3A_52 = arith.mulf %mul3A_51, %add3A_49 : vector<3200x128xf32>
    %swap3A = arith.constant 0 : index
    %swap3A_53 = arith.constant 0 : index
    %swap3A_54 = vector.load %arg11[%swap3A, %swap3A_53] : memref<3200x128xf32, #tpu.memory_space<vmem>>, vector<3200x128xf32>
    tpu.vector_store %arg11[%swap3A, %swap3A_53], %mul3A_52 {strides = array<i32>} : memref<3200x128xf32, #tpu.memory_space<vmem>>, vector<3200x128xf32>,
    return
  }
  func.func @transform_0(%arg0: i32) -> (i32, i32) {
    %c0_i32 = arith.constant 0 : i32
    %c0_i32_0 = arith.constant 0 : i32
    return %arg0, %c0_i32 : i32, i32
  }
  func.func @transform_1(%arg0: i32) -> (i32, i32) {
    %add3A = arith.constant 50 : i32
    %add3A_0 = arith.addi %arg0, %add3A : i32
    %c0_i32 = arith.constant 0 : i32
    %c0_i32_1 = arith.constant 0 : i32
    return %add3A_0, %c0_i32 : i32, i32
  }
  func.func @transform_2(%arg0: i32) -> (i32, i32) {
    %c0_i32 = arith.constant 0 : i32
    %c0_i32_0 = arith.constant 0 : i32
    %c0_i32_1 = arith.constant 0 : i32
    return %c0_i32, %c0_i32_0 : i32, i32
  }
  func.func @transform_3(%arg0: i32) -> (i32, i32) {
    %c0_i32 = arith.constant 0 : i32
    %c0_i32_0 = arith.constant 0 : i32
    %c0_i32_1 = arith.constant 0 : i32
    return %c0_i32, %c0_i32_0 : i32, i32
  }
  func.func @transform_4(%arg0: i32) -> (i32, i32) {
    %c0_i32 = arith.constant 0 : i32
    %c0_i32_0 = arith.constant 0 : i32
    %c0_i32_1 = arith.constant 0 : i32
    return %c0_i32, %c0_i32_0 : i32, i32
  }
  func.func @transform_5(%arg0: i32) -> (i32, i32) {
    %c0_i32 = arith.constant 0 : i32
    %c0_i32_0 = arith.constant 0 : i32
    %c0_i32_1 = arith.constant 0 : i32
    return %c0_i32, %c0_i32_0 : i32, i32
  }
  func.func @transform_6(%arg0: i32) -> (i32, i32) {
    %c0_i32 = arith.constant 0 : i32
    %c0_i32_0 = arith.constant 0 : i32
    %c0_i32_1 = arith.constant 0 : i32
    return %c0_i32, %c0_i32_0 : i32, i32
  }
  func.func @transform_7(%arg0: i32) -> (i32, i32) {
    %c0_i32 = arith.constant 0 : i32
    %c0_i32_0 = arith.constant 0 : i32
    %c0_i32_1 = arith.constant 0 : i32
    return %c0_i32, %c0_i32_0 : i32, i32
  }
  func.func @transform_8(%arg0: i32) -> (i32, i32) {
    %c0_i32 = arith.constant 0 : i32
    %c0_i32_0 = arith.constant 0 : i32
    %c0_i32_1 = arith.constant 0 : i32
    return %c0_i32, %c0_i32_0 : i32, i32
  }
  func.func @transform_10(%arg0: i32) -> (i32, i32) {
    %add3A = arith.constant 50 : i32
    %add3A_0 = arith.addi %arg0, %add3A : i32
    %c0_i32 = arith.constant 0 : i32
    %c0_i32_1 = arith.constant 0 : i32
    return %add3A_0, %c0_i32 : i32, i32
  }
}

</mosaic_0001>

<sc_bundles>
// kernel: kernel.6.cloned.1.call-start
scs
__scs_entry_jumppad:
0x0: {  	(pc) =	sbr.rel $0x88, $3  }
0x1: {  	(tag) =	ssettag $0x0;
	lr =	simm.s32 $0x1  }
0x2: {  	[smem:$0x3F96] =	sst lr;
	_ =	strace $0xD0000000  }
0x3: {  	_ = 	snop  }
0x4: {  	_ = 	snop  }
0x5: {  	_ = 	snop  }
0x6: {  	_ = 	snop  }
0x7: {  	_ = 	snop  }
__scs_overlays_trampoline_lowered:
0x8: {  	[smem:$0x3FA5] =	sst s0  }
0x9: {  	[smem:$0x3FA6] =	sst s1  }
0xa: {  	[smem:$0x3FA7] =	sst s2  }
0xb: {  	[smem:$0x3FA8] =	sst s3  }
0xc: {  	[smem:$0x3FA9] =	sst s4  }
0xd: {  	[smem:$0x3FAA] =	sst s5  }
0xe: {  	[smem:$0x3FAB] =	sst s6  }
0xf: {  	[smem:$0x3FAC] =	sst s7  }
0x10: {  	[smem:$0x3FAD] =	sst s8  }
0x11: {  	[smem:$0x3FAE] =	sst s9;
	s0 =	simm.s32 @!p0 $0x0  }
0x12: {  	s1 =	sld [smem:$0x3F94];
	s0 =	simm.s32 @p0 $0x1  }
0x13: {  	[smem:$0x3FAF] =	sst s0;
	s0 =	simm.s32 @!p1 $0x0  }
0x14: {  	s2 =	sld [smem:$0x3F93];
	s0 =	simm.s32 @p1 $0x1  }
0x15: {  	[smem:$0x3FB0] =	sst s0;
	s0 =	simm.s32 @!p2 $0x0  }
0x16: {  	s3 =	sld [smem:$0x3FDB];
	s0 =	simm.s32 @p2 $0x1  }
0x17: {  	s4 =	simm.s32 $0x1BF5;
	[smem:$0x3FB2] =	sst s0  }
0x18: {  	s0 =	sld [smem:$0x3F95];
	_ =	swait.ge [sflag:s4], $0x0  }
0x19: {  	s7 =	sld [smem:$0x3F96]  }
0x1a: {  	s8 =	sadd.s32 $0xFFFFE003, lr  }
0x1b: {  	s9 =	sadd.s32 $0xFFFFFEF7, lr;
	s5 =	simm.s32 $0xFFFFFFFF;
	p2 =	slt.u32 s8, $0xFFFFF086  }
0x1c: {  	p1 =	slt.u32 s9, $0xF7A;
	s5 =	simm.s32 @!p2 $0x0  }
0x1d: {  	s5 =	simm.s32 @p1 $0x1;
	p0 =	seq.s32 s7, s2  }
0x1e: {  	s7 =	smul.u32 @!p0 $0xF7A, s2;
	p2 =	seq.s32 @!p0 s5, $0x0  }
0x1f: {  	s9 =	smul.u32 $0xF7A, s1;
	s8 =	simm.s32 @!p0 $0x1BF5;
	p2 =	por !p2, p0  }
0x20: {  	[sflag:s8] =	ssyncset.s32 @!p0 $0xFFFFF086;
	s6 =	sadd.s32 @!p0 s3, s7;
	s7 =	simm.s32 @!p0 $0x108  }
0x21: {  	s3 =	sadd.s32 s3, s9;
	s6 =	sadd.s32 @!p0 $0x88, s6;
	s7 =	simm.s32 @p2 $0x1082  }
0x22: {  	[simem:s7], [sflag:s8] =	dma.local @!p0 [hbm:s6], $0xF7A  }
0x23: {  	s9 =	sor.u32 $0xD0000000, s2;
	s6 =	simm.s32 $0x108;
	_ =	swait.ge @!p0 [sflag:s8], $0x0  }
0x24: {  	s3 =	sadd.s32 $0x88, s3;
	s6 =	simm.s32 @!p1 $0x1082;
	[sflag:s4] =	ssyncset.s32 $0xFFFFF086  }
0x25: {  	[simem:s6], [sflag:s4] =	dma.local [hbm:s3], $0xF7A  }
0x26: {  	[smem:$0x3F96] =	sst s1;
	(tag) =	ssettag s2;
	_ =	strace s9  }
0x27: {  	s1 =	sld [smem:$0x3FA6]  }
0x28: {  	s2 =	sld [smem:$0x3FA7]  }
0x29: {  	s4 =	sld [smem:$0x3FA9]  }
0x2a: {  	p0 =	seq.s32 s5, $0x0;
	s5 =	sld [smem:$0x3FAA]  }
0x2b: {  	s6 =	sld [smem:$0x3FAB]  }
0x2c: {  	s7 =	sld [smem:$0x3FAC]  }
0x2d: {  	s3 =	simm.s32 $0x108;
	s8 =	sld [smem:$0x3FAD]  }
0x2e: {  	s3 =	simm.s32 @!p0 $0x1082;
	s9 =	sld [smem:$0x3FAE]  }
0x2f: {  	lr =	sadd.s32 s0, s3;
	s0 =	sld [smem:$0x3FA5]  }
0x30: {  	s3 =	sld [smem:$0x3FA8]  }
0x31: {  	[smem:$0x3FB1] =	sst s10  }
0x32: {  	s10 =	sld [smem:$0x3FAF];
	_ =	sdelay $0x3  }
0x33: {  	p0 =	seq.s32 s10, $0x1;
	s10 =	sld [smem:$0x3FB1];
	_ =	sdelay $0x3  }
0x34: {  	[smem:$0x3FB1] =	sst s10  }
0x35: {  	s10 =	sld [smem:$0x3FB0];
	_ =	sdelay $0x3  }
0x36: {  	p1 =	seq.s32 s10, $0x1;
	s10 =	sld [smem:$0x3FB1];
	_ =	sdelay $0x3  }
0x37: {  	[smem:$0x3FB1] =	sst s10  }
0x38: {  	s10 =	sld [smem:$0x3FB2]  }
0x39: {  	_ = 	snop;
	(pc) =	sbr.ind lr, $3  }
0x3a: {  	_ = 	snop  }
0x3b: {  	_ = 	snop  }
0x3c: {  	p2 =	seq.s32 s10, $0x1;
	s10 =	sld [smem:$0x3FB1]  }
0x3d: {  	_ =	shalt  }
0x3e: {  	_ =	shalt  }
0x3f: {  	_ =	shalt  }
0x40: {  	_ =	shalt  }
0x41: {  	_ =	shalt  }
0x42: {  	_ =	shalt  }
0x43: {  	_ =	shalt  }
0x44: {  	_ =	shalt  }
0x45: {  	_ =	shalt  }
0x46: {  	_ =	shalt  }
0x47: {  	_ =	shalt  }
0x48: {  	_ =	shalt  }
0x49: {  	_ =	shalt  }
0x4a: {  	_ =	shalt  }
0x4b: {  	_ =	shalt  }
0x4c: {  	_ =	shalt  }
0x4d: {  	_ =	shalt  }
0x4e: {  	_ =	shalt  }
0x4f: {  	_ =	shalt  }
0x50: {  	_ =	shalt  }
0x51: {  	_ =	shalt  }
0x52: {  	_ =	shalt  }
0x53: {  	_ =	shalt  }
0x54: {  	_ =	shalt  }
0x55: {  	_ =	shalt  }
0x56: {  	_ =	shalt  }
0x57: {  	_ =	shalt  }
0x58: {  	_ =	shalt  }
0x59: {  	_ =	shalt  }
0x5a: {  	_ =	shalt  }
0x5b: {  	_ =	shalt  }
0x5c: {  	_ =	shalt  }
0x5d: {  	_ =	shalt  }
0x5e: {  	_ =	shalt  }
0x5f: {  	_ =	shalt  }
0x60: {  	_ =	shalt  }
0x61: {  	_ =	shalt  }
0x62: {  	_ =	shalt  }
0x63: {  	_ =	shalt  }
0x64: {  	_ =	shalt  }
0x65: {  	_ =	shalt  }
0x66: {  	_ =	shalt  }
0x67: {  	_ =	shalt  }
0x68: {  	_ =	shalt  }
0x69: {  	_ =	shalt  }
0x6a: {  	_ =	shalt  }
0x6b: {  	_ =	shalt  }
0x6c: {  	_ =	shalt  }
0x6d: {  	_ =	shalt  }
0x6e: {  	_ =	shalt  }
0x6f: {  	_ =	shalt  }
0x70: {  	_ =	shalt  }
0x71: {  	_ =	shalt  }
0x72: {  	_ =	shalt  }
0x73: {  	_ =	shalt  }
0x74: {  	_ =	shalt  }
0x75: {  	_ =	shalt  }
0x76: {  	_ =	shalt  }
0x77: {  	_ =	shalt  }
0x78: {  	_ =	shalt  }
0x79: {  	_ =	shalt  }
0x7a: {  	_ =	shalt  }
0x7b: {  	_ =	shalt  }
0x7c: {  	_ =	shalt  }
0x7d: {  	_ =	shalt  }
0x7e: {  	_ =	shalt  }
0x7f: {  	_ =	shalt  }
0x80: {  	_ =	shalt  }
0x81: {  	_ =	shalt  }
0x82: {  	_ =	shalt  }
0x83: {  	_ =	shalt  }
0x84: {  	_ =	shalt  }
0x85: {  	_ =	shalt  }
0x86: {  	_ =	shalt  }
0x87: {  	_ =	shalt  }
.Lfunc_end0:
.L_simem_size_0:
called_computation_lowered:
.L_overlay_start_0:
0x88: {  	s2 =	sld [smem:$0x3FD9]  }
0x89: {  	s3 =	sld [smem:$0x3FFE];
	_ =	sdelay $0x1  }
0x8a: {  	s1 =	srdreg.scid  }
0x8b: {  	s0 =	sand.u32 $0x1, s1  }
0x8c: {  	s17 =	sshll.u32 s0, $0xA;
	s2 =	sadd.s32 s3, s2  }
0x8d: {  	s2 =	sadd.s32 s2, s17  }
0x8e: {  	[smem:$0x3FBD] =	sst s2  }
0x8f: {  	_ = 	snop  }
0x90: {  	s2 =	sld [smem:$0x3FC9]  }
0x91: {  	s18 =	sld [smem:$0x3FD0];
	(tm) =	ssettm $0x1  }
0x92: {  	s4 =	sld [smem:$0x3FFB];
	_ =	sdelay $0x3  }
0x93: {  	_ =	strace s4  }
0x94: {  	s4 =	sld [smem:$0x3FFC];
	_ =	sdelay $0x3  }
0x95: {  	_ =	strace s4  }
0x96: {  	s4 =	sld [smem:$0x3FFD];
	_ =	sdelay $0x3  }
0x97: {  	_ =	strace s4  }
0x98: {  	_ =	strace $0x8FFFFFFF  }
0x99: {  	s19 =	sld [smem:$0x3FDB];
	_ =	sdelay $0x1  }
0x9a: {  	s5 =	simm.s32 $_scs_section_size  }
0x9b: {  	s6 =	simm.s32 $_size__tile_overlayer_lowered;
	s7 =	simm.s32 $_tile_overlayer_lowered  }
0x9c: {  	s22 =	simm.s32 $0x1BFF;
	s21 =	sshll.u32 s7, $0x1;
	s4 =	sadd.s32 s5, s19  }
0x9d: {  	s8 =	simm.s32 $0x0;
	s20 =	sshll.u32 s6, $0x1;
	s6 =	sadd.s32 s21, s4  }
0x9e: {  	[timem:s8], [sflag:s22] =	dma.local [hbm:s6], s20  }
0x9f: {  	_ =	swait.ge [sflag:s22], s20  }
0xa0: {  	s5 =	ssub.s32 $0x0, s20;
	[sflag:s22] =	ssyncset.done $0x0  }
0xa1: {  	[sflag:s22] =	ssyncadd.s32 s5;
	_ =	sdelay $0x1  }
0xa2: {  	s23 =	simm.s32 $0x1B8B  }
0xa3: {  	_ =	swait.ge [sflag:s23], $0x1  }
0xa4: {  	[sflag:s23] =	ssyncset.done $0x0  }
0xa5: {  	s25 =	simm.s32 $0x1B8E;
	s24 =	sld [smem:$0x3FFE];
	[sflag:s23] =	ssyncadd.s32 $0xFFFFFFFF  }
0xa6: {  	s26 =	simm.s32 $execute0_lowered;
	[smem:$0x3FD2] =	sst s25  }
0xa7: {  	s6 =	sshll.u32 s26, $0x1;
	_ =	strace $0x80000046;
	[dreg:$0x1] =	wrdreg $0xFFFFFFFF  }
0xa8: {  	s28 =	simm.s32 $_size_execute0_lowered;
	s4 =	sadd.s32 s4, s6;
	[dreg:$0x0] =	wrdreg $0x0  }
0xa9: {  	s6 =	sshll.u32 s28, $0x1;
	[dreg:$0x2] =	wrdreg s4  }
0xaa: {  	[dreg:$0x3] =	wrdreg s6  }
0xab: {  	[dreg:$0x4] =	wrdreg $0xC0  }
0xac: {  	_ =	task [dreg:s8], $0x5FFFF  }
0xad: {  	[dreg:$0x1] =	wrdreg $0xFFFFFFFF  }
0xae: {  	[dreg:$0x0] =	wrdreg $0x60  }
0xaf: {  	[dreg:$0x2] =	wrdreg s2  }
0xb0: {  	[dreg:$0x3] =	wrdreg s24  }
0xb1: {  	[dreg:$0x4] =	wrdreg s18  }
0xb2: {  	[dreg:$0x5] =	wrdreg $0x9  }
0xb3: {  	_ =	task.clear_ibuf [dreg:s8], $0x6FFFF;
	_ =	strace $0x90000046  }
0xb4: {  	s29 =	simm.s32 $0x9;
	_ =	strace $0x80000048  }
0xb5: {  	_ =	swait.ge [sflag:s29], $0x1  }
0xb6: {  	[sflag:s29] =	ssyncadd.s32 $0xFFFFFFFF  }
0xb7: {  	_ =	strace $0x90000048  }
0xb8: {  	_ =	sfence  }
0xb9: {  	s30 =	sld [smem:$0x0];
	_ =	sdelay $0x2  }
0xba: {  	s31 =	sshll.u32 s1, $0xD;
	s1 =	sshrl.u32 s1, $0x2  }
0xbb: {  	s3 =	sand.u32 $0x4000, s31;
	s1 =	sadd.s32 s1, s30  }
0xbc: {  	s0 =	sor.u32 s3, s0;
	s1 =	sshll.u32 s1, $0x11  }
0xbd: {  	s0 =	sor.u32 s1, s0  }
0xbe: {  	s0 =	sadd.s32 $0x8F2B, s0  }
0xbf: {  	[sflag:s0] =	ssyncadd.remote.s32 $0x1  }
0xc0: {  	_ =	sfence.sel $0xFFFF  }
0xc1: {  	[dreg:$0x0] =	wrdreg $0xFFFFFFFF;
	(pc) =	sbr.abs _section_cstart, $3  }
0xc2: {  	[dreg:$0x1] =	wrdreg $0xFFFFFFFF  }
0xc3: {  	_ =	task.clear_ibuf [dreg:s8], $0x2FFFF;
	_ =	strace $0x9FFFFFFF  }
0xc4: {  	(tm) =	ssettm $0x7FFFFFFF  }
0xc5: {  	_ =	shalt  }
tec
execute0_lowered:
.L_overlay_start_1:
0x0: {  	(tag) =	ssettag $0x1  }
0x1: {  	s1 =	rddreg [dreg:$0x0]  }
0x2: {  	s7 =	stileid.u32;
	s2 =	rddreg [dreg:$0x1]  }
0x3: {  	s0 =	srdreg.scid;
	s5 =	rddreg [dreg:$0x2];
	s3 =	simm.s32 $0x0  }
0x4: {  	s9 =	simm.s32 $0x300;
	s10 =	simm.s32 $0x380;
	s4 =	smul.u32 $0x4E200, s7  }
0x5: {  	s30 =	simm.s32 $0x480;
	s0 =	sand.u32 $0x1, s0;
	s7 =	smul.u32 $0x2710, s7  }
0x6: {  	s29 =	simm.s32 $0x4400;
	s28 =	simm.s32 $0x8;
	s6 =	smul.u32 $0x27100, s0  }
0x7: {  	s31 =	simm.s32 $0x9;
	[smem:$0x7FF] =	sst s3;
	s8 =	smul.u32 $0x1388, s0  }
0x8: {  	_ =	strace $0x80000047;
	s0 =	ssub.s32 $0x2, s0;
	s4 =	sadd.s32 s4, s2  }
0x9: {  	s2 =	sadd.s32 $0x1800, s2;
	s25 =	sshrl.u32 s0, $0x1;
	s4 =	sadd.s32 s6, s4  }
0xa: {  	s11 =	sadd.s32 s8, s7;
	s0 =	ssub.s32 s0, s25;
	s4 =	sadd.s32 $0x6800, s4  }
0xb: {  	s7 =	sshrl.u32 s11, $0x3;
	s8 =	sadd.s32 $0xA0, s11;
	s16 =	sadd.s32 $0x78, s11  }
0xc: {  	s20 =	sadd.s32 $0x50, s11;
	s6 =	sadd.s32 $0x28, s11;
	s0 =	smax.u32 s0, $0x1  }
0xd: {  	s11 =	simm.s32 $0x1;
	[dreg:$0x4] =	wrdreg s4;
	s12 =	sadd.s32 s7, s5  }
0xe: {  	s13 =	sadd.s32 s7, s2;
	s14 =	sshrl.u32 s8, $0x3;
	s18 =	sshrl.u32 s16, $0x3  }
0xf: {  	s22 =	sshrl.u32 s20, $0x3;
	s6 =	sshrl.u32 s6, $0x3;
	[dreg:$0xf] =	wrdreg s0  }
0x10: {  	s4 =	simm.s32 $0x100;
	s7 =	simm.s32 $0x200;
	s8 =	simm.s32 $0x280  }
0x11: {  	s16 =	simm.s32 $0x800;
	s20 =	simm.s32 $0x3;
	[dreg:$0x5] =	wrdreg s12  }
0x12: {  	s0 =	simm.s32 $0x5;
	[dreg:$0x6] =	wrdreg s13;
	s15 =	sadd.s32 s14, s5  }
0x13: {  	s17 =	sadd.s32 s14, s2;
	s19 =	sadd.s32 s18, s5;
	[dreg:$0x7] =	wrdreg s15  }
0x14: {  	s21 =	sadd.s32 s18, s2;
	s23 =	sadd.s32 s22, s5;
	[dreg:$0x8] =	wrdreg s17  }
0x15: {  	s24 =	sadd.s32 s22, s2;
	s26 =	sadd.s32 s6, s5;
	[dreg:$0x9] =	wrdreg s19  }
0x16: {  	s2 =	sadd.s32 s6, s2;
	s6 =	simm.s32 $0x180;
	[dreg:$0xa] =	wrdreg s21  }
0x17: {  	s12 =	simm.s32 $0x400;
	s13 =	simm.s32 $0x2;
	[dreg:$0xb] =	wrdreg s23  }
0x18: {  	s18 =	simm.s32 $0x1C00;
	s22 =	simm.s32 $0x3000;
	[dreg:$0xc] =	wrdreg s24  }
0x19: {  	s5 =	simm.s32 $0x5800;
	s14 =	simm.s32 $0x6;
	[dreg:$0xd] =	wrdreg s26  }
0x1a: {  	[dreg:$0xe] =	wrdreg s2;
	s2 =	simm.s32 $0x80;
	s15 =	simm.s32 $0x28  }
0x1b: {  	s24 =	simm.s32 $0x4;
	s17 =	simm.s32 $0x6C00;
	s19 =	simm.s32 $0x7  }
0x1c: {  	s21 =	simm.s32 $0x8000;
	s26 =	simm.s32 $0x9400;
	s23 =	simm.s32 $0x0  }
.LBB2_1:
0x1d: {  	[dreg:$0x10] =	wrdreg s23  }
0x1e: {  	s23 =	rddreg [dreg:$0x6]  }
0x1f: {  	s25 =	rddreg [dreg:$0x5];
	s23 =	sadd.s32 $0x0, s23  }
0x20: {  	[tilespmem:s3], [sflag:$0x1] =	stream.linear.gather [hbm4b:s23+s3], $0x28, $0x38;
	[tilespmem:$0xD000] =	vst v63  }
0x21: {  	s25 =	sadd.s32 $0x0, s25;
	s23 =	rddreg [dreg:$0xe]  }
0x22: {  	[tilespmem:s2], [sflag:$0x2] =	stream.linear.gather [hbm4b:s25+s3], $0x28, $0x38;
	[tilespmem:$0xD000] =	vst v63  }
0x23: {  	s23 =	sadd.s32 $0x0, s23;
	s25 =	rddreg [dreg:$0xd]  }
0x24: {  	[tilespmem:s4], [sflag:$0x3] =	stream.linear.gather [hbm4b:s23+s3], $0x28, $0x38;
	[tilespmem:$0xD000] =	vst v63  }
0x25: {  	s25 =	sadd.s32 $0x0, s25;
	s23 =	rddreg [dreg:$0xc]  }
0x26: {  	[tilespmem:s6], [sflag:$0x4] =	stream.linear.gather [hbm4b:s25+s3], $0x28, $0x38;
	[tilespmem:$0xD000] =	vst v63  }
0x27: {  	s23 =	sadd.s32 $0x0, s23;
	s25 =	rddreg [dreg:$0xb]  }
0x28: {  	[tilespmem:s7], [sflag:$0x5] =	stream.linear.gather [hbm4b:s23+s3], $0x28, $0x38;
	[tilespmem:$0xD000] =	vst v63  }
0x29: {  	s25 =	sadd.s32 $0x0, s25;
	s23 =	rddreg [dreg:$0xa]  }
0x2a: {  	[tilespmem:s8], [sflag:$0x6] =	stream.linear.gather [hbm4b:s25+s3], $0x28, $0x38;
	[tilespmem:$0xD000] =	vst v63  }
0x2b: {  	s23 =	sadd.s32 $0x0, s23;
	s25 =	rddreg [dreg:$0x9]  }
0x2c: {  	[tilespmem:s9], [sflag:$0x7] =	stream.linear.gather [hbm4b:s23+s3], $0x28, $0x38;
	[tilespmem:$0xD000] =	vst v63  }
0x2d: {  	s25 =	sadd.s32 $0x0, s25;
	s23 =	rddreg [dreg:$0x8]  }
0x2e: {  	[tilespmem:s10], [sflag:$0x8] =	stream.linear.gather [hbm4b:s25+s3], $0x28, $0x38;
	[tilespmem:$0xD000] =	vst v63  }
0x2f: {  	s23 =	sadd.s32 $0x0, s23;
	s25 =	rddreg [dreg:$0x7]  }
0x30: {  	[tilespmem:s12], [sflag:$0x9] =	stream.linear.gather [hbm4b:s23+s3], $0x28, $0x38;
	[tilespmem:$0xD000] =	vst v63  }
0x31: {  	s25 =	sadd.s32 $0x0, s25  }
0x32: {  	[tilespmem:s30], [sflag:$0xA] =	stream.linear.gather [hbm4b:s25+s3], $0x28, $0x38;
	[tilespmem:$0xD000] =	vst v63  }
0x33: {  	_ =	swait.ge [sflag:s11], $0x28  }
0x34: {  	[sflag:s11] =	ssyncset.done $0x0  }
0x35: {  	[sflag:s11] =	ssyncadd.s32 $0xFFFFFFD8  }
0x36: {  	[tilespmem:s16], [sflag:$0xB] =	stream.indirect.gather [hbm4b:s1+s15], $0x80, s3, s15, $0xb8;
	[tilespmem:$0xD000] =	vst v63  }
0x37: {  	_ =	swait.ge [sflag:s13], $0x28  }
0x38: {  	[sflag:s13] =	ssyncset.done $0x0  }
0x39: {  	[sflag:s13] =	ssyncadd.s32 $0xFFFFFFD8  }
0x3a: {  	[tilespmem:s18], [sflag:$0xC] =	stream.indirect.gather [hbm4b:s1+s15], $0x80, s2, s15, $0xb8;
	[tilespmem:$0xD000] =	vst v63  }
0x3b: {  	_ =	swait.ge [sflag:s20], $0x28  }
0x3c: {  	[sflag:s20] =	ssyncset.done $0x0  }
0x3d: {  	[sflag:s20] =	ssyncadd.s32 $0xFFFFFFD8  }
0x3e: {  	[tilespmem:s22], [sflag:$0xD] =	stream.indirect.gather [hbm4b:s1+s15], $0x80, s4, s15, $0xb8;
	[tilespmem:$0xD000] =	vst v63  }
0x3f: {  	_ =	swait.ge [sflag:s24], $0x28  }
0x40: {  	[sflag:s24] =	ssyncset.done $0x0  }
0x41: {  	[sflag:s24] =	ssyncadd.s32 $0xFFFFFFD8  }
0x42: {  	[tilespmem:s29], [sflag:$0xE] =	stream.indirect.gather [hbm4b:s1+s15], $0x80, s6, s15, $0xb8;
	[tilespmem:$0xD000] =	vst v63  }
0x43: {  	_ =	swait.ge [sflag:s0], $0x28  }
0x44: {  	[sflag:s0] =	ssyncset.done $0x0  }
0x45: {  	[sflag:s0] =	ssyncadd.s32 $0xFFFFFFD8  }
0x46: {  	[tilespmem:s5], [sflag:$0xF] =	stream.indirect.gather [hbm4b:s1+s15], $0x80, s7, s15, $0xb8;
	[tilespmem:$0xD000] =	vst v63  }
0x47: {  	_ =	swait.ge [sflag:s14], $0x28  }
0x48: {  	[sflag:s14] =	ssyncset.done $0x0  }
0x49: {  	[sflag:s14] =	ssyncadd.s32 $0xFFFFFFD8  }
0x4a: {  	[tilespmem:s17], [sflag:$0x10] =	stream.indirect.gather [hbm4b:s1+s15], $0x80, s8, s15, $0xb8;
	[tilespmem:$0xD000] =	vst v63  }
0x4b: {  	_ =	swait.ge [sflag:s19], $0x28  }
0x4c: {  	[sflag:s19] =	ssyncset.done $0x0  }
0x4d: {  	[sflag:s19] =	ssyncadd.s32 $0xFFFFFFD8  }
0x4e: {  	[tilespmem:s21], [sflag:$0x11] =	stream.indirect.gather [hbm4b:s1+s15], $0x80, s9, s15, $0xb8;
	[tilespmem:$0xD000] =	vst v63  }
0x4f: {  	_ =	swait.ge [sflag:s28], $0x28  }
0x50: {  	[sflag:s28] =	ssyncset.done $0x0  }
0x51: {  	[sflag:s28] =	ssyncadd.s32 $0xFFFFFFD8  }
0x52: {  	[tilespmem:s26], [sflag:$0x12] =	stream.indirect.gather [hbm4b:s1+s15], $0x80, s10, s15, $0xb8;
	[tilespmem:$0xD000] =	vst v63  }
0x53: {  	_ =	swait.ge [sflag:s31], $0x28  }
0x54: {  	[sflag:s31] =	ssyncset.done $0x0  }
0x55: {  	s13 =	simm.s32 $0xA;
	s0 =	simm.s32 $0xA800;
	[sflag:s31] =	ssyncadd.s32 $0xFFFFFFD8  }
0x56: {  	[tilespmem:s0], [sflag:$0x13] =	stream.indirect.gather [hbm4b:s1+s15], $0x80, s12, s15, $0xb8;
	[tilespmem:$0xD000] =	vst v63  }
0x57: {  	_ =	swait.ge [sflag:s13], $0x28  }
0x58: {  	[sflag:s13] =	ssyncset.done $0x0  }
0x59: {  	s2 =	simm.s32 $0xBC00;
	s14 =	simm.s32 $0xB;
	[sflag:s13] =	ssyncadd.s32 $0xFFFFFFD8  }
0x5a: {  	[tilespmem:s2], [sflag:$0x14] =	stream.indirect.gather [hbm4b:s1+s15], $0x80, s30, s15, $0xb8;
	[tilespmem:$0xD000] =	vst v63  }
0x5b: {  	_ =	swait.ge [sflag:s14], $0x1400  }
0x5c: {  	s19 =	rddreg [dreg:$0x4];
	[sflag:s14] =	ssyncset.done $0x0  }
0x5d: {  	s20 =	simm.s32 $0xC;
	[sflag:s14] =	ssyncadd.s32 $0xFFFFEC00;
	s23 =	sadd.s32 $0x0, s19  }
0x5e: {  	[hbm4b:s23+s12] =	stream.strided.scatter [tilespmem:s16], [sflag:$0x15], $0x1400, s16, s12, $0x38;
	[tilespmem:$0xD000] =	vst v63  }
0x5f: {  	_ =	swait.ge [sflag:s20], $0x1400  }
0x60: {  	[sflag:s20] =	ssyncset.done $0x0  }
0x61: {  	s28 =	simm.s32 $0xD;
	s24 =	sadd.s32 $0x80, s23;
	[sflag:s20] =	ssyncadd.s32 $0xFFFFEC00  }
0x62: {  	[hbm4b:s24+s12] =	stream.strided.scatter [tilespmem:s18], [sflag:$0x16], $0x1400, s16, s12, $0x38;
	[tilespmem:$0xD000] =	vst v63  }
0x63: {  	_ =	swait.ge [sflag:s28], $0x1400  }
0x64: {  	[sflag:s28] =	ssyncset.done $0x0  }
0x65: {  	s31 =	simm.s32 $0xE;
	s30 =	sadd.s32 $0x500, s23;
	[sflag:s28] =	ssyncadd.s32 $0xFFFFEC00  }
0x66: {  	[hbm4b:s30+s12] =	stream.strided.scatter [tilespmem:s22], [sflag:$0x17], $0x1400, s16, s12, $0x38;
	[tilespmem:$0xD000] =	vst v63  }
0x67: {  	_ =	swait.ge [sflag:s31], $0x1400  }
0x68: {  	[sflag:s31] =	ssyncset.done $0x0  }
0x69: {  	s6 =	simm.s32 $0xF;
	s4 =	sadd.s32 $0x580, s23;
	[sflag:s31] =	ssyncadd.s32 $0xFFFFEC00  }
0x6a: {  	[hbm4b:s4+s12] =	stream.strided.scatter [tilespmem:s29], [sflag:$0x18], $0x1400, s16, s12, $0x38;
	[tilespmem:$0xD000] =	vst v63  }
0x6b: {  	_ =	swait.ge [sflag:s6], $0x1400  }
0x6c: {  	[sflag:s6] =	ssyncset.done $0x0  }
0x6d: {  	s8 =	simm.s32 $0x10;
	s7 =	sadd.s32 $0xA00, s23;
	[sflag:s6] =	ssyncadd.s32 $0xFFFFEC00  }
0x6e: {  	[hbm4b:s7+s12] =	stream.strided.scatter [tilespmem:s5], [sflag:$0x19], $0x1400, s16, s12, $0x38;
	[tilespmem:$0xD000] =	vst v63  }
0x6f: {  	_ =	swait.ge [sflag:s8], $0x1400  }
0x70: {  	[sflag:s8] =	ssyncset.done $0x0  }
0x71: {  	s10 =	simm.s32 $0x11;
	s9 =	sadd.s32 $0xA80, s23;
	[sflag:s8] =	ssyncadd.s32 $0xFFFFEC00  }
0x72: {  	[hbm4b:s9+s12] =	stream.strided.scatter [tilespmem:s17], [sflag:$0x1A], $0x1400, s16, s12, $0x38;
	[tilespmem:$0xD000] =	vst v63  }
0x73: {  	_ =	swait.ge [sflag:s10], $0x1400  }
0x74: {  	[sflag:s10] =	ssyncset.done $0x0  }
0x75: {  	s13 =	simm.s32 $0x12;
	s11 =	sadd.s32 $0xF00, s23;
	[sflag:s10] =	ssyncadd.s32 $0xFFFFEC00  }
0x76: {  	[hbm4b:s11+s12] =	stream.strided.scatter [tilespmem:s21], [sflag:$0x1B], $0x1400, s16, s12, $0x38;
	[tilespmem:$0xD000] =	vst v63  }
0x77: {  	_ =	swait.ge [sflag:s13], $0x1400  }
0x78: {  	[sflag:s13] =	ssyncset.done $0x0  }
0x79: {  	s14 =	sadd.s32 $0xF80, s23;
	s17 =	simm.s32 $0x13;
	[sflag:s13] =	ssyncadd.s32 $0xFFFFEC00  }
0x7a: {  	[hbm4b:s14+s12] =	stream.strided.scatter [tilespmem:s26], [sflag:$0x1C], $0x1400, s16, s12, $0x38;
	[tilespmem:$0xD000] =	vst v63  }
0x7b: {  	_ =	swait.ge [sflag:s17], $0x1400  }
0x7c: {  	[sflag:s17] =	ssyncset.done $0x0  }
0x7d: {  	s19 =	simm.s32 $0x14;
	s18 =	sadd.s32 $0x1400, s23;
	[sflag:s17] =	ssyncadd.s32 $0xFFFFEC00  }
0x7e: {  	[hbm4b:s18+s12] =	stream.strided.scatter [tilespmem:s0], [sflag:$0x1D], $0x1400, s16, s12, $0x38;
	[tilespmem:$0xD000] =	vst v63  }
0x7f: {  	_ =	swait.ge [sflag:s19], $0x1400  }
0x80: {  	[sflag:s19] =	ssyncset.done $0x0  }
0x81: {  	s20 =	simm.s32 $0x15;
	s23 =	sadd.s32 $0x1480, s23;
	[sflag:s19] =	ssyncadd.s32 $0xFFFFEC00  }
0x82: {  	[hbm4b:s23+s12] =	stream.strided.scatter [tilespmem:s2], [sflag:$0x1E], $0x1400, s16, s12, $0x38;
	[tilespmem:$0xD000] =	vst v63  }
0x83: {  	_ =	swait.ge [sflag:s20], $0x1400  }
0x84: {  	[sflag:s20] =	ssyncset.done $0x0  }
0x85: {  	s21 =	simm.s32 $0x16;
	[sflag:s20] =	ssyncadd.s32 $0xFFFFEC00  }
0x86: {  	_ =	swait.ge [sflag:s21], $0x1400  }
0x87: {  	[sflag:s21] =	ssyncset.done $0x0  }
0x88: {  	s22 =	simm.s32 $0x17;
	[sflag:s21] =	ssyncadd.s32 $0xFFFFEC00  }
0x89: {  	_ =	swait.ge [sflag:s22], $0x1400  }
0x8a: {  	[sflag:s22] =	ssyncset.done $0x0  }
0x8b: {  	s23 =	simm.s32 $0x18;
	[sflag:s22] =	ssyncadd.s32 $0xFFFFEC00  }
0x8c: {  	_ =	swait.ge [sflag:s23], $0x1400  }
0x8d: {  	[sflag:s23] =	ssyncset.done $0x0  }
0x8e: {  	s24 =	simm.s32 $0x19;
	[sflag:s23] =	ssyncadd.s32 $0xFFFFEC00  }
0x8f: {  	_ =	swait.ge [sflag:s24], $0x1400  }
0x90: {  	[sflag:s24] =	ssyncset.done $0x0  }
0x91: {  	s25 =	simm.s32 $0x1A;
	[sflag:s24] =	ssyncadd.s32 $0xFFFFEC00  }
0x92: {  	_ =	swait.ge [sflag:s25], $0x1400  }
0x93: {  	[sflag:s25] =	ssyncset.done $0x0  }
0x94: {  	s26 =	simm.s32 $0x1B;
	[sflag:s25] =	ssyncadd.s32 $0xFFFFEC00  }
0x95: {  	_ =	swait.ge [sflag:s26], $0x1400  }
0x96: {  	[sflag:s26] =	ssyncset.done $0x0  }
0x97: {  	s28 =	simm.s32 $0x1C;
	[sflag:s26] =	ssyncadd.s32 $0xFFFFEC00  }
0x98: {  	s30 =	simm.s32 $0x1D;
	_ =	swait.ge [sflag:s28], $0x1400  }
0x99: {  	s31 =	simm.s32 $0x1E;
	s29 =	simm.s32 $0x4;
	[sflag:s28] =	ssyncset.done $0x0  }
0x9a: {  	s7 =	simm.s32 $0x8;
	s14 =	simm.s32 $0x6;
	[sflag:s28] =	ssyncadd.s32 $0xFFFFEC00  }
0x9b: {  	s18 =	simm.s32 $0x1;
	s0 =	simm.s32 $0x5;
	_ =	swait.ge [sflag:s30], $0x1400  }
0x9c: {  	s19 =	simm.s32 $0x7;
	s20 =	simm.s32 $0x2;
	[sflag:s30] =	ssyncset.done $0x0  }
0x9d: {  	s22 =	simm.s32 $0x9;
	s23 =	simm.s32 $0x1900;
	[sflag:s30] =	ssyncadd.s32 $0xFFFFEC00  }
0x9e: {  	s24 =	simm.s32 $0x3;
	s25 =	simm.s32 $0x0;
	_ =	swait.ge [sflag:s31], $0x1400  }
.LBB2_2:
0x9f: {  	s17 =	simm.s32 $0x1E  }
0xa0: {  	s30 =	rddreg [dreg:$0x6];
	s25 =	sadd.s32 $0x19, s25;
	[sflag:s17] =	ssyncset.done $0x0  }
0xa1: {  	s2 =	rddreg [dreg:$0x5];
	s30 =	sadd.s32 s25, s30;
	[sflag:s17] =	ssyncadd.s32 $0xFFFFEC00  }
0xa2: {  	[tilespmem:s3], [sflag:$0x1] =	stream.linear.gather [hbm4b:s30+s3], $0x28, $0x38;
	[tilespmem:$0xD000] =	vst v63  }
0xa3: {  	s4 =	rddreg [dreg:$0xe];
	s9 =	simm.s32 $0x80;
	s2 =	sadd.s32 s25, s2  }
0xa4: {  	[tilespmem:s9], [sflag:$0x2] =	stream.linear.gather [hbm4b:s2+s3], $0x28, $0x38;
	[tilespmem:$0xD000] =	vst v63  }
0xa5: {  	s6 =	simm.s32 $0x100;
	s21 =	sadd.s32 s25, s4;
	s30 =	rddreg [dreg:$0xd]  }
0xa6: {  	[tilespmem:s6], [sflag:$0x3] =	stream.linear.gather [hbm4b:s21+s3], $0x28, $0x38;
	[tilespmem:$0xD000] =	vst v63  }
0xa7: {  	s26 =	rddreg [dreg:$0xc];
	s13 =	simm.s32 $0x180;
	s31 =	sadd.s32 s25, s30  }
0xa8: {  	[tilespmem:s13], [sflag:$0x4] =	stream.linear.gather [hbm4b:s31+s3], $0x28, $0x38;
	[tilespmem:$0xD000] =	vst v63  }
0xa9: {  	s4 =	sadd.s32 s25, s26;
	s30 =	rddreg [dreg:$0xb];
	s31 =	simm.s32 $0x200  }
0xaa: {  	[tilespmem:s31], [sflag:$0x5] =	stream.linear.gather [hbm4b:s4+s3], $0x28, $0x38;
	[tilespmem:$0xD000] =	vst v63  }
0xab: {  	s5 =	rddreg [dreg:$0xa];
	s8 =	simm.s32 $0x280;
	s10 =	sadd.s32 s25, s30  }
0xac: {  	[tilespmem:s8], [sflag:$0x6] =	stream.linear.gather [hbm4b:s10+s3], $0x28, $0x38;
	[tilespmem:$0xD000] =	vst v63  }
0xad: {  	s11 =	sadd.s32 s25, s5;
	s30 =	rddreg [dreg:$0x9];
	s21 =	simm.s32 $0x300  }
0xae: {  	[tilespmem:s21], [sflag:$0x7] =	stream.linear.gather [hbm4b:s11+s3], $0x28, $0x38;
	[tilespmem:$0xD000] =	vst v63  }
0xaf: {  	s26 =	rddreg [dreg:$0x8];
	s5 =	sadd.s32 s25, s30;
	s10 =	simm.s32 $0x380  }
0xb0: {  	[tilespmem:s10], [sflag:$0x8] =	stream.linear.gather [hbm4b:s5+s3], $0x28, $0x38;
	[tilespmem:$0xD000] =	vst v63  }
0xb1: {  	s30 =	rddreg [dreg:$0x7];
	s11 =	sadd.s32 s25, s26  }
0xb2: {  	[tilespmem:s12], [sflag:$0x9] =	stream.linear.gather [hbm4b:s11+s3], $0x28, $0x38;
	[tilespmem:$0xD000] =	vst v63  }
0xb3: {  	s26 =	sadd.s32 s25, s30;
	s30 =	simm.s32 $0x480  }
0xb4: {  	[tilespmem:s30], [sflag:$0xA] =	stream.linear.gather [hbm4b:s26+s3], $0x28, $0x38;
	[tilespmem:$0xD000] =	vst v63  }
0xb5: {  	_ =	swait.ge [sflag:s18], $0x28  }
0xb6: {  	[sflag:s18] =	ssyncset.done $0x0  }
0xb7: {  	[sflag:s18] =	ssyncadd.s32 $0xFFFFFFD8  }
0xb8: {  	[tilespmem:s16], [sflag:$0xB] =	stream.indirect.gather [hbm4b:s1+s15], $0x80, s3, s15, $0xb8;
	[tilespmem:$0xD000] =	vst v63  }
0xb9: {  	_ =	swait.ge [sflag:s20], $0x28  }
0xba: {  	[sflag:s20] =	ssyncset.done $0x0  }
0xbb: {  	s26 =	simm.s32 $0x1C00;
	[sflag:s20] =	ssyncadd.s32 $0xFFFFFFD8  }
0xbc: {  	[tilespmem:s26], [sflag:$0xC] =	stream.indirect.gather [hbm4b:s1+s15], $0x80, s9, s15, $0xb8;
	[tilespmem:$0xD000] =	vst v63  }
0xbd: {  	_ =	swait.ge [sflag:s24], $0x28  }
0xbe: {  	[sflag:s24] =	ssyncset.done $0x0  }
0xbf: {  	s9 =	simm.s32 $0x3000;
	[sflag:s24] =	ssyncadd.s32 $0xFFFFFFD8  }
0xc0: {  	[tilespmem:s9], [sflag:$0xD] =	stream.indirect.gather [hbm4b:s1+s15], $0x80, s6, s15, $0xb8;
	[tilespmem:$0xD000] =	vst v63  }
0xc1: {  	_ =	swait.ge [sflag:s29], $0x28  }
0xc2: {  	[sflag:s29] =	ssyncset.done $0x0  }
0xc3: {  	s6 =	simm.s32 $0x4400;
	[sflag:s29] =	ssyncadd.s32 $0xFFFFFFD8  }
0xc4: {  	[tilespmem:s6], [sflag:$0xE] =	stream.indirect.gather [hbm4b:s1+s15], $0x80, s13, s15, $0xb8;
	[tilespmem:$0xD000] =	vst v63  }
0xc5: {  	_ =	swait.ge [sflag:s0], $0x28  }
0xc6: {  	[sflag:s0] =	ssyncset.done $0x0  }
0xc7: {  	s13 =	simm.s32 $0x5800;
	[sflag:s0] =	ssyncadd.s32 $0xFFFFFFD8  }
0xc8: {  	[tilespmem:s13], [sflag:$0xF] =	stream.indirect.gather [hbm4b:s1+s15], $0x80, s31, s15, $0xb8;
	[tilespmem:$0xD000] =	vst v63  }
0xc9: {  	_ =	swait.ge [sflag:s14], $0x28  }
0xca: {  	[sflag:s14] =	ssyncset.done $0x0  }
0xcb: {  	s11 =	simm.s32 $0x6C00;
	[sflag:s14] =	ssyncadd.s32 $0xFFFFFFD8  }
0xcc: {  	[tilespmem:s11], [sflag:$0x10] =	stream.indirect.gather [hbm4b:s1+s15], $0x80, s8, s15, $0xb8;
	[tilespmem:$0xD000] =	vst v63  }
0xcd: {  	_ =	swait.ge [sflag:s19], $0x28  }
0xce: {  	[sflag:s19] =	ssyncset.done $0x0  }
0xcf: {  	s5 =	simm.s32 $0x8000;
	[sflag:s19] =	ssyncadd.s32 $0xFFFFFFD8  }
0xd0: {  	[tilespmem:s5], [sflag:$0x11] =	stream.indirect.gather [hbm4b:s1+s15], $0x80, s21, s15, $0xb8;
	[tilespmem:$0xD000] =	vst v63  }
0xd1: {  	_ =	swait.ge [sflag:s7], $0x28  }
0xd2: {  	[sflag:s7] =	ssyncset.done $0x0  }
0xd3: {  	s8 =	simm.s32 $0x9400;
	[sflag:s7] =	ssyncadd.s32 $0xFFFFFFD8  }
0xd4: {  	[tilespmem:s8], [sflag:$0x12] =	stream.indirect.gather [hbm4b:s1+s15], $0x80, s10, s15, $0xb8;
	[tilespmem:$0xD000] =	vst v63  }
0xd5: {  	_ =	swait.ge [sflag:s22], $0x28  }
0xd6: {  	[sflag:s22] =	ssyncset.done $0x0  }
0xd7: {  	s4 =	simm.s32 $0xA800;
	s31 =	simm.s32 $0xA;
	[sflag:s22] =	ssyncadd.s32 $0xFFFFFFD8  }
0xd8: {  	[tilespmem:s4], [sflag:$0x13] =	stream.indirect.gather [hbm4b:s1+s15], $0x80, s12, s15, $0xb8;
	[tilespmem:$0xD000] =	vst v63  }
0xd9: {  	_ =	swait.ge [sflag:s31], $0x28  }
0xda: {  	[sflag:s31] =	ssyncset.done $0x0  }
0xdb: {  	s2 =	simm.s32 $0xB;
	s21 =	simm.s32 $0xBC00;
	[sflag:s31] =	ssyncadd.s32 $0xFFFFFFD8  }
0xdc: {  	[tilespmem:s21], [sflag:$0x14] =	stream.indirect.gather [hbm4b:s1+s15], $0x80, s30, s15, $0xb8;
	[tilespmem:$0xD000] =	vst v63  }
0xdd: {  	_ =	swait.ge [sflag:s2], $0x1400  }
0xde: {  	s28 =	smov.u32 s23;
	s10 =	rddreg [dreg:$0x4];
	[sflag:s2] =	ssyncset.done $0x0  }
0xdf: {  	[sflag:s2] =	ssyncadd.s32 $0xFFFFEC00;
	s28 =	sadd.s32 s28, s10;
	s10 =	simm.s32 $0xC  }
0xe0: {  	[hbm4b:s28+s12] =	stream.strided.scatter [tilespmem:s16], [sflag:$0x15], $0x1400, s16, s12, $0x38;
	[tilespmem:$0xD000] =	vst v63  }
0xe1: {  	_ =	swait.ge [sflag:s10], $0x1400  }
0xe2: {  	[sflag:s10] =	ssyncset.done $0x0  }
0xe3: {  	s31 =	sadd.s32 $0x80, s28;
	[sflag:s10] =	ssyncadd.s32 $0xFFFFEC00;
	s10 =	simm.s32 $0xD  }
0xe4: {  	[hbm4b:s31+s12] =	stream.strided.scatter [tilespmem:s26], [sflag:$0x16], $0x1400, s16, s12, $0x38;
	[tilespmem:$0xD000] =	vst v63  }
0xe5: {  	_ =	swait.ge [sflag:s10], $0x1400  }
0xe6: {  	[sflag:s10] =	ssyncset.done $0x0  }
0xe7: {  	s26 =	sadd.s32 $0x500, s28;
	s31 =	simm.s32 $0xE;
	[sflag:s10] =	ssyncadd.s32 $0xFFFFEC00  }
0xe8: {  	[hbm4b:s26+s12] =	stream.strided.scatter [tilespmem:s9], [sflag:$0x17], $0x1400, s16, s12, $0x38;
	[tilespmem:$0xD000] =	vst v63  }
0xe9: {  	_ =	swait.ge [sflag:s31], $0x1400  }
0xea: {  	[sflag:s31] =	ssyncset.done $0x0  }
0xeb: {  	s10 =	simm.s32 $0xF;
	s9 =	sadd.s32 $0x580, s28;
	[sflag:s31] =	ssyncadd.s32 $0xFFFFEC00  }
0xec: {  	[hbm4b:s9+s12] =	stream.strided.scatter [tilespmem:s6], [sflag:$0x18], $0x1400, s16, s12, $0x38;
	[tilespmem:$0xD000] =	vst v63  }
0xed: {  	_ =	swait.ge [sflag:s10], $0x1400  }
0xee: {  	[sflag:s10] =	ssyncset.done $0x0  }
0xef: {  	s26 =	sadd.s32 $0xA00, s28;
	s31 =	simm.s32 $0x10;
	[sflag:s10] =	ssyncadd.s32 $0xFFFFEC00  }
0xf0: {  	[hbm4b:s26+s12] =	stream.strided.scatter [tilespmem:s13], [sflag:$0x19], $0x1400, s16, s12, $0x38;
	[tilespmem:$0xD000] =	vst v63  }
0xf1: {  	_ =	swait.ge [sflag:s31], $0x1400  }
0xf2: {  	[sflag:s31] =	ssyncset.done $0x0  }
0xf3: {  	s6 =	sadd.s32 $0xA80, s28;
	s9 =	simm.s32 $0x11;
	[sflag:s31] =	ssyncadd.s32 $0xFFFFEC00  }
0xf4: {  	[hbm4b:s6+s12] =	stream.strided.scatter [tilespmem:s11], [sflag:$0x1A], $0x1400, s16, s12, $0x38;
	[tilespmem:$0xD000] =	vst v63  }
0xf5: {  	_ =	swait.ge [sflag:s9], $0x1400  }
0xf6: {  	[sflag:s9] =	ssyncset.done $0x0  }
0xf7: {  	s10 =	sadd.s32 $0xF00, s28;
	s11 =	simm.s32 $0x12;
	[sflag:s9] =	ssyncadd.s32 $0xFFFFEC00  }
0xf8: {  	[hbm4b:s10+s12] =	stream.strided.scatter [tilespmem:s5], [sflag:$0x1B], $0x1400, s16, s12, $0x38;
	[tilespmem:$0xD000] =	vst v63  }
0xf9: {  	_ =	swait.ge [sflag:s11], $0x1400  }
0xfa: {  	[sflag:s11] =	ssyncset.done $0x0  }
0xfb: {  	s13 =	sadd.s32 $0xF80, s28;
	s26 =	simm.s32 $0x13;
	[sflag:s11] =	ssyncadd.s32 $0xFFFFEC00  }
0xfc: {  	[hbm4b:s13+s12] =	stream.strided.scatter [tilespmem:s8], [sflag:$0x1C], $0x1400, s16, s12, $0x38;
	[tilespmem:$0xD000] =	vst v63  }
0xfd: {  	_ =	swait.ge [sflag:s26], $0x1400  }
0xfe: {  	[sflag:s26] =	ssyncset.done $0x0  }
0xff: {  	s31 =	sadd.s32 $0x1400, s28;
	s5 =	simm.s32 $0x14;
	[sflag:s26] =	ssyncadd.s32 $0xFFFFEC00  }
0x100: {  	[hbm4b:s31+s12] =	stream.strided.scatter [tilespmem:s4], [sflag:$0x1D], $0x1400, s16, s12, $0x38;
	[tilespmem:$0xD000] =	vst v63  }
0x101: {  	_ =	swait.ge [sflag:s5], $0x1400  }
0x102: {  	[sflag:s5] =	ssyncset.done $0x0  }
0x103: {  	s6 =	sadd.s32 $0x1480, s28;
	s8 =	simm.s32 $0x15;
	[sflag:s5] =	ssyncadd.s32 $0xFFFFEC00  }
0x104: {  	[hbm4b:s6+s12] =	stream.strided.scatter [tilespmem:s21], [sflag:$0x1E], $0x1400, s16, s12, $0x38;
	[tilespmem:$0xD000] =	vst v63  }
0x105: {  	_ =	swait.ge [sflag:s8], $0x1400  }
0x106: {  	[sflag:s8] =	ssyncset.done $0x0  }
0x107: {  	s9 =	simm.s32 $0x16;
	[sflag:s8] =	ssyncadd.s32 $0xFFFFEC00  }
0x108: {  	_ =	swait.ge [sflag:s9], $0x1400  }
0x109: {  	[sflag:s9] =	ssyncset.done $0x0  }
0x10a: {  	s10 =	simm.s32 $0x17;
	[sflag:s9] =	ssyncadd.s32 $0xFFFFEC00  }
0x10b: {  	_ =	swait.ge [sflag:s10], $0x1400  }
0x10c: {  	[sflag:s10] =	ssyncset.done $0x0  }
0x10d: {  	s11 =	simm.s32 $0x18;
	[sflag:s10] =	ssyncadd.s32 $0xFFFFEC00  }
0x10e: {  	_ =	swait.ge [sflag:s11], $0x1400  }
0x10f: {  	[sflag:s11] =	ssyncset.done $0x0  }
0x110: {  	s13 =	simm.s32 $0x19;
	[sflag:s11] =	ssyncadd.s32 $0xFFFFEC00  }
0x111: {  	_ =	swait.ge [sflag:s13], $0x1400  }
0x112: {  	[sflag:s13] =	ssyncset.done $0x0  }
0x113: {  	s21 =	simm.s32 $0x1A;
	[sflag:s13] =	ssyncadd.s32 $0xFFFFEC00  }
0x114: {  	_ =	swait.ge [sflag:s21], $0x1400  }
0x115: {  	[sflag:s21] =	ssyncset.done $0x0  }
0x116: {  	s26 =	simm.s32 $0x1B;
	[sflag:s21] =	ssyncadd.s32 $0xFFFFEC00  }
0x117: {  	_ =	swait.ge [sflag:s26], $0x1400  }
0x118: {  	[sflag:s26] =	ssyncset.done $0x0  }
0x119: {  	s28 =	simm.s32 $0x1C;
	[sflag:s26] =	ssyncadd.s32 $0xFFFFEC00  }
0x11a: {  	_ =	swait.ge [sflag:s28], $0x1400  }
0x11b: {  	p0 =	sne.s32 s23, $0x25800;
	[sflag:s28] =	ssyncset.done $0x0  }
.Ltmp0:
0x11c: {  	s31 =	simm.s32 $0x1D;
	[sflag:s28] =	ssyncadd.s32 $0xFFFFEC00;
	(pc) =	sbr.rel @p0 .LBB2_2-.Ltmp0, $4  }
0x11d: {  	_ =	swait.ge [sflag:s31], $0x1400  }
0x11e: {  	[sflag:s31] =	ssyncset.done $0x0  }
0x11f: {  	[sflag:s31] =	ssyncadd.s32 $0xFFFFEC00  }
0x120: {  	s23 =	sadd.s32 $0x1900, s23;
	_ =	swait.ge [sflag:s17], $0x1400  }
0x121: {  	s23 =	rddreg [dreg:$0x10]  }
0x122: {  	s0 =	simm.s32 $0x1E;
	s2 =	rddreg [dreg:$0xf];
	s4 =	simm.s32 $0x100  }
0x123: {  	s6 =	simm.s32 $0x180;
	s7 =	simm.s32 $0x200;
	s8 =	simm.s32 $0x280  }
0x124: {  	s9 =	simm.s32 $0x300;
	s10 =	simm.s32 $0x380;
	s11 =	simm.s32 $0x1  }
0x125: {  	s13 =	simm.s32 $0x2;
	s18 =	simm.s32 $0x1C00;
	s23 =	sadd.s32 $0x1, s23  }
0x126: {  	s20 =	simm.s32 $0x3;
	s22 =	simm.s32 $0x3000;
	p0 =	sne.s32 s23, s2  }
.Ltmp1:
0x127: {  	s24 =	simm.s32 $0x4;
	s29 =	simm.s32 $0x4400;
	(pc) =	sbr.rel @p0 .LBB2_1-.Ltmp1, $4  }
0x128: {  	s5 =	simm.s32 $0x5800;
	s14 =	simm.s32 $0x6;
	s17 =	simm.s32 $0x6C00  }
0x129: {  	s19 =	simm.s32 $0x7;
	s21 =	simm.s32 $0x8000;
	s28 =	simm.s32 $0x8  }
0x12a: {  	s26 =	simm.s32 $0x9400;
	s31 =	simm.s32 $0x9;
	[sflag:s0] =	ssyncset.done $0x0  }
0x12b: {  	[sflag:s0] =	ssyncadd.s32 $0xFFFFEC00;
	s2 =	simm.s32 $0x80;
	s0 =	simm.s32 $0x5  }
0x12c: {  	_ =	sfence.sel $0x180000  }
0x12d: {  	[bflag:$0x0] =	sbarrier.arrive $0xFFFF  }
0x12e: {  	_ =	strace $0x90000047  }
0x12f: {  	s0 =	stileid.u32;
	[bflag:$0x2] =	sbarrier.arrive $0xFFFF  }
0x130: {  	p0 =	sne.s32 s0, $0x0;
	s0 =	rddreg [dreg:$0x3]  }
0x131: {  	s0 =	sadd.s32 @!p0 $0x100000, s0  }
0x132: {  	[sflag:s0] =	ssyncadd.tile.s32 @!p0 $0x1;
	_ =	shalt  }
.Lfunc_end2:
_tile_overlayer_lowered:
.L_overlay_start_2:
0x133: {  	(tag) =	ssettag $0x2  }
0x134: {  	s0 =	rddreg [dreg:$0x0];
	s2 =	stileid.u32  }
0x135: {  	s1 =	rddreg [dreg:$0x1];
	p0 =	sne.s32 s2, $0x0  }
0x136: {  	s3 =	rddreg [dreg:$0x2];
	[bflag:$0x3] =	sbarrier.arrive $0xFFFF;
	s2 =	simm.s32 @!p0 $0x1C1F  }
0x137: {  	[timem:s3], [sflag:s2] =	dma.local @!p0 [hbm:s0], s1  }
0x138: {  	s0 =	simm.s32 @!p0 $0x1F  }
0x139: {  	_ =	swait.ge @!p0 [sflag:s0], s1  }
0x13a: {  	s1 =	ssub.s32 @!p0 $0x0, s1;
	[sflag:s0] =	ssyncset.done @!p0 $0x0  }
0x13b: {  	[sflag:s0] =	ssyncadd.s32 @!p0 s1  }
0x13c: {  	[bflag:$0x3] =	sbarrier.arrive $0xFFFF  }
0x13d: {  	_ =	shalt  }

// kernel: kernel.9.cloned.1.call-start
scs
__scs_entry_jumppad:
0x0: {  	(pc) =	sbr.rel $0x88, $3  }
0x1: {  	(tag) =	ssettag $0x0;
	lr =	simm.s32 $0x1  }
0x2: {  	[smem:$0x3F96] =	sst lr;
	_ =	strace $0xD0000000  }
0x3: {  	_ = 	snop  }
0x4: {  	_ = 	snop  }
0x5: {  	_ = 	snop  }
0x6: {  	_ = 	snop  }
0x7: {  	_ = 	snop  }
__scs_overlays_trampoline_lowered:
0x8: {  	[smem:$0x3FA5] =	sst s0  }
0x9: {  	[smem:$0x3FA6] =	sst s1  }
0xa: {  	[smem:$0x3FA7] =	sst s2  }
0xb: {  	[smem:$0x3FA8] =	sst s3  }
0xc: {  	[smem:$0x3FA9] =	sst s4  }
0xd: {  	[smem:$0x3FAA] =	sst s5  }
0xe: {  	[smem:$0x3FAB] =	sst s6  }
0xf: {  	[smem:$0x3FAC] =	sst s7  }
0x10: {  	[smem:$0x3FAD] =	sst s8  }
0x11: {  	[smem:$0x3FAE] =	sst s9;
	s0 =	simm.s32 @!p0 $0x0  }
0x12: {  	s1 =	sld [smem:$0x3F94];
	s0 =	simm.s32 @p0 $0x1  }
0x13: {  	[smem:$0x3FAF] =	sst s0;
	s0 =	simm.s32 @!p1 $0x0  }
0x14: {  	s2 =	sld [smem:$0x3F93];
	s0 =	simm.s32 @p1 $0x1  }
0x15: {  	[smem:$0x3FB0] =	sst s0;
	s0 =	simm.s32 @!p2 $0x0  }
0x16: {  	s3 =	sld [smem:$0x3FDB];
	s0 =	simm.s32 @p2 $0x1  }
0x17: {  	s4 =	simm.s32 $0x1BF5;
	[smem:$0x3FB2] =	sst s0  }
0x18: {  	s0 =	sld [smem:$0x3F95];
	_ =	swait.ge [sflag:s4], $0x0  }
0x19: {  	s7 =	sld [smem:$0x3F96]  }
0x1a: {  	s8 =	sadd.s32 $0xFFFFE003, lr  }
0x1b: {  	s9 =	sadd.s32 $0xFFFFFEF7, lr;
	s5 =	simm.s32 $0xFFFFFFFF;
	p2 =	slt.u32 s8, $0xFFFFF086  }
0x1c: {  	p1 =	slt.u32 s9, $0xF7A;
	s5 =	simm.s32 @!p2 $0x0  }
0x1d: {  	s5 =	simm.s32 @p1 $0x1;
	p0 =	seq.s32 s7, s2  }
0x1e: {  	s7 =	smul.u32 @!p0 $0xF7A, s2;
	p2 =	seq.s32 @!p0 s5, $0x0  }
0x1f: {  	s9 =	smul.u32 $0xF7A, s1;
	s8 =	simm.s32 @!p0 $0x1BF5;
	p2 =	por !p2, p0  }
0x20: {  	[sflag:s8] =	ssyncset.s32 @!p0 $0xFFFFF086;
	s6 =	sadd.s32 @!p0 s3, s7;
	s7 =	simm.s32 @!p0 $0x108  }
0x21: {  	s3 =	sadd.s32 s3, s9;
	s6 =	sadd.s32 @!p0 $0x88, s6;
	s7 =	simm.s32 @p2 $0x1082  }
0x22: {  	[simem:s7], [sflag:s8] =	dma.local @!p0 [hbm:s6], $0xF7A  }
0x23: {  	s9 =	sor.u32 $0xD0000000, s2;
	s6 =	simm.s32 $0x108;
	_ =	swait.ge @!p0 [sflag:s8], $0x0  }
0x24: {  	s3 =	sadd.s32 $0x88, s3;
	s6 =	simm.s32 @!p1 $0x1082;
	[sflag:s4] =	ssyncset.s32 $0xFFFFF086  }
0x25: {  	[simem:s6], [sflag:s4] =	dma.local [hbm:s3], $0xF7A  }
0x26: {  	[smem:$0x3F96] =	sst s1;
	(tag) =	ssettag s2;
	_ =	strace s9  }
0x27: {  	s1 =	sld [smem:$0x3FA6]  }
0x28: {  	s2 =	sld [smem:$0x3FA7]  }
0x29: {  	s4 =	sld [smem:$0x3FA9]  }
0x2a: {  	p0 =	seq.s32 s5, $0x0;
	s5 =	sld [smem:$0x3FAA]  }
0x2b: {  	s6 =	sld [smem:$0x3FAB]  }
0x2c: {  	s7 =	sld [smem:$0x3FAC]  }
0x2d: {  	s3 =	simm.s32 $0x108;
	s8 =	sld [smem:$0x3FAD]  }
0x2e: {  	s3 =	simm.s32 @!p0 $0x1082;
	s9 =	sld [smem:$0x3FAE]  }
0x2f: {  	lr =	sadd.s32 s0, s3;
	s0 =	sld [smem:$0x3FA5]  }
0x30: {  	s3 =	sld [smem:$0x3FA8]  }
0x31: {  	[smem:$0x3FB1] =	sst s10  }
0x32: {  	s10 =	sld [smem:$0x3FAF];
	_ =	sdelay $0x3  }
0x33: {  	p0 =	seq.s32 s10, $0x1;
	s10 =	sld [smem:$0x3FB1];
	_ =	sdelay $0x3  }
0x34: {  	[smem:$0x3FB1] =	sst s10  }
0x35: {  	s10 =	sld [smem:$0x3FB0];
	_ =	sdelay $0x3  }
0x36: {  	p1 =	seq.s32 s10, $0x1;
	s10 =	sld [smem:$0x3FB1];
	_ =	sdelay $0x3  }
0x37: {  	[smem:$0x3FB1] =	sst s10  }
0x38: {  	s10 =	sld [smem:$0x3FB2]  }
0x39: {  	_ = 	snop;
	(pc) =	sbr.ind lr, $3  }
0x3a: {  	_ = 	snop  }
0x3b: {  	_ = 	snop  }
0x3c: {  	p2 =	seq.s32 s10, $0x1;
	s10 =	sld [smem:$0x3FB1]  }
0x3d: {  	_ =	shalt  }
0x3e: {  	_ =	shalt  }
0x3f: {  	_ =	shalt  }
0x40: {  	_ =	shalt  }
0x41: {  	_ =	shalt  }
0x42: {  	_ =	shalt  }
0x43: {  	_ =	shalt  }
0x44: {  	_ =	shalt  }
0x45: {  	_ =	shalt  }
0x46: {  	_ =	shalt  }
0x47: {  	_ =	shalt  }
0x48: {  	_ =	shalt  }
0x49: {  	_ =	shalt  }
0x4a: {  	_ =	shalt  }
0x4b: {  	_ =	shalt  }
0x4c: {  	_ =	shalt  }
0x4d: {  	_ =	shalt  }
0x4e: {  	_ =	shalt  }
0x4f: {  	_ =	shalt  }
0x50: {  	_ =	shalt  }
0x51: {  	_ =	shalt  }
0x52: {  	_ =	shalt  }
0x53: {  	_ =	shalt  }
0x54: {  	_ =	shalt  }
0x55: {  	_ =	shalt  }
0x56: {  	_ =	shalt  }
0x57: {  	_ =	shalt  }
0x58: {  	_ =	shalt  }
0x59: {  	_ =	shalt  }
0x5a: {  	_ =	shalt  }
0x5b: {  	_ =	shalt  }
0x5c: {  	_ =	shalt  }
0x5d: {  	_ =	shalt  }
0x5e: {  	_ =	shalt  }
0x5f: {  	_ =	shalt  }
0x60: {  	_ =	shalt  }
0x61: {  	_ =	shalt  }
0x62: {  	_ =	shalt  }
0x63: {  	_ =	shalt  }
0x64: {  	_ =	shalt  }
0x65: {  	_ =	shalt  }
0x66: {  	_ =	shalt  }
0x67: {  	_ =	shalt  }
0x68: {  	_ =	shalt  }
0x69: {  	_ =	shalt  }
0x6a: {  	_ =	shalt  }
0x6b: {  	_ =	shalt  }
0x6c: {  	_ =	shalt  }
0x6d: {  	_ =	shalt  }
0x6e: {  	_ =	shalt  }
0x6f: {  	_ =	shalt  }
0x70: {  	_ =	shalt  }
0x71: {  	_ =	shalt  }
0x72: {  	_ =	shalt  }
0x73: {  	_ =	shalt  }
0x74: {  	_ =	shalt  }
0x75: {  	_ =	shalt  }
0x76: {  	_ =	shalt  }
0x77: {  	_ =	shalt  }
0x78: {  	_ =	shalt  }
0x79: {  	_ =	shalt  }
0x7a: {  	_ =	shalt  }
0x7b: {  	_ =	shalt  }
0x7c: {  	_ =	shalt  }
0x7d: {  	_ =	shalt  }
0x7e: {  	_ =	shalt  }
0x7f: {  	_ =	shalt  }
0x80: {  	_ =	shalt  }
0x81: {  	_ =	shalt  }
0x82: {  	_ =	shalt  }
0x83: {  	_ =	shalt  }
0x84: {  	_ =	shalt  }
0x85: {  	_ =	shalt  }
0x86: {  	_ =	shalt  }
0x87: {  	_ =	shalt  }
.Lfunc_end0:
.L_simem_size_0:
called_computation.1_lowered:
.L_overlay_start_0:
0x88: {  	s2 =	sld [smem:$0x3FD9]  }
0x89: {  	s3 =	sld [smem:$0x3FFE];
	_ =	sdelay $0x1  }
0x8a: {  	s1 =	srdreg.scid  }
0x8b: {  	s0 =	sand.u32 $0x1, s1  }
0x8c: {  	s17 =	sshll.u32 s0, $0xA;
	s2 =	sadd.s32 s3, s2  }
0x8d: {  	s2 =	sadd.s32 s2, s17  }
0x8e: {  	[smem:$0x3FBD] =	sst s2  }
0x8f: {  	_ = 	snop  }
0x90: {  	s2 =	sld [smem:$0x3FC9];
	(tm) =	ssettm $0x1  }
0x91: {  	s18 =	sld [smem:$0x3FFB];
	_ =	sdelay $0x3  }
0x92: {  	_ =	strace s18  }
0x93: {  	s3 =	sld [smem:$0x3FFC];
	_ =	sdelay $0x3  }
0x94: {  	_ =	strace s3  }
0x95: {  	s3 =	sld [smem:$0x3FFD];
	_ =	sdelay $0x3  }
0x96: {  	_ =	strace s3  }
0x97: {  	_ =	strace $0x8FFFFFFF  }
0x98: {  	s19 =	sld [smem:$0x3FDB];
	_ =	sdelay $0x1  }
0x99: {  	s4 =	simm.s32 $_scs_section_size  }
0x9a: {  	s5 =	simm.s32 $_size__tile_overlayer_lowered;
	s6 =	simm.s32 $_tile_overlayer_lowered  }
0x9b: {  	s22 =	simm.s32 $0x1BFF;
	s21 =	sshll.u32 s6, $0x1;
	s3 =	sadd.s32 s4, s19  }
0x9c: {  	s7 =	simm.s32 $0x0;
	s20 =	sshll.u32 s5, $0x1;
	s5 =	sadd.s32 s21, s3  }
0x9d: {  	[timem:s7], [sflag:s22] =	dma.local [hbm:s5], s20  }
0x9e: {  	_ =	swait.ge [sflag:s22], s20  }
0x9f: {  	s4 =	ssub.s32 $0x0, s20;
	[sflag:s22] =	ssyncset.done $0x0  }
0xa0: {  	[sflag:s22] =	ssyncadd.s32 s4;
	_ =	sdelay $0x1  }
0xa1: {  	s23 =	simm.s32 $0x1B8B  }
0xa2: {  	_ =	swait.ge [sflag:s23], $0x1  }
0xa3: {  	[sflag:s23] =	ssyncset.done $0x0  }
0xa4: {  	s25 =	simm.s32 $0x1B8E;
	s24 =	sld [smem:$0x3FFE];
	[sflag:s23] =	ssyncadd.s32 $0xFFFFFFFF  }
0xa5: {  	s26 =	simm.s32 $execute0_lowered;
	[smem:$0x3FD2] =	sst s25  }
0xa6: {  	s5 =	sshll.u32 s26, $0x1;
	_ =	strace $0x80000049;
	[dreg:$0x1] =	wrdreg $0xFFFFFFFF  }
0xa7: {  	s28 =	simm.s32 $_size_execute0_lowered;
	s3 =	sadd.s32 s3, s5;
	[dreg:$0x0] =	wrdreg $0x0  }
0xa8: {  	s5 =	sshll.u32 s28, $0x1;
	[dreg:$0x2] =	wrdreg s3  }
0xa9: {  	[dreg:$0x3] =	wrdreg s5  }
0xaa: {  	[dreg:$0x4] =	wrdreg $0xC0  }
0xab: {  	_ =	task [dreg:s7], $0x5FFFF  }
0xac: {  	[dreg:$0x1] =	wrdreg $0xFFFFFFFF  }
0xad: {  	[dreg:$0x0] =	wrdreg $0x60  }
0xae: {  	[dreg:$0x2] =	wrdreg s2  }
0xaf: {  	[dreg:$0x3] =	wrdreg s24  }
0xb0: {  	[dreg:$0x4] =	wrdreg $0x9  }
0xb1: {  	_ =	task.clear_ibuf [dreg:s7], $0x5FFFF;
	_ =	strace $0x90000049  }
0xb2: {  	s29 =	simm.s32 $0x9;
	_ =	strace $0x8000004B  }
0xb3: {  	_ =	swait.ge [sflag:s29], $0x1  }
0xb4: {  	[sflag:s29] =	ssyncadd.s32 $0xFFFFFFFF  }
0xb5: {  	_ =	strace $0x9000004B  }
0xb6: {  	_ =	sfence  }
0xb7: {  	s30 =	sld [smem:$0x0];
	_ =	sdelay $0x2  }
0xb8: {  	s31 =	sshll.u32 s1, $0xD;
	s1 =	sshrl.u32 s1, $0x2  }
0xb9: {  	s3 =	sand.u32 $0x4000, s31;
	s1 =	sadd.s32 s1, s30  }
0xba: {  	s0 =	sor.u32 s3, s0;
	s1 =	sshll.u32 s1, $0x11  }
0xbb: {  	s0 =	sor.u32 s1, s0  }
0xbc: {  	s0 =	sadd.s32 $0x8F2B, s0  }
0xbd: {  	[sflag:s0] =	ssyncadd.remote.s32 $0x1  }
0xbe: {  	_ =	sfence.sel $0xFFFF  }
0xbf: {  	[dreg:$0x0] =	wrdreg $0xFFFFFFFF;
	(pc) =	sbr.abs _section_cstart, $3  }
0xc0: {  	[dreg:$0x1] =	wrdreg $0xFFFFFFFF  }
0xc1: {  	_ =	task.clear_ibuf [dreg:s7], $0x2FFFF;
	_ =	strace $0x9FFFFFFF  }
0xc2: {  	(tm) =	ssettm $0x7FFFFFFF  }
0xc3: {  	_ =	shalt  }
tec
execute0_lowered:
.L_overlay_start_1:
0x0: {  	(tag) =	ssettag $0x1  }
0x1: {  	s6 =	stileid.u32  }
0x2: {  	s0 =	srdreg.scid;
	s2 =	rddreg [dreg:$0x0]  }
0x3: {  	s4 =	rddreg [dreg:$0x1];
	s3 =	simm.s32 $0x0;
	s9 =	simm.s32 $0x300  }
0x4: {  	s30 =	simm.s32 $0x480;
	s29 =	simm.s32 $0x4400;
	s1 =	smul.u32 $0x4E200, s6  }
0x5: {  	s28 =	simm.s32 $0x8;
	s0 =	sand.u32 $0x1, s0;
	s6 =	smul.u32 $0x2710, s6  }
0x6: {  	[smem:$0x7FF] =	sst s3;
	s8 =	sadd.s32 $0x4ED800, s4;
	s5 =	smul.u32 $0x27100, s0  }
0x7: {  	s31 =	simm.s32 $0x9;
	s7 =	smul.u32 $0x1388, s0;
	_ =	strace $0x8000004A  }
0x8: {  	s0 =	ssub.s32 $0x2, s0;
	s1 =	sadd.s32 s1, s4;
	s4 =	sadd.s32 $0x4E8800, s4  }
0x9: {  	s24 =	sshrl.u32 s0, $0x1;
	s1 =	sadd.s32 s5, s1;
	s10 =	sadd.s32 s7, s6  }
0xa: {  	s0 =	ssub.s32 s0, s24;
	s24 =	simm.s32 $0x4;
	s1 =	sadd.s32 $0x4F2800, s1  }
0xb: {  	s6 =	sshrl.u32 s10, $0x3;
	s7 =	sadd.s32 $0xA0, s10;
	s15 =	sadd.s32 $0x78, s10  }
0xc: {  	s19 =	sadd.s32 $0x50, s10;
	s5 =	sadd.s32 $0x28, s10;
	s0 =	smax.u32 s0, $0x1  }
0xd: {  	s10 =	simm.s32 $0x380;
	[dreg:$0x3] =	wrdreg s1;
	s11 =	sadd.s32 s6, s4  }
0xe: {  	s12 =	sadd.s32 s6, s8;
	s13 =	sshrl.u32 s7, $0x3;
	s17 =	sshrl.u32 s15, $0x3  }
0xf: {  	s21 =	sshrl.u32 s19, $0x3;
	s5 =	sshrl.u32 s5, $0x3;
	[dreg:$0xe] =	wrdreg s0  }
0x10: {  	s1 =	simm.s32 $0x80;
	s6 =	simm.s32 $0x180;
	s7 =	simm.s32 $0x200  }
0x11: {  	s15 =	simm.s32 $0x28;
	s0 =	simm.s32 $0x5;
	[dreg:$0x4] =	wrdreg s11  }
0x12: {  	s19 =	simm.s32 $0x7;
	[dreg:$0x5] =	wrdreg s12;
	s14 =	sadd.s32 s13, s4  }
0x13: {  	s16 =	sadd.s32 s13, s8;
	s18 =	sadd.s32 s17, s4;
	[dreg:$0x6] =	wrdreg s14  }
0x14: {  	s20 =	sadd.s32 s17, s8;
	s22 =	sadd.s32 s21, s4;
	[dreg:$0x7] =	wrdreg s16  }
0x15: {  	s23 =	sadd.s32 s21, s8;
	s25 =	sadd.s32 s5, s4;
	[dreg:$0x8] =	wrdreg s18  }
0x16: {  	s26 =	sadd.s32 s5, s8;
	s4 =	simm.s32 $0x100;
	[dreg:$0x9] =	wrdreg s20  }
0x17: {  	s8 =	simm.s32 $0x280;
	s12 =	simm.s32 $0x400;
	[dreg:$0xa] =	wrdreg s22  }
0x18: {  	s11 =	simm.s32 $0x1;
	s13 =	simm.s32 $0x2;
	[dreg:$0xb] =	wrdreg s23  }
0x19: {  	s5 =	simm.s32 $0x5800;
	s17 =	simm.s32 $0x6C00;
	[dreg:$0xc] =	wrdreg s25  }
0x1a: {  	s21 =	simm.s32 $0x8000;
	[dreg:$0xd] =	wrdreg s26;
	s16 =	simm.s32 $0x800  }
0x1b: {  	s18 =	simm.s32 $0x1C00;
	s20 =	simm.s32 $0x3;
	s22 =	simm.s32 $0x3000  }
0x1c: {  	s14 =	simm.s32 $0x6;
	s26 =	simm.s32 $0x9400;
	s23 =	simm.s32 $0x0  }
.LBB2_1:
0x1d: {  	[dreg:$0xf] =	wrdreg s23  }
0x1e: {  	s23 =	rddreg [dreg:$0x5]  }
0x1f: {  	s25 =	rddreg [dreg:$0x4];
	s23 =	sadd.s32 $0x0, s23  }
0x20: {  	[tilespmem:s3], [sflag:$0x1] =	stream.linear.gather [hbm4b:s23+s3], $0x28, $0x38;
	[tilespmem:$0xD000] =	vst v63  }
0x21: {  	s25 =	sadd.s32 $0x0, s25;
	s23 =	rddreg [dreg:$0xd]  }
0x22: {  	[tilespmem:s1], [sflag:$0x2] =	stream.linear.gather [hbm4b:s25+s3], $0x28, $0x38;
	[tilespmem:$0xD000] =	vst v63  }
0x23: {  	s23 =	sadd.s32 $0x0, s23;
	s25 =	rddreg [dreg:$0xc]  }
0x24: {  	[tilespmem:s4], [sflag:$0x3] =	stream.linear.gather [hbm4b:s23+s3], $0x28, $0x38;
	[tilespmem:$0xD000] =	vst v63  }
0x25: {  	s25 =	sadd.s32 $0x0, s25;
	s23 =	rddreg [dreg:$0xb]  }
0x26: {  	[tilespmem:s6], [sflag:$0x4] =	stream.linear.gather [hbm4b:s25+s3], $0x28, $0x38;
	[tilespmem:$0xD000] =	vst v63  }
0x27: {  	s23 =	sadd.s32 $0x0, s23;
	s25 =	rddreg [dreg:$0xa]  }
0x28: {  	[tilespmem:s7], [sflag:$0x5] =	stream.linear.gather [hbm4b:s23+s3], $0x28, $0x38;
	[tilespmem:$0xD000] =	vst v63  }
0x29: {  	s25 =	sadd.s32 $0x0, s25;
	s23 =	rddreg [dreg:$0x9]  }
0x2a: {  	[tilespmem:s8], [sflag:$0x6] =	stream.linear.gather [hbm4b:s25+s3], $0x28, $0x38;
	[tilespmem:$0xD000] =	vst v63  }
0x2b: {  	s23 =	sadd.s32 $0x0, s23;
	s25 =	rddreg [dreg:$0x8]  }
0x2c: {  	[tilespmem:s9], [sflag:$0x7] =	stream.linear.gather [hbm4b:s23+s3], $0x28, $0x38;
	[tilespmem:$0xD000] =	vst v63  }
0x2d: {  	s25 =	sadd.s32 $0x0, s25;
	s23 =	rddreg [dreg:$0x7]  }
0x2e: {  	[tilespmem:s10], [sflag:$0x8] =	stream.linear.gather [hbm4b:s25+s3], $0x28, $0x38;
	[tilespmem:$0xD000] =	vst v63  }
0x2f: {  	s23 =	sadd.s32 $0x0, s23;
	s25 =	rddreg [dreg:$0x6]  }
0x30: {  	[tilespmem:s12], [sflag:$0x9] =	stream.linear.gather [hbm4b:s23+s3], $0x28, $0x38;
	[tilespmem:$0xD000] =	vst v63  }
0x31: {  	s25 =	sadd.s32 $0x0, s25  }
0x32: {  	[tilespmem:s30], [sflag:$0xA] =	stream.linear.gather [hbm4b:s25+s3], $0x28, $0x38;
	[tilespmem:$0xD000] =	vst v63  }
0x33: {  	_ =	swait.ge [sflag:s11], $0x28  }
0x34: {  	[sflag:s11] =	ssyncset.done $0x0  }
0x35: {  	[sflag:s11] =	ssyncadd.s32 $0xFFFFFFD8  }
0x36: {  	[tilespmem:s16], [sflag:$0xB] =	stream.indirect.gather [hbm4b:s2+s15], $0x80, s3, s15, $0xb8;
	[tilespmem:$0xD000] =	vst v63  }
0x37: {  	_ =	swait.ge [sflag:s13], $0x28  }
0x38: {  	[sflag:s13] =	ssyncset.done $0x0  }
0x39: {  	[sflag:s13] =	ssyncadd.s32 $0xFFFFFFD8  }
0x3a: {  	[tilespmem:s18], [sflag:$0xC] =	stream.indirect.gather [hbm4b:s2+s15], $0x80, s1, s15, $0xb8;
	[tilespmem:$0xD000] =	vst v63  }
0x3b: {  	_ =	swait.ge [sflag:s20], $0x28  }
0x3c: {  	[sflag:s20] =	ssyncset.done $0x0  }
0x3d: {  	[sflag:s20] =	ssyncadd.s32 $0xFFFFFFD8  }
0x3e: {  	[tilespmem:s22], [sflag:$0xD] =	stream.indirect.gather [hbm4b:s2+s15], $0x80, s4, s15, $0xb8;
	[tilespmem:$0xD000] =	vst v63  }
0x3f: {  	_ =	swait.ge [sflag:s24], $0x28  }
0x40: {  	[sflag:s24] =	ssyncset.done $0x0  }
0x41: {  	[sflag:s24] =	ssyncadd.s32 $0xFFFFFFD8  }
0x42: {  	[tilespmem:s29], [sflag:$0xE] =	stream.indirect.gather [hbm4b:s2+s15], $0x80, s6, s15, $0xb8;
	[tilespmem:$0xD000] =	vst v63  }
0x43: {  	_ =	swait.ge [sflag:s0], $0x28  }
0x44: {  	[sflag:s0] =	ssyncset.done $0x0  }
0x45: {  	[sflag:s0] =	ssyncadd.s32 $0xFFFFFFD8  }
0x46: {  	[tilespmem:s5], [sflag:$0xF] =	stream.indirect.gather [hbm4b:s2+s15], $0x80, s7, s15, $0xb8;
	[tilespmem:$0xD000] =	vst v63  }
0x47: {  	_ =	swait.ge [sflag:s14], $0x28  }
0x48: {  	[sflag:s14] =	ssyncset.done $0x0  }
0x49: {  	[sflag:s14] =	ssyncadd.s32 $0xFFFFFFD8  }
0x4a: {  	[tilespmem:s17], [sflag:$0x10] =	stream.indirect.gather [hbm4b:s2+s15], $0x80, s8, s15, $0xb8;
	[tilespmem:$0xD000] =	vst v63  }
0x4b: {  	_ =	swait.ge [sflag:s19], $0x28  }
0x4c: {  	[sflag:s19] =	ssyncset.done $0x0  }
0x4d: {  	[sflag:s19] =	ssyncadd.s32 $0xFFFFFFD8  }
0x4e: {  	[tilespmem:s21], [sflag:$0x11] =	stream.indirect.gather [hbm4b:s2+s15], $0x80, s9, s15, $0xb8;
	[tilespmem:$0xD000] =	vst v63  }
0x4f: {  	_ =	swait.ge [sflag:s28], $0x28  }
0x50: {  	[sflag:s28] =	ssyncset.done $0x0  }
0x51: {  	[sflag:s28] =	ssyncadd.s32 $0xFFFFFFD8  }
0x52: {  	[tilespmem:s26], [sflag:$0x12] =	stream.indirect.gather [hbm4b:s2+s15], $0x80, s10, s15, $0xb8;
	[tilespmem:$0xD000] =	vst v63  }
0x53: {  	_ =	swait.ge [sflag:s31], $0x28  }
0x54: {  	[sflag:s31] =	ssyncset.done $0x0  }
0x55: {  	s13 =	simm.s32 $0xA;
	s0 =	simm.s32 $0xA800;
	[sflag:s31] =	ssyncadd.s32 $0xFFFFFFD8  }
0x56: {  	[tilespmem:s0], [sflag:$0x13] =	stream.indirect.gather [hbm4b:s2+s15], $0x80, s12, s15, $0xb8;
	[tilespmem:$0xD000] =	vst v63  }
0x57: {  	_ =	swait.ge [sflag:s13], $0x28  }
0x58: {  	[sflag:s13] =	ssyncset.done $0x0  }
0x59: {  	s1 =	simm.s32 $0xBC00;
	s14 =	simm.s32 $0xB;
	[sflag:s13] =	ssyncadd.s32 $0xFFFFFFD8  }
0x5a: {  	[tilespmem:s1], [sflag:$0x14] =	stream.indirect.gather [hbm4b:s2+s15], $0x80, s30, s15, $0xb8;
	[tilespmem:$0xD000] =	vst v63  }
0x5b: {  	_ =	swait.ge [sflag:s14], $0x1400  }
0x5c: {  	s19 =	rddreg [dreg:$0x3];
	[sflag:s14] =	ssyncset.done $0x0  }
0x5d: {  	s20 =	simm.s32 $0xC;
	[sflag:s14] =	ssyncadd.s32 $0xFFFFEC00;
	s23 =	sadd.s32 $0x0, s19  }
0x5e: {  	[hbm4b:s23+s12] =	stream.strided.scatter [tilespmem:s16], [sflag:$0x15], $0x1400, s16, s12, $0x38;
	[tilespmem:$0xD000] =	vst v63  }
0x5f: {  	_ =	swait.ge [sflag:s20], $0x1400  }
0x60: {  	[sflag:s20] =	ssyncset.done $0x0  }
0x61: {  	s28 =	simm.s32 $0xD;
	s24 =	sadd.s32 $0x80, s23;
	[sflag:s20] =	ssyncadd.s32 $0xFFFFEC00  }
0x62: {  	[hbm4b:s24+s12] =	stream.strided.scatter [tilespmem:s18], [sflag:$0x16], $0x1400, s16, s12, $0x38;
	[tilespmem:$0xD000] =	vst v63  }
0x63: {  	_ =	swait.ge [sflag:s28], $0x1400  }
0x64: {  	[sflag:s28] =	ssyncset.done $0x0  }
0x65: {  	s31 =	simm.s32 $0xE;
	s30 =	sadd.s32 $0x500, s23;
	[sflag:s28] =	ssyncadd.s32 $0xFFFFEC00  }
0x66: {  	[hbm4b:s30+s12] =	stream.strided.scatter [tilespmem:s22], [sflag:$0x17], $0x1400, s16, s12, $0x38;
	[tilespmem:$0xD000] =	vst v63  }
0x67: {  	_ =	swait.ge [sflag:s31], $0x1400  }
0x68: {  	[sflag:s31] =	ssyncset.done $0x0  }
0x69: {  	s6 =	simm.s32 $0xF;
	s4 =	sadd.s32 $0x580, s23;
	[sflag:s31] =	ssyncadd.s32 $0xFFFFEC00  }
0x6a: {  	[hbm4b:s4+s12] =	stream.strided.scatter [tilespmem:s29], [sflag:$0x18], $0x1400, s16, s12, $0x38;
	[tilespmem:$0xD000] =	vst v63  }
0x6b: {  	_ =	swait.ge [sflag:s6], $0x1400  }
0x6c: {  	[sflag:s6] =	ssyncset.done $0x0  }
0x6d: {  	s8 =	simm.s32 $0x10;
	s7 =	sadd.s32 $0xA00, s23;
	[sflag:s6] =	ssyncadd.s32 $0xFFFFEC00  }
0x6e: {  	[hbm4b:s7+s12] =	stream.strided.scatter [tilespmem:s5], [sflag:$0x19], $0x1400, s16, s12, $0x38;
	[tilespmem:$0xD000] =	vst v63  }
0x6f: {  	_ =	swait.ge [sflag:s8], $0x1400  }
0x70: {  	[sflag:s8] =	ssyncset.done $0x0  }
0x71: {  	s10 =	simm.s32 $0x11;
	s9 =	sadd.s32 $0xA80, s23;
	[sflag:s8] =	ssyncadd.s32 $0xFFFFEC00  }
0x72: {  	[hbm4b:s9+s12] =	stream.strided.scatter [tilespmem:s17], [sflag:$0x1A], $0x1400, s16, s12, $0x38;
	[tilespmem:$0xD000] =	vst v63  }
0x73: {  	_ =	swait.ge [sflag:s10], $0x1400  }
0x74: {  	[sflag:s10] =	ssyncset.done $0x0  }
0x75: {  	s13 =	simm.s32 $0x12;
	s11 =	sadd.s32 $0xF00, s23;
	[sflag:s10] =	ssyncadd.s32 $0xFFFFEC00  }
0x76: {  	[hbm4b:s11+s12] =	stream.strided.scatter [tilespmem:s21], [sflag:$0x1B], $0x1400, s16, s12, $0x38;
	[tilespmem:$0xD000] =	vst v63  }
0x77: {  	_ =	swait.ge [sflag:s13], $0x1400  }
0x78: {  	[sflag:s13] =	ssyncset.done $0x0  }
0x79: {  	s14 =	sadd.s32 $0xF80, s23;
	s17 =	simm.s32 $0x13;
	[sflag:s13] =	ssyncadd.s32 $0xFFFFEC00  }
0x7a: {  	[hbm4b:s14+s12] =	stream.strided.scatter [tilespmem:s26], [sflag:$0x1C], $0x1400, s16, s12, $0x38;
	[tilespmem:$0xD000] =	vst v63  }
0x7b: {  	_ =	swait.ge [sflag:s17], $0x1400  }
0x7c: {  	[sflag:s17] =	ssyncset.done $0x0  }
0x7d: {  	s19 =	simm.s32 $0x14;
	s18 =	sadd.s32 $0x1400, s23;
	[sflag:s17] =	ssyncadd.s32 $0xFFFFEC00  }
0x7e: {  	[hbm4b:s18+s12] =	stream.strided.scatter [tilespmem:s0], [sflag:$0x1D], $0x1400, s16, s12, $0x38;
	[tilespmem:$0xD000] =	vst v63  }
0x7f: {  	_ =	swait.ge [sflag:s19], $0x1400  }
0x80: {  	[sflag:s19] =	ssyncset.done $0x0  }
0x81: {  	s20 =	simm.s32 $0x15;
	s23 =	sadd.s32 $0x1480, s23;
	[sflag:s19] =	ssyncadd.s32 $0xFFFFEC00  }
0x82: {  	[hbm4b:s23+s12] =	stream.strided.scatter [tilespmem:s1], [sflag:$0x1E], $0x1400, s16, s12, $0x38;
	[tilespmem:$0xD000] =	vst v63  }
0x83: {  	_ =	swait.ge [sflag:s20], $0x1400  }
0x84: {  	[sflag:s20] =	ssyncset.done $0x0  }
0x85: {  	s21 =	simm.s32 $0x16;
	[sflag:s20] =	ssyncadd.s32 $0xFFFFEC00  }
0x86: {  	_ =	swait.ge [sflag:s21], $0x1400  }
0x87: {  	[sflag:s21] =	ssyncset.done $0x0  }
0x88: {  	s22 =	simm.s32 $0x17;
	[sflag:s21] =	ssyncadd.s32 $0xFFFFEC00  }
0x89: {  	_ =	swait.ge [sflag:s22], $0x1400  }
0x8a: {  	[sflag:s22] =	ssyncset.done $0x0  }
0x8b: {  	s23 =	simm.s32 $0x18;
	[sflag:s22] =	ssyncadd.s32 $0xFFFFEC00  }
0x8c: {  	_ =	swait.ge [sflag:s23], $0x1400  }
0x8d: {  	[sflag:s23] =	ssyncset.done $0x0  }
0x8e: {  	s24 =	simm.s32 $0x19;
	[sflag:s23] =	ssyncadd.s32 $0xFFFFEC00  }
0x8f: {  	_ =	swait.ge [sflag:s24], $0x1400  }
0x90: {  	[sflag:s24] =	ssyncset.done $0x0  }
0x91: {  	s25 =	simm.s32 $0x1A;
	[sflag:s24] =	ssyncadd.s32 $0xFFFFEC00  }
0x92: {  	_ =	swait.ge [sflag:s25], $0x1400  }
0x93: {  	[sflag:s25] =	ssyncset.done $0x0  }
0x94: {  	s26 =	simm.s32 $0x1B;
	[sflag:s25] =	ssyncadd.s32 $0xFFFFEC00  }
0x95: {  	_ =	swait.ge [sflag:s26], $0x1400  }
0x96: {  	[sflag:s26] =	ssyncset.done $0x0  }
0x97: {  	s28 =	simm.s32 $0x1C;
	[sflag:s26] =	ssyncadd.s32 $0xFFFFEC00  }
0x98: {  	s30 =	simm.s32 $0x1D;
	_ =	swait.ge [sflag:s28], $0x1400  }
0x99: {  	s31 =	simm.s32 $0x1E;
	s29 =	simm.s32 $0x4;
	[sflag:s28] =	ssyncset.done $0x0  }
0x9a: {  	s7 =	simm.s32 $0x8;
	s14 =	simm.s32 $0x6;
	[sflag:s28] =	ssyncadd.s32 $0xFFFFEC00  }
0x9b: {  	s18 =	simm.s32 $0x1;
	s0 =	simm.s32 $0x5;
	_ =	swait.ge [sflag:s30], $0x1400  }
0x9c: {  	s19 =	simm.s32 $0x7;
	s20 =	simm.s32 $0x2;
	[sflag:s30] =	ssyncset.done $0x0  }
0x9d: {  	s22 =	simm.s32 $0x9;
	s23 =	simm.s32 $0x1900;
	[sflag:s30] =	ssyncadd.s32 $0xFFFFEC00  }
0x9e: {  	s24 =	simm.s32 $0x3;
	s25 =	simm.s32 $0x0;
	_ =	swait.ge [sflag:s31], $0x1400  }
.LBB2_2:
0x9f: {  	s17 =	simm.s32 $0x1E  }
0xa0: {  	s30 =	rddreg [dreg:$0x5];
	s25 =	sadd.s32 $0x19, s25;
	[sflag:s17] =	ssyncset.done $0x0  }
0xa1: {  	s1 =	rddreg [dreg:$0x4];
	s30 =	sadd.s32 s25, s30;
	[sflag:s17] =	ssyncadd.s32 $0xFFFFEC00  }
0xa2: {  	[tilespmem:s3], [sflag:$0x1] =	stream.linear.gather [hbm4b:s30+s3], $0x28, $0x38;
	[tilespmem:$0xD000] =	vst v63  }
0xa3: {  	s4 =	rddreg [dreg:$0xd];
	s9 =	simm.s32 $0x80;
	s1 =	sadd.s32 s25, s1  }
0xa4: {  	[tilespmem:s9], [sflag:$0x2] =	stream.linear.gather [hbm4b:s1+s3], $0x28, $0x38;
	[tilespmem:$0xD000] =	vst v63  }
0xa5: {  	s6 =	simm.s32 $0x100;
	s21 =	sadd.s32 s25, s4;
	s30 =	rddreg [dreg:$0xc]  }
0xa6: {  	[tilespmem:s6], [sflag:$0x3] =	stream.linear.gather [hbm4b:s21+s3], $0x28, $0x38;
	[tilespmem:$0xD000] =	vst v63  }
0xa7: {  	s26 =	rddreg [dreg:$0xb];
	s13 =	simm.s32 $0x180;
	s31 =	sadd.s32 s25, s30  }
0xa8: {  	[tilespmem:s13], [sflag:$0x4] =	stream.linear.gather [hbm4b:s31+s3], $0x28, $0x38;
	[tilespmem:$0xD000] =	vst v63  }
0xa9: {  	s4 =	sadd.s32 s25, s26;
	s30 =	rddreg [dreg:$0xa];
	s31 =	simm.s32 $0x200  }
0xaa: {  	[tilespmem:s31], [sflag:$0x5] =	stream.linear.gather [hbm4b:s4+s3], $0x28, $0x38;
	[tilespmem:$0xD000] =	vst v63  }
0xab: {  	s5 =	rddreg [dreg:$0x9];
	s8 =	simm.s32 $0x280;
	s10 =	sadd.s32 s25, s30  }
0xac: {  	[tilespmem:s8], [sflag:$0x6] =	stream.linear.gather [hbm4b:s10+s3], $0x28, $0x38;
	[tilespmem:$0xD000] =	vst v63  }
0xad: {  	s11 =	sadd.s32 s25, s5;
	s30 =	rddreg [dreg:$0x8];
	s21 =	simm.s32 $0x300  }
0xae: {  	[tilespmem:s21], [sflag:$0x7] =	stream.linear.gather [hbm4b:s11+s3], $0x28, $0x38;
	[tilespmem:$0xD000] =	vst v63  }
0xaf: {  	s26 =	rddreg [dreg:$0x7];
	s5 =	sadd.s32 s25, s30;
	s10 =	simm.s32 $0x380  }
0xb0: {  	[tilespmem:s10], [sflag:$0x8] =	stream.linear.gather [hbm4b:s5+s3], $0x28, $0x38;
	[tilespmem:$0xD000] =	vst v63  }
0xb1: {  	s30 =	rddreg [dreg:$0x6];
	s11 =	sadd.s32 s25, s26  }
0xb2: {  	[tilespmem:s12], [sflag:$0x9] =	stream.linear.gather [hbm4b:s11+s3], $0x28, $0x38;
	[tilespmem:$0xD000] =	vst v63  }
0xb3: {  	s26 =	sadd.s32 s25, s30;
	s30 =	simm.s32 $0x480  }
0xb4: {  	[tilespmem:s30], [sflag:$0xA] =	stream.linear.gather [hbm4b:s26+s3], $0x28, $0x38;
	[tilespmem:$0xD000] =	vst v63  }
0xb5: {  	_ =	swait.ge [sflag:s18], $0x28  }
0xb6: {  	[sflag:s18] =	ssyncset.done $0x0  }
0xb7: {  	[sflag:s18] =	ssyncadd.s32 $0xFFFFFFD8  }
0xb8: {  	[tilespmem:s16], [sflag:$0xB] =	stream.indirect.gather [hbm4b:s2+s15], $0x80, s3, s15, $0xb8;
	[tilespmem:$0xD000] =	vst v63  }
0xb9: {  	_ =	swait.ge [sflag:s20], $0x28  }
0xba: {  	[sflag:s20] =	ssyncset.done $0x0  }
0xbb: {  	s26 =	simm.s32 $0x1C00;
	[sflag:s20] =	ssyncadd.s32 $0xFFFFFFD8  }
0xbc: {  	[tilespmem:s26], [sflag:$0xC] =	stream.indirect.gather [hbm4b:s2+s15], $0x80, s9, s15, $0xb8;
	[tilespmem:$0xD000] =	vst v63  }
0xbd: {  	_ =	swait.ge [sflag:s24], $0x28  }
0xbe: {  	[sflag:s24] =	ssyncset.done $0x0  }
0xbf: {  	s9 =	simm.s32 $0x3000;
	[sflag:s24] =	ssyncadd.s32 $0xFFFFFFD8  }
0xc0: {  	[tilespmem:s9], [sflag:$0xD] =	stream.indirect.gather [hbm4b:s2+s15], $0x80, s6, s15, $0xb8;
	[tilespmem:$0xD000] =	vst v63  }
0xc1: {  	_ =	swait.ge [sflag:s29], $0x28  }
0xc2: {  	[sflag:s29] =	ssyncset.done $0x0  }
0xc3: {  	s6 =	simm.s32 $0x4400;
	[sflag:s29] =	ssyncadd.s32 $0xFFFFFFD8  }
0xc4: {  	[tilespmem:s6], [sflag:$0xE] =	stream.indirect.gather [hbm4b:s2+s15], $0x80, s13, s15, $0xb8;
	[tilespmem:$0xD000] =	vst v63  }
0xc5: {  	_ =	swait.ge [sflag:s0], $0x28  }
0xc6: {  	[sflag:s0] =	ssyncset.done $0x0  }
0xc7: {  	s13 =	simm.s32 $0x5800;
	[sflag:s0] =	ssyncadd.s32 $0xFFFFFFD8  }
0xc8: {  	[tilespmem:s13], [sflag:$0xF] =	stream.indirect.gather [hbm4b:s2+s15], $0x80, s31, s15, $0xb8;
	[tilespmem:$0xD000] =	vst v63  }
0xc9: {  	_ =	swait.ge [sflag:s14], $0x28  }
0xca: {  	[sflag:s14] =	ssyncset.done $0x0  }
0xcb: {  	s11 =	simm.s32 $0x6C00;
	[sflag:s14] =	ssyncadd.s32 $0xFFFFFFD8  }
0xcc: {  	[tilespmem:s11], [sflag:$0x10] =	stream.indirect.gather [hbm4b:s2+s15], $0x80, s8, s15, $0xb8;
	[tilespmem:$0xD000] =	vst v63  }
0xcd: {  	_ =	swait.ge [sflag:s19], $0x28  }
0xce: {  	[sflag:s19] =	ssyncset.done $0x0  }
0xcf: {  	s5 =	simm.s32 $0x8000;
	[sflag:s19] =	ssyncadd.s32 $0xFFFFFFD8  }
0xd0: {  	[tilespmem:s5], [sflag:$0x11] =	stream.indirect.gather [hbm4b:s2+s15], $0x80, s21, s15, $0xb8;
	[tilespmem:$0xD000] =	vst v63  }
0xd1: {  	_ =	swait.ge [sflag:s7], $0x28  }
0xd2: {  	[sflag:s7] =	ssyncset.done $0x0  }
0xd3: {  	s8 =	simm.s32 $0x9400;
	[sflag:s7] =	ssyncadd.s32 $0xFFFFFFD8  }
0xd4: {  	[tilespmem:s8], [sflag:$0x12] =	stream.indirect.gather [hbm4b:s2+s15], $0x80, s10, s15, $0xb8;
	[tilespmem:$0xD000] =	vst v63  }
0xd5: {  	_ =	swait.ge [sflag:s22], $0x28  }
0xd6: {  	[sflag:s22] =	ssyncset.done $0x0  }
0xd7: {  	s4 =	simm.s32 $0xA800;
	s31 =	simm.s32 $0xA;
	[sflag:s22] =	ssyncadd.s32 $0xFFFFFFD8  }
0xd8: {  	[tilespmem:s4], [sflag:$0x13] =	stream.indirect.gather [hbm4b:s2+s15], $0x80, s12, s15, $0xb8;
	[tilespmem:$0xD000] =	vst v63  }
0xd9: {  	_ =	swait.ge [sflag:s31], $0x28  }
0xda: {  	[sflag:s31] =	ssyncset.done $0x0  }
0xdb: {  	s1 =	simm.s32 $0xB;
	s21 =	simm.s32 $0xBC00;
	[sflag:s31] =	ssyncadd.s32 $0xFFFFFFD8  }
0xdc: {  	[tilespmem:s21], [sflag:$0x14] =	stream.indirect.gather [hbm4b:s2+s15], $0x80, s30, s15, $0xb8;
	[tilespmem:$0xD000] =	vst v63  }
0xdd: {  	_ =	swait.ge [sflag:s1], $0x1400  }
0xde: {  	s28 =	smov.u32 s23;
	s10 =	rddreg [dreg:$0x3];
	[sflag:s1] =	ssyncset.done $0x0  }
0xdf: {  	[sflag:s1] =	ssyncadd.s32 $0xFFFFEC00;
	s28 =	sadd.s32 s28, s10;
	s10 =	simm.s32 $0xC  }
0xe0: {  	[hbm4b:s28+s12] =	stream.strided.scatter [tilespmem:s16], [sflag:$0x15], $0x1400, s16, s12, $0x38;
	[tilespmem:$0xD000] =	vst v63  }
0xe1: {  	_ =	swait.ge [sflag:s10], $0x1400  }
0xe2: {  	[sflag:s10] =	ssyncset.done $0x0  }
0xe3: {  	s31 =	sadd.s32 $0x80, s28;
	[sflag:s10] =	ssyncadd.s32 $0xFFFFEC00;
	s10 =	simm.s32 $0xD  }
0xe4: {  	[hbm4b:s31+s12] =	stream.strided.scatter [tilespmem:s26], [sflag:$0x16], $0x1400, s16, s12, $0x38;
	[tilespmem:$0xD000] =	vst v63  }
0xe5: {  	_ =	swait.ge [sflag:s10], $0x1400  }
0xe6: {  	[sflag:s10] =	ssyncset.done $0x0  }
0xe7: {  	s26 =	sadd.s32 $0x500, s28;
	s31 =	simm.s32 $0xE;
	[sflag:s10] =	ssyncadd.s32 $0xFFFFEC00  }
0xe8: {  	[hbm4b:s26+s12] =	stream.strided.scatter [tilespmem:s9], [sflag:$0x17], $0x1400, s16, s12, $0x38;
	[tilespmem:$0xD000] =	vst v63  }
0xe9: {  	_ =	swait.ge [sflag:s31], $0x1400  }
0xea: {  	[sflag:s31] =	ssyncset.done $0x0  }
0xeb: {  	s10 =	simm.s32 $0xF;
	s9 =	sadd.s32 $0x580, s28;
	[sflag:s31] =	ssyncadd.s32 $0xFFFFEC00  }
0xec: {  	[hbm4b:s9+s12] =	stream.strided.scatter [tilespmem:s6], [sflag:$0x18], $0x1400, s16, s12, $0x38;
	[tilespmem:$0xD000] =	vst v63  }
0xed: {  	_ =	swait.ge [sflag:s10], $0x1400  }
0xee: {  	[sflag:s10] =	ssyncset.done $0x0  }
0xef: {  	s26 =	sadd.s32 $0xA00, s28;
	s31 =	simm.s32 $0x10;
	[sflag:s10] =	ssyncadd.s32 $0xFFFFEC00  }
0xf0: {  	[hbm4b:s26+s12] =	stream.strided.scatter [tilespmem:s13], [sflag:$0x19], $0x1400, s16, s12, $0x38;
	[tilespmem:$0xD000] =	vst v63  }
0xf1: {  	_ =	swait.ge [sflag:s31], $0x1400  }
0xf2: {  	[sflag:s31] =	ssyncset.done $0x0  }
0xf3: {  	s6 =	sadd.s32 $0xA80, s28;
	s9 =	simm.s32 $0x11;
	[sflag:s31] =	ssyncadd.s32 $0xFFFFEC00  }
0xf4: {  	[hbm4b:s6+s12] =	stream.strided.scatter [tilespmem:s11], [sflag:$0x1A], $0x1400, s16, s12, $0x38;
	[tilespmem:$0xD000] =	vst v63  }
0xf5: {  	_ =	swait.ge [sflag:s9], $0x1400  }
0xf6: {  	[sflag:s9] =	ssyncset.done $0x0  }
0xf7: {  	s10 =	sadd.s32 $0xF00, s28;
	s11 =	simm.s32 $0x12;
	[sflag:s9] =	ssyncadd.s32 $0xFFFFEC00  }
0xf8: {  	[hbm4b:s10+s12] =	stream.strided.scatter [tilespmem:s5], [sflag:$0x1B], $0x1400, s16, s12, $0x38;
	[tilespmem:$0xD000] =	vst v63  }
0xf9: {  	_ =	swait.ge [sflag:s11], $0x1400  }
0xfa: {  	[sflag:s11] =	ssyncset.done $0x0  }
0xfb: {  	s13 =	sadd.s32 $0xF80, s28;
	s26 =	simm.s32 $0x13;
	[sflag:s11] =	ssyncadd.s32 $0xFFFFEC00  }
0xfc: {  	[hbm4b:s13+s12] =	stream.strided.scatter [tilespmem:s8], [sflag:$0x1C], $0x1400, s16, s12, $0x38;
	[tilespmem:$0xD000] =	vst v63  }
0xfd: {  	_ =	swait.ge [sflag:s26], $0x1400  }
0xfe: {  	[sflag:s26] =	ssyncset.done $0x0  }
0xff: {  	s31 =	sadd.s32 $0x1400, s28;
	s5 =	simm.s32 $0x14;
	[sflag:s26] =	ssyncadd.s32 $0xFFFFEC00  }
0x100: {  	[hbm4b:s31+s12] =	stream.strided.scatter [tilespmem:s4], [sflag:$0x1D], $0x1400, s16, s12, $0x38;
	[tilespmem:$0xD000] =	vst v63  }
0x101: {  	_ =	swait.ge [sflag:s5], $0x1400  }
0x102: {  	[sflag:s5] =	ssyncset.done $0x0  }
0x103: {  	s6 =	sadd.s32 $0x1480, s28;
	s8 =	simm.s32 $0x15;
	[sflag:s5] =	ssyncadd.s32 $0xFFFFEC00  }
0x104: {  	[hbm4b:s6+s12] =	stream.strided.scatter [tilespmem:s21], [sflag:$0x1E], $0x1400, s16, s12, $0x38;
	[tilespmem:$0xD000] =	vst v63  }
0x105: {  	_ =	swait.ge [sflag:s8], $0x1400  }
0x106: {  	[sflag:s8] =	ssyncset.done $0x0  }
0x107: {  	s9 =	simm.s32 $0x16;
	[sflag:s8] =	ssyncadd.s32 $0xFFFFEC00  }
0x108: {  	_ =	swait.ge [sflag:s9], $0x1400  }
0x109: {  	[sflag:s9] =	ssyncset.done $0x0  }
0x10a: {  	s10 =	simm.s32 $0x17;
	[sflag:s9] =	ssyncadd.s32 $0xFFFFEC00  }
0x10b: {  	_ =	swait.ge [sflag:s10], $0x1400  }
0x10c: {  	[sflag:s10] =	ssyncset.done $0x0  }
0x10d: {  	s11 =	simm.s32 $0x18;
	[sflag:s10] =	ssyncadd.s32 $0xFFFFEC00  }
0x10e: {  	_ =	swait.ge [sflag:s11], $0x1400  }
0x10f: {  	[sflag:s11] =	ssyncset.done $0x0  }
0x110: {  	s13 =	simm.s32 $0x19;
	[sflag:s11] =	ssyncadd.s32 $0xFFFFEC00  }
0x111: {  	_ =	swait.ge [sflag:s13], $0x1400  }
0x112: {  	[sflag:s13] =	ssyncset.done $0x0  }
0x113: {  	s21 =	simm.s32 $0x1A;
	[sflag:s13] =	ssyncadd.s32 $0xFFFFEC00  }
0x114: {  	_ =	swait.ge [sflag:s21], $0x1400  }
0x115: {  	[sflag:s21] =	ssyncset.done $0x0  }
0x116: {  	s26 =	simm.s32 $0x1B;
	[sflag:s21] =	ssyncadd.s32 $0xFFFFEC00  }
0x117: {  	_ =	swait.ge [sflag:s26], $0x1400  }
0x118: {  	[sflag:s26] =	ssyncset.done $0x0  }
0x119: {  	s28 =	simm.s32 $0x1C;
	[sflag:s26] =	ssyncadd.s32 $0xFFFFEC00  }
0x11a: {  	_ =	swait.ge [sflag:s28], $0x1400  }
0x11b: {  	p0 =	sne.s32 s23, $0x25800;
	[sflag:s28] =	ssyncset.done $0x0  }
.Ltmp0:
0x11c: {  	s31 =	simm.s32 $0x1D;
	[sflag:s28] =	ssyncadd.s32 $0xFFFFEC00;
	(pc) =	sbr.rel @p0 .LBB2_2-.Ltmp0, $4  }
0x11d: {  	_ =	swait.ge [sflag:s31], $0x1400  }
0x11e: {  	[sflag:s31] =	ssyncset.done $0x0  }
0x11f: {  	[sflag:s31] =	ssyncadd.s32 $0xFFFFEC00  }
0x120: {  	s23 =	sadd.s32 $0x1900, s23;
	_ =	swait.ge [sflag:s17], $0x1400  }
0x121: {  	s23 =	rddreg [dreg:$0xf]  }
0x122: {  	s0 =	simm.s32 $0x1E;
	s1 =	rddreg [dreg:$0xe];
	s4 =	simm.s32 $0x100  }
0x123: {  	s6 =	simm.s32 $0x180;
	s7 =	simm.s32 $0x200;
	s8 =	simm.s32 $0x280  }
0x124: {  	s9 =	simm.s32 $0x300;
	s10 =	simm.s32 $0x380;
	s11 =	simm.s32 $0x1  }
0x125: {  	s13 =	simm.s32 $0x2;
	s18 =	simm.s32 $0x1C00;
	s23 =	sadd.s32 $0x1, s23  }
0x126: {  	s20 =	simm.s32 $0x3;
	s22 =	simm.s32 $0x3000;
	p0 =	sne.s32 s23, s1  }
.Ltmp1:
0x127: {  	s24 =	simm.s32 $0x4;
	s29 =	simm.s32 $0x4400;
	(pc) =	sbr.rel @p0 .LBB2_1-.Ltmp1, $4  }
0x128: {  	s5 =	simm.s32 $0x5800;
	s14 =	simm.s32 $0x6;
	s17 =	simm.s32 $0x6C00  }
0x129: {  	s19 =	simm.s32 $0x7;
	s21 =	simm.s32 $0x8000;
	s28 =	simm.s32 $0x8  }
0x12a: {  	s26 =	simm.s32 $0x9400;
	s31 =	simm.s32 $0x9;
	[sflag:s0] =	ssyncset.done $0x0  }
0x12b: {  	[sflag:s0] =	ssyncadd.s32 $0xFFFFEC00;
	s1 =	simm.s32 $0x80;
	s0 =	simm.s32 $0x5  }
0x12c: {  	_ =	sfence.sel $0x180000  }
0x12d: {  	[bflag:$0x0] =	sbarrier.arrive $0xFFFF  }
0x12e: {  	_ =	strace $0x9000004A  }
0x12f: {  	s0 =	stileid.u32;
	[bflag:$0x2] =	sbarrier.arrive $0xFFFF  }
0x130: {  	p0 =	sne.s32 s0, $0x0;
	s0 =	rddreg [dreg:$0x2]  }
0x131: {  	s0 =	sadd.s32 @!p0 $0x100000, s0  }
0x132: {  	[sflag:s0] =	ssyncadd.tile.s32 @!p0 $0x1;
	_ =	shalt  }
.Lfunc_end2:
_tile_overlayer_lowered:
.L_overlay_start_2:
0x133: {  	(tag) =	ssettag $0x2  }
0x134: {  	s0 =	rddreg [dreg:$0x0];
	s2 =	stileid.u32  }
0x135: {  	s1 =	rddreg [dreg:$0x1];
	p0 =	sne.s32 s2, $0x0  }
0x136: {  	s3 =	rddreg [dreg:$0x2];
	[bflag:$0x3] =	sbarrier.arrive $0xFFFF;
	s2 =	simm.s32 @!p0 $0x1C1F  }
0x137: {  	[timem:s3], [sflag:s2] =	dma.local @!p0 [hbm:s0], s1  }
0x138: {  	s0 =	simm.s32 @!p0 $0x1F  }
0x139: {  	_ =	swait.ge @!p0 [sflag:s0], s1  }
0x13a: {  	s1 =	ssub.s32 @!p0 $0x0, s1;
	[sflag:s0] =	ssyncset.done @!p0 $0x0  }
0x13b: {  	[sflag:s0] =	ssyncadd.s32 @!p0 s1  }
0x13c: {  	[bflag:$0x3] =	sbarrier.arrive $0xFFFF  }
0x13d: {  	_ =	shalt  }

</sc_bundles>
